<compile_context>
chip_gen: v7x
topology: tpu7x:2x2x1
jax: 0.10.2.dev20260603
libtpu: 0.0.44.dev20260713+nightly
codegen_flags: <defaults>
</compile_context>

<pallas_src>
import functools

import jax
import jax.numpy as jnp
from jax import lax
from jax.experimental import pallas as pl
from jax.experimental.pallas import tpu as pltpu
from jax.experimental.pallas import tpu_sc as plsc

_N = 10000
_E = 320000
_F = 128
_NSUB = 16
_EPW = _E // _NSUB
_C = 160
_NCH = _EPW // _C
_NPAD = 10240
_RPW = _NPAD // _NSUB


_HALF = (_NCH - 1) // 2


def _sc_aggregate(x_A, x_B, src_ab, dst_ab, src_ba, dst_ba):
    mesh = plsc.VectorSubcoreMesh(core_axis_name="c", subcore_axis_name="s")

    @functools.partial(
        pl.kernel,
        out_type=[
            jax.ShapeDtypeStruct((_NPAD, _F), jnp.float32),
            jax.ShapeDtypeStruct((_NPAD, _F), jnp.float32),
            jax.ShapeDtypeStruct((_NPAD, _F), jnp.float32),
            jax.ShapeDtypeStruct((_NPAD, _F), jnp.float32),
        ],
        mesh=mesh,
        scratch_types=[
            pltpu.VMEM((_C,), jnp.int32),
            pltpu.VMEM((_C,), jnp.int32),
            pltpu.VMEM((_C,), jnp.int32),
            pltpu.VMEM((_C,), jnp.int32),
            pltpu.VMEM((_C, _F), jnp.float32),
            pltpu.VMEM((_C, _F), jnp.float32),
            pltpu.VMEM_SHARED((_NPAD, _F), jnp.float32),
            pltpu.SemaphoreType.DMA,
            pltpu.SemaphoreType.DMA,
        ],
    )
    def body(xa_hbm, xb_hbm, sab_hbm, dab_hbm, sba_hbm, dba_hbm,
             aggA_hbm, aggB_hbm, degA_hbm, degB_hbm,
             is0, id0, is1, id1, rows0, rows1, s_agg, sem0, sem1):
        cid = lax.axis_index("c")
        sid = lax.axis_index("s")

        def fill_rows0(val16):
            def fill(r, _):
                for j in range(_F // 16):
                    rows0[r, pl.ds(j * 16, 16)] = val16
                return 0
            lax.fori_loop(0, _C, fill, 0)

        def zero_acc(s_agg):
            def z(i, _):
                pltpu.sync_copy(rows0,
                                s_agg.at[pl.ds(sid * _RPW + i * _C, _C), :])
                return 0
            lax.fori_loop(0, _RPW // _C, z, 0)

        def writeout(s_agg, dst_hbm):
            pltpu.sync_copy(s_agg.at[pl.ds(sid * _RPW, _RPW), :],
                            dst_hbm.at[pl.ds(sid * _RPW, _RPW), :])

        def run(src_hbm, dst_hbm, x_hbm, agg_hbm, deg_hbm):
            def load_pair(k, is_b, id_b):
                base = sid * _EPW + k * _C
                pltpu.sync_copy(src_hbm.at[pl.ds(base, _C)], is_b)
                pltpu.sync_copy(dst_hbm.at[pl.ds(base, _C)], id_b)

            def load_pair2(k, is_b):
                base = sid * _EPW + k * _C
                pltpu.sync_copy(src_hbm.at[pl.ds(base, _C)], is_b)

            def load_dst(k, id_b):
                base = sid * _EPW + k * _C
                pltpu.sync_copy(dst_hbm.at[pl.ds(base, _C)], id_b)

            fill_rows0(jnp.zeros((16,), jnp.float32))
            zero_acc(s_agg)
            plsc.subcore_barrier()

            load_pair(0, is0, id0)
            pltpu.async_copy(x_hbm.at[is0], rows0, sem0)
            load_pair(1, is1, id1)
            pltpu.async_copy(x_hbm.at[is1], rows1, sem1)

            def p1(j, _):
                pltpu.make_async_copy(x_hbm.at[is0], rows0, sem0).wait()
                pltpu.async_copy(rows0, s_agg.at[id0], sem0, add=True)
                load_pair2(2 * j + 2, is0)
                pltpu.make_async_copy(rows0, s_agg.at[id0], sem0).wait()
                pltpu.sync_copy(dst_hbm.at[pl.ds(sid * _EPW + (2 * j + 2) * _C, _C)], id0)
                pltpu.async_copy(x_hbm.at[is0], rows0, sem0)

                pltpu.make_async_copy(x_hbm.at[is1], rows1, sem1).wait()
                pltpu.async_copy(rows1, s_agg.at[id1], sem1, add=True)

                @pl.when(j < _HALF - 1)
                def _():
                    load_pair2(2 * j + 3, is1)
                pltpu.make_async_copy(rows1, s_agg.at[id1], sem1).wait()

                @pl.when(j < _HALF - 1)
                def _():
                    pltpu.sync_copy(dst_hbm.at[pl.ds(sid * _EPW + (2 * j + 3) * _C, _C)], id1)
                    pltpu.async_copy(x_hbm.at[is1], rows1, sem1)
                return 0
            lax.fori_loop(0, _HALF, p1, 0)

            pltpu.make_async_copy(x_hbm.at[is0], rows0, sem0).wait()
            pltpu.sync_copy(rows0, s_agg.at[id0], add=True)

            plsc.subcore_barrier()
            writeout(s_agg, agg_hbm)
            plsc.subcore_barrier()

            fill_rows0(jnp.zeros((16,), jnp.float32))
            zero_acc(s_agg)
            plsc.subcore_barrier()
            fill_rows0(jnp.full((16,), 1.0, jnp.float32))

            def p2(j, _):
                @pl.when(j > 0)
                def _():
                    pltpu.make_async_copy(rows0, s_agg.at[id0], sem0).wait()
                load_dst(2 * j, id0)
                pltpu.async_copy(rows0, s_agg.at[id0], sem0, add=True)

                @pl.when(j < _HALF)
                def _():
                    @pl.when(j > 0)
                    def _():
                        pltpu.make_async_copy(rows0, s_agg.at[id1], sem1).wait()
                    load_dst(2 * j + 1, id1)
                    pltpu.async_copy(rows0, s_agg.at[id1], sem1, add=True)
                return 0
            lax.fori_loop(0, _HALF + 1, p2, 0)

            pltpu.make_async_copy(rows0, s_agg.at[id0], sem0).wait()
            pltpu.make_async_copy(rows0, s_agg.at[id1], sem1).wait()

            plsc.subcore_barrier()
            writeout(s_agg, deg_hbm)

        @pl.when(cid == 0)
        def _():
            run(sab_hbm, dab_hbm, xa_hbm, aggB_hbm, degB_hbm)

        @pl.when(cid == 1)
        def _():
            run(sba_hbm, dba_hbm, xb_hbm, aggA_hbm, degA_hbm)

    return body(x_A, x_B, src_ab, dst_ab, src_ba, dst_ba)


def _tc_pre(x_A, x_B, Ws_A, Ws_B, bs_A, bs_B, wl_A, wr_A, wl_B, wr_B, consts):
    BLK = 2000
    grid = _N // BLK

    def elu(x):
        return jnp.where(x > 0, x, jnp.exp(jnp.minimum(x, 0.0)) - 1.0)

    def body(xa, xb, WsA, WsB, bsA, bsB, wlA, wrA, wlB, wrB, cst,
             za_o, zb_o, atA_o, atB_o, hrA_o, hrB_o):
        clA, crA, clB, crB = cst[0, 0], cst[0, 1], cst[0, 2], cst[0, 3]
        dot = functools.partial(jnp.dot, preferred_element_type=jnp.float32)
        za = dot(xa[...], WsA[...]) + bsA[...]
        zb = dot(xb[...], WsB[...]) + bsB[...]
        hlA = jnp.sum(za * wlA[...], axis=1, keepdims=True) + clA
        hrA = jnp.sum(za * wrA[...], axis=1, keepdims=True) + crA
        hlB = jnp.sum(zb * wlB[...], axis=1, keepdims=True) + clB
        hrB = jnp.sum(zb * wrB[...], axis=1, keepdims=True) + crB
        za_o[...] = za
        zb_o[...] = zb
        atA_o[...] = elu(hlA + hrA)
        atB_o[...] = elu(hlB + hrB)
        hrA_o[...] = hrA
        hrB_o[...] = hrB

    row_blk = pl.BlockSpec((BLK, _F), lambda i: (i, 0))
    w_blk = pl.BlockSpec((_F, _F), lambda i: (0, 0))
    v_blk = pl.BlockSpec((1, _F), lambda i: (0, 0))
    c_blk = pl.BlockSpec((1, 4), lambda i: (0, 0))
    n_blk = pl.BlockSpec((BLK, 1), lambda i: (i, 0))

    return pl.pallas_call(
        body,
        grid=(grid,),
        in_specs=[row_blk, row_blk, w_blk, w_blk, v_blk, v_blk,
                  v_blk, v_blk, v_blk, v_blk, c_blk],
        out_specs=[row_blk, row_blk, n_blk, n_blk, n_blk, n_blk],
        out_shape=[jax.ShapeDtypeStruct((_N, _F), jnp.float32),
                   jax.ShapeDtypeStruct((_N, _F), jnp.float32),
                   jax.ShapeDtypeStruct((_N, 1), jnp.float32),
                   jax.ShapeDtypeStruct((_N, 1), jnp.float32),
                   jax.ShapeDtypeStruct((_N, 1), jnp.float32),
                   jax.ShapeDtypeStruct((_N, 1), jnp.float32)],
    )(x_A, x_B, Ws_A, Ws_B, bs_A, bs_B, wl_A, wr_A, wl_B, wr_B, consts)


def _tc_post(za, zb, attsA, attsB, hrA, hrB, agg_A, agg_B, deg_A, deg_B,
             Wc_ab, Wc_ba, bc_ab, bc_ba, wl_A, wl_B, consts):
    BLK = 2000
    grid = _N // BLK

    def elu(x):
        return jnp.where(x > 0, x, jnp.exp(jnp.minimum(x, 0.0)) - 1.0)

    def body(za_r, zb_r, atA_r, atB_r, hrA_r, hrB_r, ga, gb, da, db,
             Wcab, Wcba, bcab, bcba, wlA, wlB, cst, out):
        clA, clB = cst[0, 0], cst[0, 2]
        dot = functools.partial(jnp.dot, preferred_element_type=jnp.float32)
        dA = dot(ga[...] / jnp.maximum(da[..., 0:1], 1.0), Wcba[...]) + bcba[...]
        dB = dot(gb[...] / jnp.maximum(db[..., 0:1], 1.0), Wcab[...]) + bcab[...]
        eA = elu(jnp.sum(dA * wlA[...], axis=1, keepdims=True) + clA + hrA_r[...])
        eB = elu(jnp.sum(dB * wlB[...], axis=1, keepdims=True) + clB + hrB_r[...])
        attsA = atA_r[...]
        attsB = atB_r[...]
        mA = jnp.maximum(attsA, eA)
        p0A, p1A = jnp.exp(attsA - mA), jnp.exp(eA - mA)
        sA = p0A + p1A
        mB = jnp.maximum(attsB, eB)
        p0B, p1B = jnp.exp(attsB - mB), jnp.exp(eB - mB)
        sB = p0B + p1B
        out[0] = elu(za_r[...] * (p0A / sA) + dA * (p1A / sA))
        out[1] = elu(zb_r[...] * (p0B / sB) + dB * (p1B / sB))

    row_blk = pl.BlockSpec((BLK, _F), lambda i: (i, 0))
    n_blk = pl.BlockSpec((BLK, 1), lambda i: (i, 0))
    w_blk = pl.BlockSpec((_F, _F), lambda i: (0, 0))
    v_blk = pl.BlockSpec((1, _F), lambda i: (0, 0))
    c_blk = pl.BlockSpec((1, 4), lambda i: (0, 0))

    return pl.pallas_call(
        body,
        grid=(grid,),
        in_specs=[row_blk, row_blk, n_blk, n_blk, n_blk, n_blk,
                  row_blk, row_blk, row_blk, row_blk,
                  w_blk, w_blk, v_blk, v_blk, v_blk, v_blk, c_blk],
        out_specs=pl.BlockSpec((2, BLK, _F), lambda i: (0, i, 0)),
        out_shape=jax.ShapeDtypeStruct((2, _N, _F), jnp.float32),
    )(za, zb, attsA, attsB, hrA, hrB, agg_A, agg_B, deg_A, deg_B,
      Wc_ab, Wc_ba, bc_ab, bc_ba, wl_A, wl_B, consts)


def kernel(x_A, x_B, edge_ab, edge_ba, Ws_A, bs_A, Ws_B, bs_B, Wq_A, bq_A,
           Wq_B, bq_B, Wk_A, bk_A, Wk_B, bk_B, Wal_A, bal_A, Wal_B, bal_B,
           War_A, bar_A, War_B, bar_B, Wc_ab, bc_ab, Wc_ba, bc_ba):
    wl_A = (Wk_A @ Wal_A).reshape(1, _F)
    wl_B = (Wk_B @ Wal_B).reshape(1, _F)
    wr_A = (Wq_A @ War_A).reshape(1, _F)
    wr_B = (Wq_B @ War_B).reshape(1, _F)
    cl_A = bk_A @ Wal_A + bal_A
    cl_B = bk_B @ Wal_B + bal_B
    cr_A = bq_A @ War_A + bar_A
    cr_B = bq_B @ War_B + bar_B
    consts = jnp.concatenate([cl_A, cr_A, cl_B, cr_B]).reshape(1, 4)

    agg_A, agg_B, deg_A, deg_B = _sc_aggregate(
        x_A, x_B, edge_ab[0], edge_ab[1], edge_ba[0], edge_ba[1])

    za, zb, attsA, attsB, hrA, hrB = _tc_pre(
        x_A, x_B, Ws_A, Ws_B, bs_A.reshape(1, _F), bs_B.reshape(1, _F),
        wl_A, wr_A, wl_B, wr_B, consts)

    return _tc_post(
        za, zb, attsA, attsB, hrA, hrB, agg_A, agg_B, deg_A, deg_B,
        Wc_ab, Wc_ba, bc_ab.reshape(1, _F), bc_ba.reshape(1, _F),
        wl_A, wl_B, consts)

# --- scband reference (transcript-rebuilt; emitter-appended) ---
"""Pipeline reference for scband-ie-hgcnconv-27118423507478 (READ-ONLY COPY).

The authoritative reference and input builder live on the scoring server;
editing this copy changes nothing except your own understanding.
"""

import jax, jax.numpy as jnp
import numpy as np

N = 10000
E = 320000
IN = 128
OUT = 128
ATTN = 32


def setup_inputs(seed: int = 0):
    key = jax.random.key(seed)
    ks = jax.random.split(key, 18)

    def p(k, shape, fan_in):
        return jax.random.normal(k, shape, dtype=jnp.float32) * (1.0 / float(np.sqrt(fan_in)))

    inp = {}
    inp['x_A'] = jax.random.normal(ks[0], (N, IN), dtype=jnp.float32)
    inp['x_B'] = jax.random.normal(ks[1], (N, IN), dtype=jnp.float32)
    inp['edge_ab'] = jax.random.randint(ks[2], (2, E), 0, N, dtype=jnp.int32)
    inp['edge_ba'] = jax.random.randint(ks[3], (2, E), 0, N, dtype=jnp.int32)
    inp['Ws_A'] = p(ks[4], (IN, OUT), IN)
    inp['bs_A'] = jnp.zeros((OUT,), jnp.float32)
    inp['Ws_B'] = p(ks[5], (IN, OUT), IN)
    inp['bs_B'] = jnp.zeros((OUT,), jnp.float32)
    inp['Wq_A'] = p(ks[6], (OUT, ATTN), OUT)
    inp['bq_A'] = jnp.zeros((ATTN,), jnp.float32)
    inp['Wq_B'] = p(ks[7], (OUT, ATTN), OUT)
    inp['bq_B'] = jnp.zeros((ATTN,), jnp.float32)
    inp['Wk_A'] = p(ks[8], (OUT, ATTN), OUT)
    inp['bk_A'] = jnp.zeros((ATTN,), jnp.float32)
    inp['Wk_B'] = p(ks[9], (OUT, ATTN), OUT)
    inp['bk_B'] = jnp.zeros((ATTN,), jnp.float32)
    inp['Wal_A'] = p(ks[10], (ATTN, 1), ATTN)
    inp['bal_A'] = jnp.zeros((1,), jnp.float32)
    inp['Wal_B'] = p(ks[11], (ATTN, 1), ATTN)
    inp['bal_B'] = jnp.zeros((1,), jnp.float32)
    inp['War_A'] = p(ks[12], (ATTN, 1), ATTN)
    inp['bar_A'] = jnp.zeros((1,), jnp.float32)
    inp['War_B'] = p(ks[13], (ATTN, 1), ATTN)
    inp['bar_B'] = jnp.zeros((1,), jnp.float32)
    inp['Wc_ab'] = p(ks[14], (IN, OUT), IN)
    inp['bc_ab'] = jnp.zeros((OUT,), jnp.float32)
    inp['Wc_ba'] = p(ks[15], (IN, OUT), IN)
    inp['bc_ba'] = jnp.zeros((OUT,), jnp.float32)
    return inp


def _graph_conv_right(x_src, edge, n_dst, W, b):
    # DGL GraphConv(norm='right', weight=True, bias=True, allow_zero_in_degree=True)
    # in_feats == out_feats -> aggregate first, then apply weight
    src = edge[0]
    dst = edge[1]
    msg = jnp.take(x_src, src, axis=0)
    agg = jax.ops.segment_sum(msg, dst, num_segments=n_dst)
    deg = jax.ops.segment_sum(jnp.ones((edge.shape[1],), x_src.dtype), dst, num_segments=n_dst)
    deg = jnp.clip(deg, 1.0, None)
    h = agg / deg[:, None]
    return h @ W + b


def _forward(x_A, x_B, edge_ab, edge_ba, Ws_A, bs_A, Ws_B, bs_B, Wq_A, bq_A, Wq_B, bq_B, Wk_A, bk_A, Wk_B, bk_B, Wal_A, bal_A, Wal_B, bal_B, War_A, bar_A, War_B, bar_B, Wc_ab, bc_ab, Wc_ba, bc_ba):
    elu = jax.nn.elu
    # W_self (HeteroLinear per ntype)
    z_A = x_A @ Ws_A + bs_A
    z_B = x_B @ Ws_B + bs_B
    # per-ntype query/key projections
    q_A = z_A @ Wq_A + bq_A
    q_B = z_B @ Wq_B + bq_B
    k_A = z_A @ Wk_A + bk_A
    k_B = z_B @ Wk_B + bk_B
    # W_al / W_ar (HeteroLinear attn_size -> 1)
    hl_A = k_A @ Wal_A + bal_A
    hl_B = k_B @ Wal_B + bal_B
    hr_A = q_A @ War_A + bar_A
    hr_B = q_B @ War_B + bar_B
    att_self_A = elu(hl_A + hr_A)
    att_self_B = elu(hl_B + hr_B)
    # canonical etype (A, ab, B): dst type B
    d_B = _graph_conv_right(x_A, edge_ab, N, Wc_ab, bc_ab)
    e_att_B = elu(((d_B @ Wk_B + bk_B) @ Wal_B + bal_B) + hr_B)
    # canonical etype (B, ba, A): dst type A
    d_A = _graph_conv_right(x_B, edge_ba, N, Wc_ba, bc_ba)
    e_att_A = elu(((d_A @ Wk_A + bk_A) @ Wal_A + bal_A) + hr_A)
    # softmax over {self, relation} axis per dst node
    att_A = jax.nn.softmax(jnp.stack([att_self_A, e_att_A], axis=0), axis=0)
    att_B = jax.nn.softmax(jnp.stack([att_self_B, e_att_B], axis=0), axis=0)
    rst_A = elu(z_A * att_A[0] + d_A * att_A[1])
    rst_B = elu(z_B * att_B[0] + d_B * att_B[1])
    return jnp.stack([rst_A, rst_B], axis=0)


def reference(x_A, x_B, edge_ab, edge_ba, Ws_A, bs_A, Ws_B, bs_B, Wq_A, bq_A, Wq_B, bq_B, Wk_A, bk_A, Wk_B, bk_B, Wal_A, bal_A, Wal_B, bal_B, War_A, bar_A, War_B, bar_B, Wc_ab, bc_ab, Wc_ba, bc_ba):
    return _forward(x_A, x_B, edge_ab, edge_ba, Ws_A, bs_A, Ws_B, bs_B, Wq_A, bq_A, Wq_B, bq_B, Wk_A, bk_A, Wk_B, bk_B, Wal_A, bal_A, Wal_B, bal_B, War_A, bar_A, War_B, bar_B, Wc_ab, bc_ab, Wc_ba, bc_ba)

if __name__ == "__main__":
    import jax
    _d = setup_inputs()
    print(jax.jit(kernel)(*tuple(_d.values())))

</pallas_src>

<mosaic_0001>
#map = affine_map<(d0, d1) -> (0, 0)>
#map1 = affine_map<(d0, d1) -> (0)>
module attributes {stable_mosaic.version = 14 : i64} {
  func.func @body(%arg0: i32, %arg1: i32, %arg2: memref<10000x128xf32, #tpu.memory_space<hbm>>, %arg3: memref<10000x128xf32, #tpu.memory_space<hbm>>, %arg4: memref<320000xi32, #tpu.memory_space<hbm>>, %arg5: memref<320000xi32, #tpu.memory_space<hbm>>, %arg6: memref<320000xi32, #tpu.memory_space<hbm>>, %arg7: memref<320000xi32, #tpu.memory_space<hbm>>, %arg8: memref<10240x128xf32, #tpu.memory_space<hbm>>, %arg9: memref<10240x128xf32, #tpu.memory_space<hbm>>, %arg10: memref<10240x128xf32, #tpu.memory_space<hbm>>, %arg11: memref<10240x128xf32, #tpu.memory_space<hbm>>, %arg12: memref<160xi32, #tpu.memory_space<vmem>>, %arg13: memref<160xi32, #tpu.memory_space<vmem>>, %arg14: memref<160xi32, #tpu.memory_space<vmem>>, %arg15: memref<160xi32, #tpu.memory_space<vmem>>, %arg16: memref<160x128xf32, #tpu.memory_space<vmem>>, %arg17: memref<160x128xf32, #tpu.memory_space<vmem>>, %arg18: memref<10240x128xf32, #tpu.memory_space<vmem_shared>>, %arg19: memref<!tpu.dma_semaphore, #tpu.memory_space<semaphore_mem>>, %arg20: memref<!tpu.dma_semaphore, #tpu.memory_space<semaphore_mem>>) attributes {dimension_semantics = [#tpu.dimension_semantics<core_parallel>, #tpu.dimension_semantics<subcore_parallel>], iteration_bounds = array<i64: 2, 16>, scalar_prefetch = 0 : i64, scratch_operands = 9 : i64, tpu.core_type = #tpu.core_type<sc_vector_subcore>, window_params = [{transform_indices = #map}, {transform_indices = #map}, {transform_indices = #map1}, {transform_indices = #map1}, {transform_indices = #map1}, {transform_indices = #map1}, {transform_indices = #map}, {transform_indices = #map}, {transform_indices = #map}, {transform_indices = #map}]} {
    %eq3A = arith.constant 0 : i32
    %eq3A_0 = arith.cmpi eq, %arg0, %eq3A : i32
    %convert_element_type3A = arith.extui %eq3A_0 : i1 to i32
    %cond3A = arith.constant 0 : i32
    %cond3A_1 = arith.cmpi ne, %convert_element_type3A, %cond3A : i32
    scf.if %cond3A_1 {
      %broadcast_in_dim3A = arith.constant 0.000000e+00 : f32
      %broadcast_in_dim3A_7 = vector.broadcast %broadcast_in_dim3A : f32 to vector<16xf32>
      %scan3A = arith.constant 0 : i32
      %scan3A_8 = arith.constant 0 : i32
      %scan3A_9 = arith.constant 160 : i32
      %scan3A_10 = arith.addi %scan3A_8, %scan3A_9 : i32
      %scan3A_11 = arith.constant 1 : i32
      %scan3A_12 = scf.for %scan3A_91 = %scan3A_8 to %scan3A_10 step %scan3A_11 iter_args(%scan3A_92 = %scan3A) -> (i32)  : i32 {
        %swap3A = arith.index_cast %scan3A_91 : i32 to index
        %swap3A_93 = arith.constant 0 : index
        %swap3A_94 = tpu.vector_load %arg16[%swap3A, %swap3A_93] {strides = array<i32>} : memref<160x128xf32, #tpu.memory_space<vmem>>, vector<1x16xf32>,
        %swap3A_95 = vector.shape_cast %swap3A_94 : vector<1x16xf32> to vector<16xf32>
        %swap3A_96 = vector.shape_cast %broadcast_in_dim3A_7 : vector<16xf32> to vector<1x16xf32>
        tpu.vector_store %arg16[%swap3A, %swap3A_93], %swap3A_96 {strides = array<i32>} : memref<160x128xf32, #tpu.memory_space<vmem>>, vector<1x16xf32>,
        %swap3A_97 = arith.index_cast %scan3A_91 : i32 to index
        %swap3A_98 = arith.constant 16 : index
        %swap3A_99 = tpu.vector_load %arg16[%swap3A_97, %swap3A_98] {strides = array<i32>} : memref<160x128xf32, #tpu.memory_space<vmem>>, vector<1x16xf32>,
        %swap3A_100 = vector.shape_cast %swap3A_99 : vector<1x16xf32> to vector<16xf32>
        %swap3A_101 = vector.shape_cast %broadcast_in_dim3A_7 : vector<16xf32> to vector<1x16xf32>
        tpu.vector_store %arg16[%swap3A_97, %swap3A_98], %swap3A_101 {strides = array<i32>} : memref<160x128xf32, #tpu.memory_space<vmem>>, vector<1x16xf32>,
        %swap3A_102 = arith.index_cast %scan3A_91 : i32 to index
        %swap3A_103 = arith.constant 32 : index
        %swap3A_104 = tpu.vector_load %arg16[%swap3A_102, %swap3A_103] {strides = array<i32>} : memref<160x128xf32, #tpu.memory_space<vmem>>, vector<1x16xf32>,
        %swap3A_105 = vector.shape_cast %swap3A_104 : vector<1x16xf32> to vector<16xf32>
        %swap3A_106 = vector.shape_cast %broadcast_in_dim3A_7 : vector<16xf32> to vector<1x16xf32>
        tpu.vector_store %arg16[%swap3A_102, %swap3A_103], %swap3A_106 {strides = array<i32>} : memref<160x128xf32, #tpu.memory_space<vmem>>, vector<1x16xf32>,
        %swap3A_107 = arith.index_cast %scan3A_91 : i32 to index
        %swap3A_108 = arith.constant 48 : index
        %swap3A_109 = tpu.vector_load %arg16[%swap3A_107, %swap3A_108] {strides = array<i32>} : memref<160x128xf32, #tpu.memory_space<vmem>>, vector<1x16xf32>,
        %swap3A_110 = vector.shape_cast %swap3A_109 : vector<1x16xf32> to vector<16xf32>
        %swap3A_111 = vector.shape_cast %broadcast_in_dim3A_7 : vector<16xf32> to vector<1x16xf32>
        tpu.vector_store %arg16[%swap3A_107, %swap3A_108], %swap3A_111 {strides = array<i32>} : memref<160x128xf32, #tpu.memory_space<vmem>>, vector<1x16xf32>,
        %swap3A_112 = arith.index_cast %scan3A_91 : i32 to index
        %swap3A_113 = arith.constant 64 : index
        %swap3A_114 = tpu.vector_load %arg16[%swap3A_112, %swap3A_113] {strides = array<i32>} : memref<160x128xf32, #tpu.memory_space<vmem>>, vector<1x16xf32>,
        %swap3A_115 = vector.shape_cast %swap3A_114 : vector<1x16xf32> to vector<16xf32>
        %swap3A_116 = vector.shape_cast %broadcast_in_dim3A_7 : vector<16xf32> to vector<1x16xf32>
        tpu.vector_store %arg16[%swap3A_112, %swap3A_113], %swap3A_116 {strides = array<i32>} : memref<160x128xf32, #tpu.memory_space<vmem>>, vector<1x16xf32>,
        %swap3A_117 = arith.index_cast %scan3A_91 : i32 to index
        %swap3A_118 = arith.constant 80 : index
        %swap3A_119 = tpu.vector_load %arg16[%swap3A_117, %swap3A_118] {strides = array<i32>} : memref<160x128xf32, #tpu.memory_space<vmem>>, vector<1x16xf32>,
        %swap3A_120 = vector.shape_cast %swap3A_119 : vector<1x16xf32> to vector<16xf32>
        %swap3A_121 = vector.shape_cast %broadcast_in_dim3A_7 : vector<16xf32> to vector<1x16xf32>
        tpu.vector_store %arg16[%swap3A_117, %swap3A_118], %swap3A_121 {strides = array<i32>} : memref<160x128xf32, #tpu.memory_space<vmem>>, vector<1x16xf32>,
        %swap3A_122 = arith.index_cast %scan3A_91 : i32 to index
        %swap3A_123 = arith.constant 96 : index
        %swap3A_124 = tpu.vector_load %arg16[%swap3A_122, %swap3A_123] {strides = array<i32>} : memref<160x128xf32, #tpu.memory_space<vmem>>, vector<1x16xf32>,
        %swap3A_125 = vector.shape_cast %swap3A_124 : vector<1x16xf32> to vector<16xf32>
        %swap3A_126 = vector.shape_cast %broadcast_in_dim3A_7 : vector<16xf32> to vector<1x16xf32>
        tpu.vector_store %arg16[%swap3A_122, %swap3A_123], %swap3A_126 {strides = array<i32>} : memref<160x128xf32, #tpu.memory_space<vmem>>, vector<1x16xf32>,
        %swap3A_127 = arith.index_cast %scan3A_91 : i32 to index
        %swap3A_128 = arith.constant 112 : index
        %swap3A_129 = tpu.vector_load %arg16[%swap3A_127, %swap3A_128] {strides = array<i32>} : memref<160x128xf32, #tpu.memory_space<vmem>>, vector<1x16xf32>,
        %swap3A_130 = vector.shape_cast %swap3A_129 : vector<1x16xf32> to vector<16xf32>
        %swap3A_131 = vector.shape_cast %broadcast_in_dim3A_7 : vector<16xf32> to vector<1x16xf32>
        tpu.vector_store %arg16[%swap3A_127, %swap3A_128], %swap3A_131 {strides = array<i32>} : memref<160x128xf32, #tpu.memory_space<vmem>>, vector<1x16xf32>,
        %scan3A_132 = arith.constant 0 : i32
        scf.yield %scan3A_132 : i32
      }
      %scan3A_13 = arith.constant 160 : i32
      %scan3A_14 = arith.constant 0 : i32
      %scan3A_15 = arith.constant 0 : i32
      %scan3A_16 = arith.constant 4 : i32
      %scan3A_17 = arith.addi %scan3A_15, %scan3A_16 : i32
      %scan3A_18 = arith.constant 1 : i32
      %scan3A_19 = scf.for %scan3A_91 = %scan3A_15 to %scan3A_17 step %scan3A_18 iter_args(%scan3A_92 = %scan3A_14) -> (i32)  : i32 {
        %mul3A_93 = arith.constant 640 : i32
        %mul3A_94 = arith.muli %arg1, %mul3A_93 : i32
        %mul3A_95 = arith.constant 160 : i32
        %mul3A_96 = arith.muli %scan3A_91, %mul3A_95 : i32
        %add3A_97 = arith.addi %mul3A_94, %mul3A_96 : i32
        "tpu.region"() ({
          %run_scoped3A = tpu.sem_alloc : memref<!tpu.dma_semaphore, #tpu.memory_space<semaphore_mem>>
          %dma_start3A_99 = arith.constant 0 : i32
          %dma_start3A_100 = tpu.memref_slice %arg18[%add3A_97, %dma_start3A_99] : memref<10240x128xf32, #tpu.memory_space<vmem_shared>> -> memref<160x128xf32, #tpu.memory_space<vmem_shared>>
          %dma_start3A_101 = arith.constant 0 : i32
          %dma_start3A_102 = tpu.memref_slice %arg18[%add3A_97, %dma_start3A_101] : memref<10240x128xf32, #tpu.memory_space<vmem_shared>> -> memref<160x128xf32, #tpu.memory_space<vmem_shared>>
          tpu.enqueue_dma source(%arg16 : memref<160x128xf32, #tpu.memory_space<vmem>>) target(%dma_start3A_102 : memref<160x128xf32, #tpu.memory_space<vmem_shared>>) target_semaphore(%run_scoped3A : memref<!tpu.dma_semaphore, #tpu.memory_space<semaphore_mem>>)
          %dma_wait3A_103 = arith.constant 0 : i32
          %dma_wait3A_104 = tpu.memref_slice %arg18[%add3A_97, %dma_wait3A_103] : memref<10240x128xf32, #tpu.memory_space<vmem_shared>> -> memref<160x128xf32, #tpu.memory_space<vmem_shared>>
          %dma_wait3A_105 = arith.constant 0 : i32
          %dma_wait3A_106 = tpu.memref_slice %arg18[%add3A_97, %dma_wait3A_105] : memref<10240x128xf32, #tpu.memory_space<vmem_shared>> -> memref<160x128xf32, #tpu.memory_space<vmem_shared>>
          tpu.wait_dma2 semaphore(%run_scoped3A : memref<!tpu.dma_semaphore, #tpu.memory_space<semaphore_mem>>) src(%arg16 : memref<160x128xf32, #tpu.memory_space<vmem>>) dst(%dma_wait3A_106 : memref<160x128xf32, #tpu.memory_space<vmem_shared>>)
          tpu.yield
        }) : () -> ()
        %scan3A_98 = arith.constant 0 : i32
        scf.yield %scan3A_98 : i32
      }
      %scan3A_20 = arith.constant 4 : i32
      %barrier3A = arith.constant 0 : index
      tpu.barrier barrier_id(%barrier3A)
      %mul3A = arith.constant 20000 : i32
      %mul3A_21 = arith.muli %arg1, %mul3A : i32
      %add3A = arith.constant 0 : i32
      %add3A_22 = arith.addi %mul3A_21, %add3A : i32
      "tpu.region"() ({
        %run_scoped3A = tpu.sem_alloc : memref<!tpu.dma_semaphore, #tpu.memory_space<semaphore_mem>>
        %dma_start3A_91 = tpu.memref_slice %arg4[%add3A_22] : memref<320000xi32, #tpu.memory_space<hbm>> -> memref<160xi32, #tpu.memory_space<hbm>>
        %dma_start3A_92 = tpu.memref_slice %arg4[%add3A_22] : memref<320000xi32, #tpu.memory_space<hbm>> -> memref<160xi32, #tpu.memory_space<hbm>>
        tpu.enqueue_dma source(%dma_start3A_92 : memref<160xi32, #tpu.memory_space<hbm>>) target(%arg12 : memref<160xi32, #tpu.memory_space<vmem>>) target_semaphore(%run_scoped3A : memref<!tpu.dma_semaphore, #tpu.memory_space<semaphore_mem>>)
        %dma_wait3A_93 = tpu.memref_slice %arg4[%add3A_22] : memref<320000xi32, #tpu.memory_space<hbm>> -> memref<160xi32, #tpu.memory_space<hbm>>
        %dma_wait3A_94 = tpu.memref_slice %arg4[%add3A_22] : memref<320000xi32, #tpu.memory_space<hbm>> -> memref<160xi32, #tpu.memory_space<hbm>>
        tpu.wait_dma2 semaphore(%run_scoped3A : memref<!tpu.dma_semaphore, #tpu.memory_space<semaphore_mem>>) src(%dma_wait3A_94 : memref<160xi32, #tpu.memory_space<hbm>>) dst(%arg12 : memref<160xi32, #tpu.memory_space<vmem>>)
        tpu.yield
      }) : () -> ()
      "tpu.region"() ({
        %run_scoped3A = tpu.sem_alloc : memref<!tpu.dma_semaphore, #tpu.memory_space<semaphore_mem>>
        %dma_start3A_91 = tpu.memref_slice %arg5[%add3A_22] : memref<320000xi32, #tpu.memory_space<hbm>> -> memref<160xi32, #tpu.memory_space<hbm>>
        %dma_start3A_92 = tpu.memref_slice %arg5[%add3A_22] : memref<320000xi32, #tpu.memory_space<hbm>> -> memref<160xi32, #tpu.memory_space<hbm>>
        tpu.enqueue_dma source(%dma_start3A_92 : memref<160xi32, #tpu.memory_space<hbm>>) target(%arg13 : memref<160xi32, #tpu.memory_space<vmem>>) target_semaphore(%run_scoped3A : memref<!tpu.dma_semaphore, #tpu.memory_space<semaphore_mem>>)
        %dma_wait3A_93 = tpu.memref_slice %arg5[%add3A_22] : memref<320000xi32, #tpu.memory_space<hbm>> -> memref<160xi32, #tpu.memory_space<hbm>>
        %dma_wait3A_94 = tpu.memref_slice %arg5[%add3A_22] : memref<320000xi32, #tpu.memory_space<hbm>> -> memref<160xi32, #tpu.memory_space<hbm>>
        tpu.wait_dma2 semaphore(%run_scoped3A : memref<!tpu.dma_semaphore, #tpu.memory_space<semaphore_mem>>) src(%dma_wait3A_94 : memref<160xi32, #tpu.memory_space<hbm>>) dst(%arg13 : memref<160xi32, #tpu.memory_space<vmem>>)
        tpu.yield
      }) : () -> ()
      %dma_start3A = arith.constant 0 : i32
      %dma_start3A_23 = arith.constant 0 : i32
      %dma_start3A_24 = tpu.memref_slice %arg2[%dma_start3A, %dma_start3A_23] : memref<10000x128xf32, #tpu.memory_space<hbm>> -> memref<10000x128xf32, #tpu.memory_space<hbm>>
      tpu.enqueue_indirect_dma source(%dma_start3A_24 : memref<10000x128xf32, #tpu.memory_space<hbm>>) target(%arg16 : memref<160x128xf32, #tpu.memory_space<vmem>>) offsets(%arg12 : memref<160xi32, #tpu.memory_space<vmem>>) semaphore(%arg19 : memref<!tpu.dma_semaphore, #tpu.memory_space<semaphore_mem>>)
      %mul3A_25 = arith.constant 20000 : i32
      %mul3A_26 = arith.muli %arg1, %mul3A_25 : i32
      %add3A_27 = arith.constant 160 : i32
      %add3A_28 = arith.addi %mul3A_26, %add3A_27 : i32
      "tpu.region"() ({
        %run_scoped3A = tpu.sem_alloc : memref<!tpu.dma_semaphore, #tpu.memory_space<semaphore_mem>>
        %dma_start3A_91 = tpu.memref_slice %arg4[%add3A_28] : memref<320000xi32, #tpu.memory_space<hbm>> -> memref<160xi32, #tpu.memory_space<hbm>>
        %dma_start3A_92 = tpu.memref_slice %arg4[%add3A_28] : memref<320000xi32, #tpu.memory_space<hbm>> -> memref<160xi32, #tpu.memory_space<hbm>>
        tpu.enqueue_dma source(%dma_start3A_92 : memref<160xi32, #tpu.memory_space<hbm>>) target(%arg14 : memref<160xi32, #tpu.memory_space<vmem>>) target_semaphore(%run_scoped3A : memref<!tpu.dma_semaphore, #tpu.memory_space<semaphore_mem>>)
        %dma_wait3A_93 = tpu.memref_slice %arg4[%add3A_28] : memref<320000xi32, #tpu.memory_space<hbm>> -> memref<160xi32, #tpu.memory_space<hbm>>
        %dma_wait3A_94 = tpu.memref_slice %arg4[%add3A_28] : memref<320000xi32, #tpu.memory_space<hbm>> -> memref<160xi32, #tpu.memory_space<hbm>>
        tpu.wait_dma2 semaphore(%run_scoped3A : memref<!tpu.dma_semaphore, #tpu.memory_space<semaphore_mem>>) src(%dma_wait3A_94 : memref<160xi32, #tpu.memory_space<hbm>>) dst(%arg14 : memref<160xi32, #tpu.memory_space<vmem>>)
        tpu.yield
      }) : () -> ()
      "tpu.region"() ({
        %run_scoped3A = tpu.sem_alloc : memref<!tpu.dma_semaphore, #tpu.memory_space<semaphore_mem>>
        %dma_start3A_91 = tpu.memref_slice %arg5[%add3A_28] : memref<320000xi32, #tpu.memory_space<hbm>> -> memref<160xi32, #tpu.memory_space<hbm>>
        %dma_start3A_92 = tpu.memref_slice %arg5[%add3A_28] : memref<320000xi32, #tpu.memory_space<hbm>> -> memref<160xi32, #tpu.memory_space<hbm>>
        tpu.enqueue_dma source(%dma_start3A_92 : memref<160xi32, #tpu.memory_space<hbm>>) target(%arg15 : memref<160xi32, #tpu.memory_space<vmem>>) target_semaphore(%run_scoped3A : memref<!tpu.dma_semaphore, #tpu.memory_space<semaphore_mem>>)
        %dma_wait3A_93 = tpu.memref_slice %arg5[%add3A_28] : memref<320000xi32, #tpu.memory_space<hbm>> -> memref<160xi32, #tpu.memory_space<hbm>>
        %dma_wait3A_94 = tpu.memref_slice %arg5[%add3A_28] : memref<320000xi32, #tpu.memory_space<hbm>> -> memref<160xi32, #tpu.memory_space<hbm>>
        tpu.wait_dma2 semaphore(%run_scoped3A : memref<!tpu.dma_semaphore, #tpu.memory_space<semaphore_mem>>) src(%dma_wait3A_94 : memref<160xi32, #tpu.memory_space<hbm>>) dst(%arg15 : memref<160xi32, #tpu.memory_space<vmem>>)
        tpu.yield
      }) : () -> ()
      %dma_start3A_29 = arith.constant 0 : i32
      %dma_start3A_30 = arith.constant 0 : i32
      %dma_start3A_31 = tpu.memref_slice %arg2[%dma_start3A_29, %dma_start3A_30] : memref<10000x128xf32, #tpu.memory_space<hbm>> -> memref<10000x128xf32, #tpu.memory_space<hbm>>
      tpu.enqueue_indirect_dma source(%dma_start3A_31 : memref<10000x128xf32, #tpu.memory_space<hbm>>) target(%arg17 : memref<160x128xf32, #tpu.memory_space<vmem>>) offsets(%arg14 : memref<160xi32, #tpu.memory_space<vmem>>) semaphore(%arg20 : memref<!tpu.dma_semaphore, #tpu.memory_space<semaphore_mem>>)
      %scan3A_32 = arith.constant 0 : i32
      %scan3A_33 = arith.constant 0 : i32
      %scan3A_34 = arith.constant 62 : i32
      %scan3A_35 = arith.addi %scan3A_33, %scan3A_34 : i32
      %scan3A_36 = arith.constant 1 : i32
      %scan3A_37 = scf.for %scan3A_91 = %scan3A_33 to %scan3A_35 step %scan3A_36 iter_args(%scan3A_92 = %scan3A_32) -> (i32)  : i32 {
        %dma_wait3A_93 = arith.constant 0 : i32
        %dma_wait3A_94 = arith.constant 0 : i32
        %dma_wait3A_95 = tpu.memref_slice %arg2[%dma_wait3A_93, %dma_wait3A_94] : memref<10000x128xf32, #tpu.memory_space<hbm>> -> memref<10000x128xf32, #tpu.memory_space<hbm>>
        tpu.wait_indirect_dma semaphore(%arg19 : memref<!tpu.dma_semaphore, #tpu.memory_space<semaphore_mem>>) src(%dma_wait3A_95 : memref<10000x128xf32, #tpu.memory_space<hbm>>) dst(%arg16 : memref<160x128xf32, #tpu.memory_space<vmem>>)
        %dma_start3A_96 = arith.constant 0 : i32
        %dma_start3A_97 = arith.constant 0 : i32
        %dma_start3A_98 = tpu.memref_slice %arg18[%dma_start3A_96, %dma_start3A_97] : memref<10240x128xf32, #tpu.memory_space<vmem_shared>> -> memref<10240x128xf32, #tpu.memory_space<vmem_shared>>
        tpu.enqueue_indirect_dma source(%arg16 : memref<160x128xf32, #tpu.memory_space<vmem>>) target(%dma_start3A_98 : memref<10240x128xf32, #tpu.memory_space<vmem_shared>>) offsets(%arg13 : memref<160xi32, #tpu.memory_space<vmem>>) semaphore(%arg19 : memref<!tpu.dma_semaphore, #tpu.memory_space<semaphore_mem>>) {add = true}
        %mul3A_99 = arith.constant 2 : i32
        %mul3A_100 = arith.muli %mul3A_99, %scan3A_91 : i32
        %add3A_101 = arith.constant 2 : i32
        %add3A_102 = arith.addi %mul3A_100, %add3A_101 : i32
        %mul3A_103 = arith.constant 20000 : i32
        %mul3A_104 = arith.muli %arg1, %mul3A_103 : i32
        %mul3A_105 = arith.constant 160 : i32
        %mul3A_106 = arith.muli %add3A_102, %mul3A_105 : i32
        %add3A_107 = arith.addi %mul3A_104, %mul3A_106 : i32
        "tpu.region"() ({
          %run_scoped3A = tpu.sem_alloc : memref<!tpu.dma_semaphore, #tpu.memory_space<semaphore_mem>>
          %dma_start3A_142 = tpu.memref_slice %arg4[%add3A_107] : memref<320000xi32, #tpu.memory_space<hbm>> -> memref<160xi32, #tpu.memory_space<hbm>>
          %dma_start3A_143 = tpu.memref_slice %arg4[%add3A_107] : memref<320000xi32, #tpu.memory_space<hbm>> -> memref<160xi32, #tpu.memory_space<hbm>>
          tpu.enqueue_dma source(%dma_start3A_143 : memref<160xi32, #tpu.memory_space<hbm>>) target(%arg12 : memref<160xi32, #tpu.memory_space<vmem>>) target_semaphore(%run_scoped3A : memref<!tpu.dma_semaphore, #tpu.memory_space<semaphore_mem>>)
          %dma_wait3A_144 = tpu.memref_slice %arg4[%add3A_107] : memref<320000xi32, #tpu.memory_space<hbm>> -> memref<160xi32, #tpu.memory_space<hbm>>
          %dma_wait3A_145 = tpu.memref_slice %arg4[%add3A_107] : memref<320000xi32, #tpu.memory_space<hbm>> -> memref<160xi32, #tpu.memory_space<hbm>>
          tpu.wait_dma2 semaphore(%run_scoped3A : memref<!tpu.dma_semaphore, #tpu.memory_space<semaphore_mem>>) src(%dma_wait3A_145 : memref<160xi32, #tpu.memory_space<hbm>>) dst(%arg12 : memref<160xi32, #tpu.memory_space<vmem>>)
          tpu.yield
        }) : () -> ()
        %dma_wait3A_108 = arith.constant 0 : i32
        %dma_wait3A_109 = arith.constant 0 : i32
        %dma_wait3A_110 = tpu.memref_slice %arg18[%dma_wait3A_108, %dma_wait3A_109] : memref<10240x128xf32, #tpu.memory_space<vmem_shared>> -> memref<10240x128xf32, #tpu.memory_space<vmem_shared>>
        tpu.wait_indirect_dma semaphore(%arg19 : memref<!tpu.dma_semaphore, #tpu.memory_space<semaphore_mem>>) src(%arg16 : memref<160x128xf32, #tpu.memory_space<vmem>>) dst(%dma_wait3A_110 : memref<10240x128xf32, #tpu.memory_space<vmem_shared>>)
        %mul3A_111 = arith.constant 20000 : i32
        %mul3A_112 = arith.muli %arg1, %mul3A_111 : i32
        %mul3A_113 = arith.constant 2 : i32
        %mul3A_114 = arith.muli %mul3A_113, %scan3A_91 : i32
        %add3A_115 = arith.constant 2 : i32
        %add3A_116 = arith.addi %mul3A_114, %add3A_115 : i32
        %mul3A_117 = arith.constant 160 : i32
        %mul3A_118 = arith.muli %add3A_116, %mul3A_117 : i32
        %add3A_119 = arith.addi %mul3A_112, %mul3A_118 : i32
        "tpu.region"() ({
          %run_scoped3A = tpu.sem_alloc : memref<!tpu.dma_semaphore, #tpu.memory_space<semaphore_mem>>
          %dma_start3A_142 = tpu.memref_slice %arg5[%add3A_119] : memref<320000xi32, #tpu.memory_space<hbm>> -> memref<160xi32, #tpu.memory_space<hbm>>
          %dma_start3A_143 = tpu.memref_slice %arg5[%add3A_119] : memref<320000xi32, #tpu.memory_space<hbm>> -> memref<160xi32, #tpu.memory_space<hbm>>
          tpu.enqueue_dma source(%dma_start3A_143 : memref<160xi32, #tpu.memory_space<hbm>>) target(%arg13 : memref<160xi32, #tpu.memory_space<vmem>>) target_semaphore(%run_scoped3A : memref<!tpu.dma_semaphore, #tpu.memory_space<semaphore_mem>>)
          %dma_wait3A_144 = tpu.memref_slice %arg5[%add3A_119] : memref<320000xi32, #tpu.memory_space<hbm>> -> memref<160xi32, #tpu.memory_space<hbm>>
          %dma_wait3A_145 = tpu.memref_slice %arg5[%add3A_119] : memref<320000xi32, #tpu.memory_space<hbm>> -> memref<160xi32, #tpu.memory_space<hbm>>
          tpu.wait_dma2 semaphore(%run_scoped3A : memref<!tpu.dma_semaphore, #tpu.memory_space<semaphore_mem>>) src(%dma_wait3A_145 : memref<160xi32, #tpu.memory_space<hbm>>) dst(%arg13 : memref<160xi32, #tpu.memory_space<vmem>>)
          tpu.yield
        }) : () -> ()
        %dma_start3A_120 = arith.constant 0 : i32
        %dma_start3A_121 = arith.constant 0 : i32
        %dma_start3A_122 = tpu.memref_slice %arg2[%dma_start3A_120, %dma_start3A_121] : memref<10000x128xf32, #tpu.memory_space<hbm>> -> memref<10000x128xf32, #tpu.memory_space<hbm>>
        tpu.enqueue_indirect_dma source(%dma_start3A_122 : memref<10000x128xf32, #tpu.memory_space<hbm>>) target(%arg16 : memref<160x128xf32, #tpu.memory_space<vmem>>) offsets(%arg12 : memref<160xi32, #tpu.memory_space<vmem>>) semaphore(%arg19 : memref<!tpu.dma_semaphore, #tpu.memory_space<semaphore_mem>>)
        %dma_wait3A_123 = arith.constant 0 : i32
        %dma_wait3A_124 = arith.constant 0 : i32
        %dma_wait3A_125 = tpu.memref_slice %arg2[%dma_wait3A_123, %dma_wait3A_124] : memref<10000x128xf32, #tpu.memory_space<hbm>> -> memref<10000x128xf32, #tpu.memory_space<hbm>>
        tpu.wait_indirect_dma semaphore(%arg20 : memref<!tpu.dma_semaphore, #tpu.memory_space<semaphore_mem>>) src(%dma_wait3A_125 : memref<10000x128xf32, #tpu.memory_space<hbm>>) dst(%arg17 : memref<160x128xf32, #tpu.memory_space<vmem>>)
        %dma_start3A_126 = arith.constant 0 : i32
        %dma_start3A_127 = arith.constant 0 : i32
        %dma_start3A_128 = tpu.memref_slice %arg18[%dma_start3A_126, %dma_start3A_127] : memref<10240x128xf32, #tpu.memory_space<vmem_shared>> -> memref<10240x128xf32, #tpu.memory_space<vmem_shared>>
        tpu.enqueue_indirect_dma source(%arg17 : memref<160x128xf32, #tpu.memory_space<vmem>>) target(%dma_start3A_128 : memref<10240x128xf32, #tpu.memory_space<vmem_shared>>) offsets(%arg15 : memref<160xi32, #tpu.memory_space<vmem>>) semaphore(%arg20 : memref<!tpu.dma_semaphore, #tpu.memory_space<semaphore_mem>>) {add = true}
        %lt3A = arith.constant 61 : i32
        %lt3A_129 = arith.cmpi slt, %scan3A_91, %lt3A : i32
        %convert_element_type3A_130 = arith.extui %lt3A_129 : i1 to i32
        %cond3A_131 = arith.constant 0 : i32
        %cond3A_132 = arith.cmpi ne, %convert_element_type3A_130, %cond3A_131 : i32
        scf.if %cond3A_132 {
          %mul3A_142 = arith.constant 2 : i32
          %mul3A_143 = arith.muli %mul3A_142, %scan3A_91 : i32
          %add3A_144 = arith.constant 3 : i32
          %add3A_145 = arith.addi %mul3A_143, %add3A_144 : i32
          %mul3A_146 = arith.constant 20000 : i32
          %mul3A_147 = arith.muli %arg1, %mul3A_146 : i32
          %mul3A_148 = arith.constant 160 : i32
          %mul3A_149 = arith.muli %add3A_145, %mul3A_148 : i32
          %add3A_150 = arith.addi %mul3A_147, %mul3A_149 : i32
          "tpu.region"() ({
            %run_scoped3A = tpu.sem_alloc : memref<!tpu.dma_semaphore, #tpu.memory_space<semaphore_mem>>
            %dma_start3A_151 = tpu.memref_slice %arg4[%add3A_150] : memref<320000xi32, #tpu.memory_space<hbm>> -> memref<160xi32, #tpu.memory_space<hbm>>
            %dma_start3A_152 = tpu.memref_slice %arg4[%add3A_150] : memref<320000xi32, #tpu.memory_space<hbm>> -> memref<160xi32, #tpu.memory_space<hbm>>
            tpu.enqueue_dma source(%dma_start3A_152 : memref<160xi32, #tpu.memory_space<hbm>>) target(%arg14 : memref<160xi32, #tpu.memory_space<vmem>>) target_semaphore(%run_scoped3A : memref<!tpu.dma_semaphore, #tpu.memory_space<semaphore_mem>>)
            %dma_wait3A_153 = tpu.memref_slice %arg4[%add3A_150] : memref<320000xi32, #tpu.memory_space<hbm>> -> memref<160xi32, #tpu.memory_space<hbm>>
            %dma_wait3A_154 = tpu.memref_slice %arg4[%add3A_150] : memref<320000xi32, #tpu.memory_space<hbm>> -> memref<160xi32, #tpu.memory_space<hbm>>
            tpu.wait_dma2 semaphore(%run_scoped3A : memref<!tpu.dma_semaphore, #tpu.memory_space<semaphore_mem>>) src(%dma_wait3A_154 : memref<160xi32, #tpu.memory_space<hbm>>) dst(%arg14 : memref<160xi32, #tpu.memory_space<vmem>>)
            tpu.yield
          }) : () -> ()
        } else {
        }
        %dma_wait3A_133 = arith.constant 0 : i32
        %dma_wait3A_134 = arith.constant 0 : i32
        %dma_wait3A_135 = tpu.memref_slice %arg18[%dma_wait3A_133, %dma_wait3A_134] : memref<10240x128xf32, #tpu.memory_space<vmem_shared>> -> memref<10240x128xf32, #tpu.memory_space<vmem_shared>>
        tpu.wait_indirect_dma semaphore(%arg20 : memref<!tpu.dma_semaphore, #tpu.memory_space<semaphore_mem>>) src(%arg17 : memref<160x128xf32, #tpu.memory_space<vmem>>) dst(%dma_wait3A_135 : memref<10240x128xf32, #tpu.memory_space<vmem_shared>>)
        %lt3A_136 = arith.constant 61 : i32
        %lt3A_137 = arith.cmpi slt, %scan3A_91, %lt3A_136 : i32
        %convert_element_type3A_138 = arith.extui %lt3A_137 : i1 to i32
        %cond3A_139 = arith.constant 0 : i32
        %cond3A_140 = arith.cmpi ne, %convert_element_type3A_138, %cond3A_139 : i32
        scf.if %cond3A_140 {
          %mul3A_142 = arith.constant 20000 : i32
          %mul3A_143 = arith.muli %arg1, %mul3A_142 : i32
          %mul3A_144 = arith.constant 2 : i32
          %mul3A_145 = arith.muli %mul3A_144, %scan3A_91 : i32
          %add3A_146 = arith.constant 3 : i32
          %add3A_147 = arith.addi %mul3A_145, %add3A_146 : i32
          %mul3A_148 = arith.constant 160 : i32
          %mul3A_149 = arith.muli %add3A_147, %mul3A_148 : i32
          %add3A_150 = arith.addi %mul3A_143, %mul3A_149 : i32
          "tpu.region"() ({
            %run_scoped3A = tpu.sem_alloc : memref<!tpu.dma_semaphore, #tpu.memory_space<semaphore_mem>>
            %dma_start3A_154 = tpu.memref_slice %arg5[%add3A_150] : memref<320000xi32, #tpu.memory_space<hbm>> -> memref<160xi32, #tpu.memory_space<hbm>>
            %dma_start3A_155 = tpu.memref_slice %arg5[%add3A_150] : memref<320000xi32, #tpu.memory_space<hbm>> -> memref<160xi32, #tpu.memory_space<hbm>>
            tpu.enqueue_dma source(%dma_start3A_155 : memref<160xi32, #tpu.memory_space<hbm>>) target(%arg15 : memref<160xi32, #tpu.memory_space<vmem>>) target_semaphore(%run_scoped3A : memref<!tpu.dma_semaphore, #tpu.memory_space<semaphore_mem>>)
            %dma_wait3A_156 = tpu.memref_slice %arg5[%add3A_150] : memref<320000xi32, #tpu.memory_space<hbm>> -> memref<160xi32, #tpu.memory_space<hbm>>
            %dma_wait3A_157 = tpu.memref_slice %arg5[%add3A_150] : memref<320000xi32, #tpu.memory_space<hbm>> -> memref<160xi32, #tpu.memory_space<hbm>>
            tpu.wait_dma2 semaphore(%run_scoped3A : memref<!tpu.dma_semaphore, #tpu.memory_space<semaphore_mem>>) src(%dma_wait3A_157 : memref<160xi32, #tpu.memory_space<hbm>>) dst(%arg15 : memref<160xi32, #tpu.memory_space<vmem>>)
            tpu.yield
          }) : () -> ()
          %dma_start3A_151 = arith.constant 0 : i32
          %dma_start3A_152 = arith.constant 0 : i32
          %dma_start3A_153 = tpu.memref_slice %arg2[%dma_start3A_151, %dma_start3A_152] : memref<10000x128xf32, #tpu.memory_space<hbm>> -> memref<10000x128xf32, #tpu.memory_space<hbm>>
          tpu.enqueue_indirect_dma source(%dma_start3A_153 : memref<10000x128xf32, #tpu.memory_space<hbm>>) target(%arg17 : memref<160x128xf32, #tpu.memory_space<vmem>>) offsets(%arg14 : memref<160xi32, #tpu.memory_space<vmem>>) semaphore(%arg20 : memref<!tpu.dma_semaphore, #tpu.memory_space<semaphore_mem>>)
        } else {
        }
        %scan3A_141 = arith.constant 0 : i32
        scf.yield %scan3A_141 : i32
      }
      %scan3A_38 = arith.constant 62 : i32
      %dma_wait3A = arith.constant 0 : i32
      %dma_wait3A_39 = arith.constant 0 : i32
      %dma_wait3A_40 = tpu.memref_slice %arg2[%dma_wait3A, %dma_wait3A_39] : memref<10000x128xf32, #tpu.memory_space<hbm>> -> memref<10000x128xf32, #tpu.memory_space<hbm>>
      tpu.wait_indirect_dma semaphore(%arg19 : memref<!tpu.dma_semaphore, #tpu.memory_space<semaphore_mem>>) src(%dma_wait3A_40 : memref<10000x128xf32, #tpu.memory_space<hbm>>) dst(%arg16 : memref<160x128xf32, #tpu.memory_space<vmem>>)
      "tpu.region"() ({
        %run_scoped3A = tpu.sem_alloc : memref<!tpu.dma_semaphore, #tpu.memory_space<semaphore_mem>>
        %dma_start3A_91 = arith.constant 0 : i32
        %dma_start3A_92 = arith.constant 0 : i32
        %dma_start3A_93 = tpu.memref_slice %arg18[%dma_start3A_91, %dma_start3A_92] : memref<10240x128xf32, #tpu.memory_space<vmem_shared>> -> memref<10240x128xf32, #tpu.memory_space<vmem_shared>>
        tpu.enqueue_indirect_dma source(%arg16 : memref<160x128xf32, #tpu.memory_space<vmem>>) target(%dma_start3A_93 : memref<10240x128xf32, #tpu.memory_space<vmem_shared>>) offsets(%arg13 : memref<160xi32, #tpu.memory_space<vmem>>) semaphore(%run_scoped3A : memref<!tpu.dma_semaphore, #tpu.memory_space<semaphore_mem>>) {add = true}
        %dma_wait3A_94 = arith.constant 0 : i32
        %dma_wait3A_95 = arith.constant 0 : i32
        %dma_wait3A_96 = tpu.memref_slice %arg18[%dma_wait3A_94, %dma_wait3A_95] : memref<10240x128xf32, #tpu.memory_space<vmem_shared>> -> memref<10240x128xf32, #tpu.memory_space<vmem_shared>>
        tpu.wait_indirect_dma semaphore(%run_scoped3A : memref<!tpu.dma_semaphore, #tpu.memory_space<semaphore_mem>>) src(%arg16 : memref<160x128xf32, #tpu.memory_space<vmem>>) dst(%dma_wait3A_96 : memref<10240x128xf32, #tpu.memory_space<vmem_shared>>)
        tpu.yield
      }) : () -> ()
      %barrier3A_41 = arith.constant 0 : index
      tpu.barrier barrier_id(%barrier3A_41)
      %mul3A_42 = arith.constant 640 : i32
      %mul3A_43 = arith.muli %arg1, %mul3A_42 : i32
      %mul3A_44 = arith.constant 640 : i32
      %mul3A_45 = arith.muli %arg1, %mul3A_44 : i32
      "tpu.region"() ({
        %run_scoped3A = tpu.sem_alloc : memref<!tpu.dma_semaphore, #tpu.memory_space<semaphore_mem>>
        %dma_start3A_91 = arith.constant 0 : i32
        %dma_start3A_92 = tpu.memref_slice %arg9[%mul3A_45, %dma_start3A_91] : memref<10240x128xf32, #tpu.memory_space<hbm>> -> memref<640x128xf32, #tpu.memory_space<hbm>>
        %dma_start3A_93 = arith.constant 0 : i32
        %dma_start3A_94 = tpu.memref_slice %arg18[%mul3A_43, %dma_start3A_93] : memref<10240x128xf32, #tpu.memory_space<vmem_shared>> -> memref<640x128xf32, #tpu.memory_space<vmem_shared>>
        tpu.enqueue_dma source(%dma_start3A_94 : memref<640x128xf32, #tpu.memory_space<vmem_shared>>) target(%dma_start3A_92 : memref<640x128xf32, #tpu.memory_space<hbm>>) target_semaphore(%run_scoped3A : memref<!tpu.dma_semaphore, #tpu.memory_space<semaphore_mem>>)
        %dma_wait3A_95 = arith.constant 0 : i32
        %dma_wait3A_96 = tpu.memref_slice %arg9[%mul3A_45, %dma_wait3A_95] : memref<10240x128xf32, #tpu.memory_space<hbm>> -> memref<640x128xf32, #tpu.memory_space<hbm>>
        %dma_wait3A_97 = arith.constant 0 : i32
        %dma_wait3A_98 = tpu.memref_slice %arg18[%mul3A_43, %dma_wait3A_97] : memref<10240x128xf32, #tpu.memory_space<vmem_shared>> -> memref<640x128xf32, #tpu.memory_space<vmem_shared>>
        tpu.wait_dma2 semaphore(%run_scoped3A : memref<!tpu.dma_semaphore, #tpu.memory_space<semaphore_mem>>) src(%dma_wait3A_98 : memref<640x128xf32, #tpu.memory_space<vmem_shared>>) dst(%dma_wait3A_96 : memref<640x128xf32, #tpu.memory_space<hbm>>)
        tpu.yield
      }) : () -> ()
      %barrier3A_46 = arith.constant 0 : index
      tpu.barrier barrier_id(%barrier3A_46)
      %broadcast_in_dim3A_47 = arith.constant 0.000000e+00 : f32
      %broadcast_in_dim3A_48 = vector.broadcast %broadcast_in_dim3A_47 : f32 to vector<16xf32>
      %scan3A_49 = arith.constant 0 : i32
      %scan3A_50 = arith.constant 0 : i32
      %scan3A_51 = arith.constant 160 : i32
      %scan3A_52 = arith.addi %scan3A_50, %scan3A_51 : i32
      %scan3A_53 = arith.constant 1 : i32
      %scan3A_54 = scf.for %scan3A_91 = %scan3A_50 to %scan3A_52 step %scan3A_53 iter_args(%scan3A_92 = %scan3A_49) -> (i32)  : i32 {
        %swap3A = arith.index_cast %scan3A_91 : i32 to index
        %swap3A_93 = arith.constant 0 : index
        %swap3A_94 = tpu.vector_load %arg16[%swap3A, %swap3A_93] {strides = array<i32>} : memref<160x128xf32, #tpu.memory_space<vmem>>, vector<1x16xf32>,
        %swap3A_95 = vector.shape_cast %swap3A_94 : vector<1x16xf32> to vector<16xf32>
        %swap3A_96 = vector.shape_cast %broadcast_in_dim3A_48 : vector<16xf32> to vector<1x16xf32>
        tpu.vector_store %arg16[%swap3A, %swap3A_93], %swap3A_96 {strides = array<i32>} : memref<160x128xf32, #tpu.memory_space<vmem>>, vector<1x16xf32>,
        %swap3A_97 = arith.index_cast %scan3A_91 : i32 to index
        %swap3A_98 = arith.constant 16 : index
        %swap3A_99 = tpu.vector_load %arg16[%swap3A_97, %swap3A_98] {strides = array<i32>} : memref<160x128xf32, #tpu.memory_space<vmem>>, vector<1x16xf32>,
        %swap3A_100 = vector.shape_cast %swap3A_99 : vector<1x16xf32> to vector<16xf32>
        %swap3A_101 = vector.shape_cast %broadcast_in_dim3A_48 : vector<16xf32> to vector<1x16xf32>
        tpu.vector_store %arg16[%swap3A_97, %swap3A_98], %swap3A_101 {strides = array<i32>} : memref<160x128xf32, #tpu.memory_space<vmem>>, vector<1x16xf32>,
        %swap3A_102 = arith.index_cast %scan3A_91 : i32 to index
        %swap3A_103 = arith.constant 32 : index
        %swap3A_104 = tpu.vector_load %arg16[%swap3A_102, %swap3A_103] {strides = array<i32>} : memref<160x128xf32, #tpu.memory_space<vmem>>, vector<1x16xf32>,
        %swap3A_105 = vector.shape_cast %swap3A_104 : vector<1x16xf32> to vector<16xf32>
        %swap3A_106 = vector.shape_cast %broadcast_in_dim3A_48 : vector<16xf32> to vector<1x16xf32>
        tpu.vector_store %arg16[%swap3A_102, %swap3A_103], %swap3A_106 {strides = array<i32>} : memref<160x128xf32, #tpu.memory_space<vmem>>, vector<1x16xf32>,
        %swap3A_107 = arith.index_cast %scan3A_91 : i32 to index
        %swap3A_108 = arith.constant 48 : index
        %swap3A_109 = tpu.vector_load %arg16[%swap3A_107, %swap3A_108] {strides = array<i32>} : memref<160x128xf32, #tpu.memory_space<vmem>>, vector<1x16xf32>,
        %swap3A_110 = vector.shape_cast %swap3A_109 : vector<1x16xf32> to vector<16xf32>
        %swap3A_111 = vector.shape_cast %broadcast_in_dim3A_48 : vector<16xf32> to vector<1x16xf32>
        tpu.vector_store %arg16[%swap3A_107, %swap3A_108], %swap3A_111 {strides = array<i32>} : memref<160x128xf32, #tpu.memory_space<vmem>>, vector<1x16xf32>,
        %swap3A_112 = arith.index_cast %scan3A_91 : i32 to index
        %swap3A_113 = arith.constant 64 : index
        %swap3A_114 = tpu.vector_load %arg16[%swap3A_112, %swap3A_113] {strides = array<i32>} : memref<160x128xf32, #tpu.memory_space<vmem>>, vector<1x16xf32>,
        %swap3A_115 = vector.shape_cast %swap3A_114 : vector<1x16xf32> to vector<16xf32>
        %swap3A_116 = vector.shape_cast %broadcast_in_dim3A_48 : vector<16xf32> to vector<1x16xf32>
        tpu.vector_store %arg16[%swap3A_112, %swap3A_113], %swap3A_116 {strides = array<i32>} : memref<160x128xf32, #tpu.memory_space<vmem>>, vector<1x16xf32>,
        %swap3A_117 = arith.index_cast %scan3A_91 : i32 to index
        %swap3A_118 = arith.constant 80 : index
        %swap3A_119 = tpu.vector_load %arg16[%swap3A_117, %swap3A_118] {strides = array<i32>} : memref<160x128xf32, #tpu.memory_space<vmem>>, vector<1x16xf32>,
        %swap3A_120 = vector.shape_cast %swap3A_119 : vector<1x16xf32> to vector<16xf32>
        %swap3A_121 = vector.shape_cast %broadcast_in_dim3A_48 : vector<16xf32> to vector<1x16xf32>
        tpu.vector_store %arg16[%swap3A_117, %swap3A_118], %swap3A_121 {strides = array<i32>} : memref<160x128xf32, #tpu.memory_space<vmem>>, vector<1x16xf32>,
        %swap3A_122 = arith.index_cast %scan3A_91 : i32 to index
        %swap3A_123 = arith.constant 96 : index
        %swap3A_124 = tpu.vector_load %arg16[%swap3A_122, %swap3A_123] {strides = array<i32>} : memref<160x128xf32, #tpu.memory_space<vmem>>, vector<1x16xf32>,
        %swap3A_125 = vector.shape_cast %swap3A_124 : vector<1x16xf32> to vector<16xf32>
        %swap3A_126 = vector.shape_cast %broadcast_in_dim3A_48 : vector<16xf32> to vector<1x16xf32>
        tpu.vector_store %arg16[%swap3A_122, %swap3A_123], %swap3A_126 {strides = array<i32>} : memref<160x128xf32, #tpu.memory_space<vmem>>, vector<1x16xf32>,
        %swap3A_127 = arith.index_cast %scan3A_91 : i32 to index
        %swap3A_128 = arith.constant 112 : index
        %swap3A_129 = tpu.vector_load %arg16[%swap3A_127, %swap3A_128] {strides = array<i32>} : memref<160x128xf32, #tpu.memory_space<vmem>>, vector<1x16xf32>,
        %swap3A_130 = vector.shape_cast %swap3A_129 : vector<1x16xf32> to vector<16xf32>
        %swap3A_131 = vector.shape_cast %broadcast_in_dim3A_48 : vector<16xf32> to vector<1x16xf32>
        tpu.vector_store %arg16[%swap3A_127, %swap3A_128], %swap3A_131 {strides = array<i32>} : memref<160x128xf32, #tpu.memory_space<vmem>>, vector<1x16xf32>,
        %scan3A_132 = arith.constant 0 : i32
        scf.yield %scan3A_132 : i32
      }
      %scan3A_55 = arith.constant 160 : i32
      %scan3A_56 = arith.constant 0 : i32
      %scan3A_57 = arith.constant 0 : i32
      %scan3A_58 = arith.constant 4 : i32
      %scan3A_59 = arith.addi %scan3A_57, %scan3A_58 : i32
      %scan3A_60 = arith.constant 1 : i32
      %scan3A_61 = scf.for %scan3A_91 = %scan3A_57 to %scan3A_59 step %scan3A_60 iter_args(%scan3A_92 = %scan3A_56) -> (i32)  : i32 {
        %mul3A_93 = arith.constant 640 : i32
        %mul3A_94 = arith.muli %arg1, %mul3A_93 : i32
        %mul3A_95 = arith.constant 160 : i32
        %mul3A_96 = arith.muli %scan3A_91, %mul3A_95 : i32
        %add3A_97 = arith.addi %mul3A_94, %mul3A_96 : i32
        "tpu.region"() ({
          %run_scoped3A = tpu.sem_alloc : memref<!tpu.dma_semaphore, #tpu.memory_space<semaphore_mem>>
          %dma_start3A_99 = arith.constant 0 : i32
          %dma_start3A_100 = tpu.memref_slice %arg18[%add3A_97, %dma_start3A_99] : memref<10240x128xf32, #tpu.memory_space<vmem_shared>> -> memref<160x128xf32, #tpu.memory_space<vmem_shared>>
          %dma_start3A_101 = arith.constant 0 : i32
          %dma_start3A_102 = tpu.memref_slice %arg18[%add3A_97, %dma_start3A_101] : memref<10240x128xf32, #tpu.memory_space<vmem_shared>> -> memref<160x128xf32, #tpu.memory_space<vmem_shared>>
          tpu.enqueue_dma source(%arg16 : memref<160x128xf32, #tpu.memory_space<vmem>>) target(%dma_start3A_102 : memref<160x128xf32, #tpu.memory_space<vmem_shared>>) target_semaphore(%run_scoped3A : memref<!tpu.dma_semaphore, #tpu.memory_space<semaphore_mem>>)
          %dma_wait3A_103 = arith.constant 0 : i32
          %dma_wait3A_104 = tpu.memref_slice %arg18[%add3A_97, %dma_wait3A_103] : memref<10240x128xf32, #tpu.memory_space<vmem_shared>> -> memref<160x128xf32, #tpu.memory_space<vmem_shared>>
          %dma_wait3A_105 = arith.constant 0 : i32
          %dma_wait3A_106 = tpu.memref_slice %arg18[%add3A_97, %dma_wait3A_105] : memref<10240x128xf32, #tpu.memory_space<vmem_shared>> -> memref<160x128xf32, #tpu.memory_space<vmem_shared>>
          tpu.wait_dma2 semaphore(%run_scoped3A : memref<!tpu.dma_semaphore, #tpu.memory_space<semaphore_mem>>) src(%arg16 : memref<160x128xf32, #tpu.memory_space<vmem>>) dst(%dma_wait3A_106 : memref<160x128xf32, #tpu.memory_space<vmem_shared>>)
          tpu.yield
        }) : () -> ()
        %scan3A_98 = arith.constant 0 : i32
        scf.yield %scan3A_98 : i32
      }
      %scan3A_62 = arith.constant 4 : i32
      %barrier3A_63 = arith.constant 0 : index
      tpu.barrier barrier_id(%barrier3A_63)
      %broadcast_in_dim3A_64 = arith.constant 1.000000e+00 : f32
      %broadcast_in_dim3A_65 = vector.broadcast %broadcast_in_dim3A_64 : f32 to vector<16xf32>
      %scan3A_66 = arith.constant 0 : i32
      %scan3A_67 = arith.constant 0 : i32
      %scan3A_68 = arith.constant 160 : i32
      %scan3A_69 = arith.addi %scan3A_67, %scan3A_68 : i32
      %scan3A_70 = arith.constant 1 : i32
      %scan3A_71 = scf.for %scan3A_91 = %scan3A_67 to %scan3A_69 step %scan3A_70 iter_args(%scan3A_92 = %scan3A_66) -> (i32)  : i32 {
        %swap3A = arith.index_cast %scan3A_91 : i32 to index
        %swap3A_93 = arith.constant 0 : index
        %swap3A_94 = tpu.vector_load %arg16[%swap3A, %swap3A_93] {strides = array<i32>} : memref<160x128xf32, #tpu.memory_space<vmem>>, vector<1x16xf32>,
        %swap3A_95 = vector.shape_cast %swap3A_94 : vector<1x16xf32> to vector<16xf32>
        %swap3A_96 = vector.shape_cast %broadcast_in_dim3A_65 : vector<16xf32> to vector<1x16xf32>
        tpu.vector_store %arg16[%swap3A, %swap3A_93], %swap3A_96 {strides = array<i32>} : memref<160x128xf32, #tpu.memory_space<vmem>>, vector<1x16xf32>,
        %swap3A_97 = arith.index_cast %scan3A_91 : i32 to index
        %swap3A_98 = arith.constant 16 : index
        %swap3A_99 = tpu.vector_load %arg16[%swap3A_97, %swap3A_98] {strides = array<i32>} : memref<160x128xf32, #tpu.memory_space<vmem>>, vector<1x16xf32>,
        %swap3A_100 = vector.shape_cast %swap3A_99 : vector<1x16xf32> to vector<16xf32>
        %swap3A_101 = vector.shape_cast %broadcast_in_dim3A_65 : vector<16xf32> to vector<1x16xf32>
        tpu.vector_store %arg16[%swap3A_97, %swap3A_98], %swap3A_101 {strides = array<i32>} : memref<160x128xf32, #tpu.memory_space<vmem>>, vector<1x16xf32>,
        %swap3A_102 = arith.index_cast %scan3A_91 : i32 to index
        %swap3A_103 = arith.constant 32 : index
        %swap3A_104 = tpu.vector_load %arg16[%swap3A_102, %swap3A_103] {strides = array<i32>} : memref<160x128xf32, #tpu.memory_space<vmem>>, vector<1x16xf32>,
        %swap3A_105 = vector.shape_cast %swap3A_104 : vector<1x16xf32> to vector<16xf32>
        %swap3A_106 = vector.shape_cast %broadcast_in_dim3A_65 : vector<16xf32> to vector<1x16xf32>
        tpu.vector_store %arg16[%swap3A_102, %swap3A_103], %swap3A_106 {strides = array<i32>} : memref<160x128xf32, #tpu.memory_space<vmem>>, vector<1x16xf32>,
        %swap3A_107 = arith.index_cast %scan3A_91 : i32 to index
        %swap3A_108 = arith.constant 48 : index
        %swap3A_109 = tpu.vector_load %arg16[%swap3A_107, %swap3A_108] {strides = array<i32>} : memref<160x128xf32, #tpu.memory_space<vmem>>, vector<1x16xf32>,
        %swap3A_110 = vector.shape_cast %swap3A_109 : vector<1x16xf32> to vector<16xf32>
        %swap3A_111 = vector.shape_cast %broadcast_in_dim3A_65 : vector<16xf32> to vector<1x16xf32>
        tpu.vector_store %arg16[%swap3A_107, %swap3A_108], %swap3A_111 {strides = array<i32>} : memref<160x128xf32, #tpu.memory_space<vmem>>, vector<1x16xf32>,
        %swap3A_112 = arith.index_cast %scan3A_91 : i32 to index
        %swap3A_113 = arith.constant 64 : index
        %swap3A_114 = tpu.vector_load %arg16[%swap3A_112, %swap3A_113] {strides = array<i32>} : memref<160x128xf32, #tpu.memory_space<vmem>>, vector<1x16xf32>,
        %swap3A_115 = vector.shape_cast %swap3A_114 : vector<1x16xf32> to vector<16xf32>
        %swap3A_116 = vector.shape_cast %broadcast_in_dim3A_65 : vector<16xf32> to vector<1x16xf32>
        tpu.vector_store %arg16[%swap3A_112, %swap3A_113], %swap3A_116 {strides = array<i32>} : memref<160x128xf32, #tpu.memory_space<vmem>>, vector<1x16xf32>,
        %swap3A_117 = arith.index_cast %scan3A_91 : i32 to index
        %swap3A_118 = arith.constant 80 : index
        %swap3A_119 = tpu.vector_load %arg16[%swap3A_117, %swap3A_118] {strides = array<i32>} : memref<160x128xf32, #tpu.memory_space<vmem>>, vector<1x16xf32>,
        %swap3A_120 = vector.shape_cast %swap3A_119 : vector<1x16xf32> to vector<16xf32>
        %swap3A_121 = vector.shape_cast %broadcast_in_dim3A_65 : vector<16xf32> to vector<1x16xf32>
        tpu.vector_store %arg16[%swap3A_117, %swap3A_118], %swap3A_121 {strides = array<i32>} : memref<160x128xf32, #tpu.memory_space<vmem>>, vector<1x16xf32>,
        %swap3A_122 = arith.index_cast %scan3A_91 : i32 to index
        %swap3A_123 = arith.constant 96 : index
        %swap3A_124 = tpu.vector_load %arg16[%swap3A_122, %swap3A_123] {strides = array<i32>} : memref<160x128xf32, #tpu.memory_space<vmem>>, vector<1x16xf32>,
        %swap3A_125 = vector.shape_cast %swap3A_124 : vector<1x16xf32> to vector<16xf32>
        %swap3A_126 = vector.shape_cast %broadcast_in_dim3A_65 : vector<16xf32> to vector<1x16xf32>
        tpu.vector_store %arg16[%swap3A_122, %swap3A_123], %swap3A_126 {strides = array<i32>} : memref<160x128xf32, #tpu.memory_space<vmem>>, vector<1x16xf32>,
        %swap3A_127 = arith.index_cast %scan3A_91 : i32 to index
        %swap3A_128 = arith.constant 112 : index
        %swap3A_129 = tpu.vector_load %arg16[%swap3A_127, %swap3A_128] {strides = array<i32>} : memref<160x128xf32, #tpu.memory_space<vmem>>, vector<1x16xf32>,
        %swap3A_130 = vector.shape_cast %swap3A_129 : vector<1x16xf32> to vector<16xf32>
        %swap3A_131 = vector.shape_cast %broadcast_in_dim3A_65 : vector<16xf32> to vector<1x16xf32>
        tpu.vector_store %arg16[%swap3A_127, %swap3A_128], %swap3A_131 {strides = array<i32>} : memref<160x128xf32, #tpu.memory_space<vmem>>, vector<1x16xf32>,
        %scan3A_132 = arith.constant 0 : i32
        scf.yield %scan3A_132 : i32
      }
      %scan3A_72 = arith.constant 160 : i32
      %scan3A_73 = arith.constant 0 : i32
      %scan3A_74 = arith.constant 0 : i32
      %scan3A_75 = arith.constant 63 : i32
      %scan3A_76 = arith.addi %scan3A_74, %scan3A_75 : i32
      %scan3A_77 = arith.constant 1 : i32
      %scan3A_78 = scf.for %scan3A_91 = %scan3A_74 to %scan3A_76 step %scan3A_77 iter_args(%scan3A_92 = %scan3A_73) -> (i32)  : i32 {
        %gt3A = arith.constant 0 : i32
        %gt3A_93 = arith.cmpi sgt, %scan3A_91, %gt3A : i32
        %convert_element_type3A_94 = arith.extui %gt3A_93 : i1 to i32
        %cond3A_95 = arith.constant 0 : i32
        %cond3A_96 = arith.cmpi ne, %convert_element_type3A_94, %cond3A_95 : i32
        scf.if %cond3A_96 {
          %dma_wait3A_112 = arith.constant 0 : i32
          %dma_wait3A_113 = arith.constant 0 : i32
          %dma_wait3A_114 = tpu.memref_slice %arg18[%dma_wait3A_112, %dma_wait3A_113] : memref<10240x128xf32, #tpu.memory_space<vmem_shared>> -> memref<10240x128xf32, #tpu.memory_space<vmem_shared>>
          tpu.wait_indirect_dma semaphore(%arg19 : memref<!tpu.dma_semaphore, #tpu.memory_space<semaphore_mem>>) src(%arg16 : memref<160x128xf32, #tpu.memory_space<vmem>>) dst(%dma_wait3A_114 : memref<10240x128xf32, #tpu.memory_space<vmem_shared>>)
        } else {
        }
        %mul3A_97 = arith.constant 2 : i32
        %mul3A_98 = arith.muli %mul3A_97, %scan3A_91 : i32
        %mul3A_99 = arith.constant 20000 : i32
        %mul3A_100 = arith.muli %arg1, %mul3A_99 : i32
        %mul3A_101 = arith.constant 160 : i32
        %mul3A_102 = arith.muli %mul3A_98, %mul3A_101 : i32
        %add3A_103 = arith.addi %mul3A_100, %mul3A_102 : i32
        "tpu.region"() ({
          %run_scoped3A = tpu.sem_alloc : memref<!tpu.dma_semaphore, #tpu.memory_space<semaphore_mem>>
          %dma_start3A_112 = tpu.memref_slice %arg5[%add3A_103] : memref<320000xi32, #tpu.memory_space<hbm>> -> memref<160xi32, #tpu.memory_space<hbm>>
          %dma_start3A_113 = tpu.memref_slice %arg5[%add3A_103] : memref<320000xi32, #tpu.memory_space<hbm>> -> memref<160xi32, #tpu.memory_space<hbm>>
          tpu.enqueue_dma source(%dma_start3A_113 : memref<160xi32, #tpu.memory_space<hbm>>) target(%arg13 : memref<160xi32, #tpu.memory_space<vmem>>) target_semaphore(%run_scoped3A : memref<!tpu.dma_semaphore, #tpu.memory_space<semaphore_mem>>)
          %dma_wait3A_114 = tpu.memref_slice %arg5[%add3A_103] : memref<320000xi32, #tpu.memory_space<hbm>> -> memref<160xi32, #tpu.memory_space<hbm>>
          %dma_wait3A_115 = tpu.memref_slice %arg5[%add3A_103] : memref<320000xi32, #tpu.memory_space<hbm>> -> memref<160xi32, #tpu.memory_space<hbm>>
          tpu.wait_dma2 semaphore(%run_scoped3A : memref<!tpu.dma_semaphore, #tpu.memory_space<semaphore_mem>>) src(%dma_wait3A_115 : memref<160xi32, #tpu.memory_space<hbm>>) dst(%arg13 : memref<160xi32, #tpu.memory_space<vmem>>)
          tpu.yield
        }) : () -> ()
        %dma_start3A_104 = arith.constant 0 : i32
        %dma_start3A_105 = arith.constant 0 : i32
        %dma_start3A_106 = tpu.memref_slice %arg18[%dma_start3A_104, %dma_start3A_105] : memref<10240x128xf32, #tpu.memory_space<vmem_shared>> -> memref<10240x128xf32, #tpu.memory_space<vmem_shared>>
        tpu.enqueue_indirect_dma source(%arg16 : memref<160x128xf32, #tpu.memory_space<vmem>>) target(%dma_start3A_106 : memref<10240x128xf32, #tpu.memory_space<vmem_shared>>) offsets(%arg13 : memref<160xi32, #tpu.memory_space<vmem>>) semaphore(%arg19 : memref<!tpu.dma_semaphore, #tpu.memory_space<semaphore_mem>>) {add = true}
        %lt3A = arith.constant 62 : i32
        %lt3A_107 = arith.cmpi slt, %scan3A_91, %lt3A : i32
        %convert_element_type3A_108 = arith.extui %lt3A_107 : i1 to i32
        %cond3A_109 = arith.constant 0 : i32
        %cond3A_110 = arith.cmpi ne, %convert_element_type3A_108, %cond3A_109 : i32
        scf.if %cond3A_110 {
          %gt3A_112 = arith.constant 0 : i32
          %gt3A_113 = arith.cmpi sgt, %scan3A_91, %gt3A_112 : i32
          %convert_element_type3A_114 = arith.extui %gt3A_113 : i1 to i32
          %cond3A_115 = arith.constant 0 : i32
          %cond3A_116 = arith.cmpi ne, %convert_element_type3A_114, %cond3A_115 : i32
          scf.if %cond3A_116 {
            %dma_wait3A_129 = arith.constant 0 : i32
            %dma_wait3A_130 = arith.constant 0 : i32
            %dma_wait3A_131 = tpu.memref_slice %arg18[%dma_wait3A_129, %dma_wait3A_130] : memref<10240x128xf32, #tpu.memory_space<vmem_shared>> -> memref<10240x128xf32, #tpu.memory_space<vmem_shared>>
            tpu.wait_indirect_dma semaphore(%arg20 : memref<!tpu.dma_semaphore, #tpu.memory_space<semaphore_mem>>) src(%arg16 : memref<160x128xf32, #tpu.memory_space<vmem>>) dst(%dma_wait3A_131 : memref<10240x128xf32, #tpu.memory_space<vmem_shared>>)
          } else {
          }
          %mul3A_117 = arith.constant 2 : i32
          %mul3A_118 = arith.muli %mul3A_117, %scan3A_91 : i32
          %add3A_119 = arith.constant 1 : i32
          %add3A_120 = arith.addi %mul3A_118, %add3A_119 : i32
          %mul3A_121 = arith.constant 20000 : i32
          %mul3A_122 = arith.muli %arg1, %mul3A_121 : i32
          %mul3A_123 = arith.constant 160 : i32
          %mul3A_124 = arith.muli %add3A_120, %mul3A_123 : i32
          %add3A_125 = arith.addi %mul3A_122, %mul3A_124 : i32
          "tpu.region"() ({
            %run_scoped3A = tpu.sem_alloc : memref<!tpu.dma_semaphore, #tpu.memory_space<semaphore_mem>>
            %dma_start3A_129 = tpu.memref_slice %arg5[%add3A_125] : memref<320000xi32, #tpu.memory_space<hbm>> -> memref<160xi32, #tpu.memory_space<hbm>>
            %dma_start3A_130 = tpu.memref_slice %arg5[%add3A_125] : memref<320000xi32, #tpu.memory_space<hbm>> -> memref<160xi32, #tpu.memory_space<hbm>>
            tpu.enqueue_dma source(%dma_start3A_130 : memref<160xi32, #tpu.memory_space<hbm>>) target(%arg15 : memref<160xi32, #tpu.memory_space<vmem>>) target_semaphore(%run_scoped3A : memref<!tpu.dma_semaphore, #tpu.memory_space<semaphore_mem>>)
            %dma_wait3A_131 = tpu.memref_slice %arg5[%add3A_125] : memref<320000xi32, #tpu.memory_space<hbm>> -> memref<160xi32, #tpu.memory_space<hbm>>
            %dma_wait3A_132 = tpu.memref_slice %arg5[%add3A_125] : memref<320000xi32, #tpu.memory_space<hbm>> -> memref<160xi32, #tpu.memory_space<hbm>>
            tpu.wait_dma2 semaphore(%run_scoped3A : memref<!tpu.dma_semaphore, #tpu.memory_space<semaphore_mem>>) src(%dma_wait3A_132 : memref<160xi32, #tpu.memory_space<hbm>>) dst(%arg15 : memref<160xi32, #tpu.memory_space<vmem>>)
            tpu.yield
          }) : () -> ()
          %dma_start3A_126 = arith.constant 0 : i32
          %dma_start3A_127 = arith.constant 0 : i32
          %dma_start3A_128 = tpu.memref_slice %arg18[%dma_start3A_126, %dma_start3A_127] : memref<10240x128xf32, #tpu.memory_space<vmem_shared>> -> memref<10240x128xf32, #tpu.memory_space<vmem_shared>>
          tpu.enqueue_indirect_dma source(%arg16 : memref<160x128xf32, #tpu.memory_space<vmem>>) target(%dma_start3A_128 : memref<10240x128xf32, #tpu.memory_space<vmem_shared>>) offsets(%arg15 : memref<160xi32, #tpu.memory_space<vmem>>) semaphore(%arg20 : memref<!tpu.dma_semaphore, #tpu.memory_space<semaphore_mem>>) {add = true}
        } else {
        }
        %scan3A_111 = arith.constant 0 : i32
        scf.yield %scan3A_111 : i32
      }
      %scan3A_79 = arith.constant 63 : i32
      %dma_wait3A_80 = arith.constant 0 : i32
      %dma_wait3A_81 = arith.constant 0 : i32
      %dma_wait3A_82 = tpu.memref_slice %arg18[%dma_wait3A_80, %dma_wait3A_81] : memref<10240x128xf32, #tpu.memory_space<vmem_shared>> -> memref<10240x128xf32, #tpu.memory_space<vmem_shared>>
      tpu.wait_indirect_dma semaphore(%arg19 : memref<!tpu.dma_semaphore, #tpu.memory_space<semaphore_mem>>) src(%arg16 : memref<160x128xf32, #tpu.memory_space<vmem>>) dst(%dma_wait3A_82 : memref<10240x128xf32, #tpu.memory_space<vmem_shared>>)
      %dma_wait3A_83 = arith.constant 0 : i32
      %dma_wait3A_84 = arith.constant 0 : i32
      %dma_wait3A_85 = tpu.memref_slice %arg18[%dma_wait3A_83, %dma_wait3A_84] : memref<10240x128xf32, #tpu.memory_space<vmem_shared>> -> memref<10240x128xf32, #tpu.memory_space<vmem_shared>>
      tpu.wait_indirect_dma semaphore(%arg20 : memref<!tpu.dma_semaphore, #tpu.memory_space<semaphore_mem>>) src(%arg16 : memref<160x128xf32, #tpu.memory_space<vmem>>) dst(%dma_wait3A_85 : memref<10240x128xf32, #tpu.memory_space<vmem_shared>>)
      %barrier3A_86 = arith.constant 0 : index
      tpu.barrier barrier_id(%barrier3A_86)
      %mul3A_87 = arith.constant 640 : i32
      %mul3A_88 = arith.muli %arg1, %mul3A_87 : i32
      %mul3A_89 = arith.constant 640 : i32
      %mul3A_90 = arith.muli %arg1, %mul3A_89 : i32
      "tpu.region"() ({
        %run_scoped3A = tpu.sem_alloc : memref<!tpu.dma_semaphore, #tpu.memory_space<semaphore_mem>>
        %dma_start3A_91 = arith.constant 0 : i32
        %dma_start3A_92 = tpu.memref_slice %arg11[%mul3A_90, %dma_start3A_91] : memref<10240x128xf32, #tpu.memory_space<hbm>> -> memref<640x128xf32, #tpu.memory_space<hbm>>
        %dma_start3A_93 = arith.constant 0 : i32
        %dma_start3A_94 = tpu.memref_slice %arg18[%mul3A_88, %dma_start3A_93] : memref<10240x128xf32, #tpu.memory_space<vmem_shared>> -> memref<640x128xf32, #tpu.memory_space<vmem_shared>>
        tpu.enqueue_dma source(%dma_start3A_94 : memref<640x128xf32, #tpu.memory_space<vmem_shared>>) target(%dma_start3A_92 : memref<640x128xf32, #tpu.memory_space<hbm>>) target_semaphore(%run_scoped3A : memref<!tpu.dma_semaphore, #tpu.memory_space<semaphore_mem>>)
        %dma_wait3A_95 = arith.constant 0 : i32
        %dma_wait3A_96 = tpu.memref_slice %arg11[%mul3A_90, %dma_wait3A_95] : memref<10240x128xf32, #tpu.memory_space<hbm>> -> memref<640x128xf32, #tpu.memory_space<hbm>>
        %dma_wait3A_97 = arith.constant 0 : i32
        %dma_wait3A_98 = tpu.memref_slice %arg18[%mul3A_88, %dma_wait3A_97] : memref<10240x128xf32, #tpu.memory_space<vmem_shared>> -> memref<640x128xf32, #tpu.memory_space<vmem_shared>>
        tpu.wait_dma2 semaphore(%run_scoped3A : memref<!tpu.dma_semaphore, #tpu.memory_space<semaphore_mem>>) src(%dma_wait3A_98 : memref<640x128xf32, #tpu.memory_space<vmem_shared>>) dst(%dma_wait3A_96 : memref<640x128xf32, #tpu.memory_space<hbm>>)
        tpu.yield
      }) : () -> ()
    } else {
    }
    %eq3A_2 = arith.constant 1 : i32
    %eq3A_3 = arith.cmpi eq, %arg0, %eq3A_2 : i32
    %convert_element_type3A_4 = arith.extui %eq3A_3 : i1 to i32
    %cond3A_5 = arith.constant 0 : i32
    %cond3A_6 = arith.cmpi ne, %convert_element_type3A_4, %cond3A_5 : i32
    scf.if %cond3A_6 {
      %broadcast_in_dim3A = arith.constant 0.000000e+00 : f32
      %broadcast_in_dim3A_7 = vector.broadcast %broadcast_in_dim3A : f32 to vector<16xf32>
      %scan3A = arith.constant 0 : i32
      %scan3A_8 = arith.constant 0 : i32
      %scan3A_9 = arith.constant 160 : i32
      %scan3A_10 = arith.addi %scan3A_8, %scan3A_9 : i32
      %scan3A_11 = arith.constant 1 : i32
      %scan3A_12 = scf.for %scan3A_91 = %scan3A_8 to %scan3A_10 step %scan3A_11 iter_args(%scan3A_92 = %scan3A) -> (i32)  : i32 {
        %swap3A = arith.index_cast %scan3A_91 : i32 to index
        %swap3A_93 = arith.constant 0 : index
        %swap3A_94 = tpu.vector_load %arg16[%swap3A, %swap3A_93] {strides = array<i32>} : memref<160x128xf32, #tpu.memory_space<vmem>>, vector<1x16xf32>,
        %swap3A_95 = vector.shape_cast %swap3A_94 : vector<1x16xf32> to vector<16xf32>
        %swap3A_96 = vector.shape_cast %broadcast_in_dim3A_7 : vector<16xf32> to vector<1x16xf32>
        tpu.vector_store %arg16[%swap3A, %swap3A_93], %swap3A_96 {strides = array<i32>} : memref<160x128xf32, #tpu.memory_space<vmem>>, vector<1x16xf32>,
        %swap3A_97 = arith.index_cast %scan3A_91 : i32 to index
        %swap3A_98 = arith.constant 16 : index
        %swap3A_99 = tpu.vector_load %arg16[%swap3A_97, %swap3A_98] {strides = array<i32>} : memref<160x128xf32, #tpu.memory_space<vmem>>, vector<1x16xf32>,
        %swap3A_100 = vector.shape_cast %swap3A_99 : vector<1x16xf32> to vector<16xf32>
        %swap3A_101 = vector.shape_cast %broadcast_in_dim3A_7 : vector<16xf32> to vector<1x16xf32>
        tpu.vector_store %arg16[%swap3A_97, %swap3A_98], %swap3A_101 {strides = array<i32>} : memref<160x128xf32, #tpu.memory_space<vmem>>, vector<1x16xf32>,
        %swap3A_102 = arith.index_cast %scan3A_91 : i32 to index
        %swap3A_103 = arith.constant 32 : index
        %swap3A_104 = tpu.vector_load %arg16[%swap3A_102, %swap3A_103] {strides = array<i32>} : memref<160x128xf32, #tpu.memory_space<vmem>>, vector<1x16xf32>,
        %swap3A_105 = vector.shape_cast %swap3A_104 : vector<1x16xf32> to vector<16xf32>
        %swap3A_106 = vector.shape_cast %broadcast_in_dim3A_7 : vector<16xf32> to vector<1x16xf32>
        tpu.vector_store %arg16[%swap3A_102, %swap3A_103], %swap3A_106 {strides = array<i32>} : memref<160x128xf32, #tpu.memory_space<vmem>>, vector<1x16xf32>,
        %swap3A_107 = arith.index_cast %scan3A_91 : i32 to index
        %swap3A_108 = arith.constant 48 : index
        %swap3A_109 = tpu.vector_load %arg16[%swap3A_107, %swap3A_108] {strides = array<i32>} : memref<160x128xf32, #tpu.memory_space<vmem>>, vector<1x16xf32>,
        %swap3A_110 = vector.shape_cast %swap3A_109 : vector<1x16xf32> to vector<16xf32>
        %swap3A_111 = vector.shape_cast %broadcast_in_dim3A_7 : vector<16xf32> to vector<1x16xf32>
        tpu.vector_store %arg16[%swap3A_107, %swap3A_108], %swap3A_111 {strides = array<i32>} : memref<160x128xf32, #tpu.memory_space<vmem>>, vector<1x16xf32>,
        %swap3A_112 = arith.index_cast %scan3A_91 : i32 to index
        %swap3A_113 = arith.constant 64 : index
        %swap3A_114 = tpu.vector_load %arg16[%swap3A_112, %swap3A_113] {strides = array<i32>} : memref<160x128xf32, #tpu.memory_space<vmem>>, vector<1x16xf32>,
        %swap3A_115 = vector.shape_cast %swap3A_114 : vector<1x16xf32> to vector<16xf32>
        %swap3A_116 = vector.shape_cast %broadcast_in_dim3A_7 : vector<16xf32> to vector<1x16xf32>
        tpu.vector_store %arg16[%swap3A_112, %swap3A_113], %swap3A_116 {strides = array<i32>} : memref<160x128xf32, #tpu.memory_space<vmem>>, vector<1x16xf32>,
        %swap3A_117 = arith.index_cast %scan3A_91 : i32 to index
        %swap3A_118 = arith.constant 80 : index
        %swap3A_119 = tpu.vector_load %arg16[%swap3A_117, %swap3A_118] {strides = array<i32>} : memref<160x128xf32, #tpu.memory_space<vmem>>, vector<1x16xf32>,
        %swap3A_120 = vector.shape_cast %swap3A_119 : vector<1x16xf32> to vector<16xf32>
        %swap3A_121 = vector.shape_cast %broadcast_in_dim3A_7 : vector<16xf32> to vector<1x16xf32>
        tpu.vector_store %arg16[%swap3A_117, %swap3A_118], %swap3A_121 {strides = array<i32>} : memref<160x128xf32, #tpu.memory_space<vmem>>, vector<1x16xf32>,
        %swap3A_122 = arith.index_cast %scan3A_91 : i32 to index
        %swap3A_123 = arith.constant 96 : index
        %swap3A_124 = tpu.vector_load %arg16[%swap3A_122, %swap3A_123] {strides = array<i32>} : memref<160x128xf32, #tpu.memory_space<vmem>>, vector<1x16xf32>,
        %swap3A_125 = vector.shape_cast %swap3A_124 : vector<1x16xf32> to vector<16xf32>
        %swap3A_126 = vector.shape_cast %broadcast_in_dim3A_7 : vector<16xf32> to vector<1x16xf32>
        tpu.vector_store %arg16[%swap3A_122, %swap3A_123], %swap3A_126 {strides = array<i32>} : memref<160x128xf32, #tpu.memory_space<vmem>>, vector<1x16xf32>,
        %swap3A_127 = arith.index_cast %scan3A_91 : i32 to index
        %swap3A_128 = arith.constant 112 : index
        %swap3A_129 = tpu.vector_load %arg16[%swap3A_127, %swap3A_128] {strides = array<i32>} : memref<160x128xf32, #tpu.memory_space<vmem>>, vector<1x16xf32>,
        %swap3A_130 = vector.shape_cast %swap3A_129 : vector<1x16xf32> to vector<16xf32>
        %swap3A_131 = vector.shape_cast %broadcast_in_dim3A_7 : vector<16xf32> to vector<1x16xf32>
        tpu.vector_store %arg16[%swap3A_127, %swap3A_128], %swap3A_131 {strides = array<i32>} : memref<160x128xf32, #tpu.memory_space<vmem>>, vector<1x16xf32>,
        %scan3A_132 = arith.constant 0 : i32
        scf.yield %scan3A_132 : i32
      }
      %scan3A_13 = arith.constant 160 : i32
      %scan3A_14 = arith.constant 0 : i32
      %scan3A_15 = arith.constant 0 : i32
      %scan3A_16 = arith.constant 4 : i32
      %scan3A_17 = arith.addi %scan3A_15, %scan3A_16 : i32
      %scan3A_18 = arith.constant 1 : i32
      %scan3A_19 = scf.for %scan3A_91 = %scan3A_15 to %scan3A_17 step %scan3A_18 iter_args(%scan3A_92 = %scan3A_14) -> (i32)  : i32 {
        %mul3A_93 = arith.constant 640 : i32
        %mul3A_94 = arith.muli %arg1, %mul3A_93 : i32
        %mul3A_95 = arith.constant 160 : i32
        %mul3A_96 = arith.muli %scan3A_91, %mul3A_95 : i32
        %add3A_97 = arith.addi %mul3A_94, %mul3A_96 : i32
        "tpu.region"() ({
          %run_scoped3A = tpu.sem_alloc : memref<!tpu.dma_semaphore, #tpu.memory_space<semaphore_mem>>
          %dma_start3A_99 = arith.constant 0 : i32
          %dma_start3A_100 = tpu.memref_slice %arg18[%add3A_97, %dma_start3A_99] : memref<10240x128xf32, #tpu.memory_space<vmem_shared>> -> memref<160x128xf32, #tpu.memory_space<vmem_shared>>
          %dma_start3A_101 = arith.constant 0 : i32
          %dma_start3A_102 = tpu.memref_slice %arg18[%add3A_97, %dma_start3A_101] : memref<10240x128xf32, #tpu.memory_space<vmem_shared>> -> memref<160x128xf32, #tpu.memory_space<vmem_shared>>
          tpu.enqueue_dma source(%arg16 : memref<160x128xf32, #tpu.memory_space<vmem>>) target(%dma_start3A_102 : memref<160x128xf32, #tpu.memory_space<vmem_shared>>) target_semaphore(%run_scoped3A : memref<!tpu.dma_semaphore, #tpu.memory_space<semaphore_mem>>)
          %dma_wait3A_103 = arith.constant 0 : i32
          %dma_wait3A_104 = tpu.memref_slice %arg18[%add3A_97, %dma_wait3A_103] : memref<10240x128xf32, #tpu.memory_space<vmem_shared>> -> memref<160x128xf32, #tpu.memory_space<vmem_shared>>
          %dma_wait3A_105 = arith.constant 0 : i32
          %dma_wait3A_106 = tpu.memref_slice %arg18[%add3A_97, %dma_wait3A_105] : memref<10240x128xf32, #tpu.memory_space<vmem_shared>> -> memref<160x128xf32, #tpu.memory_space<vmem_shared>>
          tpu.wait_dma2 semaphore(%run_scoped3A : memref<!tpu.dma_semaphore, #tpu.memory_space<semaphore_mem>>) src(%arg16 : memref<160x128xf32, #tpu.memory_space<vmem>>) dst(%dma_wait3A_106 : memref<160x128xf32, #tpu.memory_space<vmem_shared>>)
          tpu.yield
        }) : () -> ()
        %scan3A_98 = arith.constant 0 : i32
        scf.yield %scan3A_98 : i32
      }
      %scan3A_20 = arith.constant 4 : i32
      %barrier3A = arith.constant 0 : index
      tpu.barrier barrier_id(%barrier3A)
      %mul3A = arith.constant 20000 : i32
      %mul3A_21 = arith.muli %arg1, %mul3A : i32
      %add3A = arith.constant 0 : i32
      %add3A_22 = arith.addi %mul3A_21, %add3A : i32
      "tpu.region"() ({
        %run_scoped3A = tpu.sem_alloc : memref<!tpu.dma_semaphore, #tpu.memory_space<semaphore_mem>>
        %dma_start3A_91 = tpu.memref_slice %arg6[%add3A_22] : memref<320000xi32, #tpu.memory_space<hbm>> -> memref<160xi32, #tpu.memory_space<hbm>>
        %dma_start3A_92 = tpu.memref_slice %arg6[%add3A_22] : memref<320000xi32, #tpu.memory_space<hbm>> -> memref<160xi32, #tpu.memory_space<hbm>>
        tpu.enqueue_dma source(%dma_start3A_92 : memref<160xi32, #tpu.memory_space<hbm>>) target(%arg12 : memref<160xi32, #tpu.memory_space<vmem>>) target_semaphore(%run_scoped3A : memref<!tpu.dma_semaphore, #tpu.memory_space<semaphore_mem>>)
        %dma_wait3A_93 = tpu.memref_slice %arg6[%add3A_22] : memref<320000xi32, #tpu.memory_space<hbm>> -> memref<160xi32, #tpu.memory_space<hbm>>
        %dma_wait3A_94 = tpu.memref_slice %arg6[%add3A_22] : memref<320000xi32, #tpu.memory_space<hbm>> -> memref<160xi32, #tpu.memory_space<hbm>>
        tpu.wait_dma2 semaphore(%run_scoped3A : memref<!tpu.dma_semaphore, #tpu.memory_space<semaphore_mem>>) src(%dma_wait3A_94 : memref<160xi32, #tpu.memory_space<hbm>>) dst(%arg12 : memref<160xi32, #tpu.memory_space<vmem>>)
        tpu.yield
      }) : () -> ()
      "tpu.region"() ({
        %run_scoped3A = tpu.sem_alloc : memref<!tpu.dma_semaphore, #tpu.memory_space<semaphore_mem>>
        %dma_start3A_91 = tpu.memref_slice %arg7[%add3A_22] : memref<320000xi32, #tpu.memory_space<hbm>> -> memref<160xi32, #tpu.memory_space<hbm>>
        %dma_start3A_92 = tpu.memref_slice %arg7[%add3A_22] : memref<320000xi32, #tpu.memory_space<hbm>> -> memref<160xi32, #tpu.memory_space<hbm>>
        tpu.enqueue_dma source(%dma_start3A_92 : memref<160xi32, #tpu.memory_space<hbm>>) target(%arg13 : memref<160xi32, #tpu.memory_space<vmem>>) target_semaphore(%run_scoped3A : memref<!tpu.dma_semaphore, #tpu.memory_space<semaphore_mem>>)
        %dma_wait3A_93 = tpu.memref_slice %arg7[%add3A_22] : memref<320000xi32, #tpu.memory_space<hbm>> -> memref<160xi32, #tpu.memory_space<hbm>>
        %dma_wait3A_94 = tpu.memref_slice %arg7[%add3A_22] : memref<320000xi32, #tpu.memory_space<hbm>> -> memref<160xi32, #tpu.memory_space<hbm>>
        tpu.wait_dma2 semaphore(%run_scoped3A : memref<!tpu.dma_semaphore, #tpu.memory_space<semaphore_mem>>) src(%dma_wait3A_94 : memref<160xi32, #tpu.memory_space<hbm>>) dst(%arg13 : memref<160xi32, #tpu.memory_space<vmem>>)
        tpu.yield
      }) : () -> ()
      %dma_start3A = arith.constant 0 : i32
      %dma_start3A_23 = arith.constant 0 : i32
      %dma_start3A_24 = tpu.memref_slice %arg3[%dma_start3A, %dma_start3A_23] : memref<10000x128xf32, #tpu.memory_space<hbm>> -> memref<10000x128xf32, #tpu.memory_space<hbm>>
      tpu.enqueue_indirect_dma source(%dma_start3A_24 : memref<10000x128xf32, #tpu.memory_space<hbm>>) target(%arg16 : memref<160x128xf32, #tpu.memory_space<vmem>>) offsets(%arg12 : memref<160xi32, #tpu.memory_space<vmem>>) semaphore(%arg19 : memref<!tpu.dma_semaphore, #tpu.memory_space<semaphore_mem>>)
      %mul3A_25 = arith.constant 20000 : i32
      %mul3A_26 = arith.muli %arg1, %mul3A_25 : i32
      %add3A_27 = arith.constant 160 : i32
      %add3A_28 = arith.addi %mul3A_26, %add3A_27 : i32
      "tpu.region"() ({
        %run_scoped3A = tpu.sem_alloc : memref<!tpu.dma_semaphore, #tpu.memory_space<semaphore_mem>>
        %dma_start3A_91 = tpu.memref_slice %arg6[%add3A_28] : memref<320000xi32, #tpu.memory_space<hbm>> -> memref<160xi32, #tpu.memory_space<hbm>>
        %dma_start3A_92 = tpu.memref_slice %arg6[%add3A_28] : memref<320000xi32, #tpu.memory_space<hbm>> -> memref<160xi32, #tpu.memory_space<hbm>>
        tpu.enqueue_dma source(%dma_start3A_92 : memref<160xi32, #tpu.memory_space<hbm>>) target(%arg14 : memref<160xi32, #tpu.memory_space<vmem>>) target_semaphore(%run_scoped3A : memref<!tpu.dma_semaphore, #tpu.memory_space<semaphore_mem>>)
        %dma_wait3A_93 = tpu.memref_slice %arg6[%add3A_28] : memref<320000xi32, #tpu.memory_space<hbm>> -> memref<160xi32, #tpu.memory_space<hbm>>
        %dma_wait3A_94 = tpu.memref_slice %arg6[%add3A_28] : memref<320000xi32, #tpu.memory_space<hbm>> -> memref<160xi32, #tpu.memory_space<hbm>>
        tpu.wait_dma2 semaphore(%run_scoped3A : memref<!tpu.dma_semaphore, #tpu.memory_space<semaphore_mem>>) src(%dma_wait3A_94 : memref<160xi32, #tpu.memory_space<hbm>>) dst(%arg14 : memref<160xi32, #tpu.memory_space<vmem>>)
        tpu.yield
      }) : () -> ()
      "tpu.region"() ({
        %run_scoped3A = tpu.sem_alloc : memref<!tpu.dma_semaphore, #tpu.memory_space<semaphore_mem>>
        %dma_start3A_91 = tpu.memref_slice %arg7[%add3A_28] : memref<320000xi32, #tpu.memory_space<hbm>> -> memref<160xi32, #tpu.memory_space<hbm>>
        %dma_start3A_92 = tpu.memref_slice %arg7[%add3A_28] : memref<320000xi32, #tpu.memory_space<hbm>> -> memref<160xi32, #tpu.memory_space<hbm>>
        tpu.enqueue_dma source(%dma_start3A_92 : memref<160xi32, #tpu.memory_space<hbm>>) target(%arg15 : memref<160xi32, #tpu.memory_space<vmem>>) target_semaphore(%run_scoped3A : memref<!tpu.dma_semaphore, #tpu.memory_space<semaphore_mem>>)
        %dma_wait3A_93 = tpu.memref_slice %arg7[%add3A_28] : memref<320000xi32, #tpu.memory_space<hbm>> -> memref<160xi32, #tpu.memory_space<hbm>>
        %dma_wait3A_94 = tpu.memref_slice %arg7[%add3A_28] : memref<320000xi32, #tpu.memory_space<hbm>> -> memref<160xi32, #tpu.memory_space<hbm>>
        tpu.wait_dma2 semaphore(%run_scoped3A : memref<!tpu.dma_semaphore, #tpu.memory_space<semaphore_mem>>) src(%dma_wait3A_94 : memref<160xi32, #tpu.memory_space<hbm>>) dst(%arg15 : memref<160xi32, #tpu.memory_space<vmem>>)
        tpu.yield
      }) : () -> ()
      %dma_start3A_29 = arith.constant 0 : i32
      %dma_start3A_30 = arith.constant 0 : i32
      %dma_start3A_31 = tpu.memref_slice %arg3[%dma_start3A_29, %dma_start3A_30] : memref<10000x128xf32, #tpu.memory_space<hbm>> -> memref<10000x128xf32, #tpu.memory_space<hbm>>
      tpu.enqueue_indirect_dma source(%dma_start3A_31 : memref<10000x128xf32, #tpu.memory_space<hbm>>) target(%arg17 : memref<160x128xf32, #tpu.memory_space<vmem>>) offsets(%arg14 : memref<160xi32, #tpu.memory_space<vmem>>) semaphore(%arg20 : memref<!tpu.dma_semaphore, #tpu.memory_space<semaphore_mem>>)
      %scan3A_32 = arith.constant 0 : i32
      %scan3A_33 = arith.constant 0 : i32
      %scan3A_34 = arith.constant 62 : i32
      %scan3A_35 = arith.addi %scan3A_33, %scan3A_34 : i32
      %scan3A_36 = arith.constant 1 : i32
      %scan3A_37 = scf.for %scan3A_91 = %scan3A_33 to %scan3A_35 step %scan3A_36 iter_args(%scan3A_92 = %scan3A_32) -> (i32)  : i32 {
        %dma_wait3A_93 = arith.constant 0 : i32
        %dma_wait3A_94 = arith.constant 0 : i32
        %dma_wait3A_95 = tpu.memref_slice %arg3[%dma_wait3A_93, %dma_wait3A_94] : memref<10000x128xf32, #tpu.memory_space<hbm>> -> memref<10000x128xf32, #tpu.memory_space<hbm>>
        tpu.wait_indirect_dma semaphore(%arg19 : memref<!tpu.dma_semaphore, #tpu.memory_space<semaphore_mem>>) src(%dma_wait3A_95 : memref<10000x128xf32, #tpu.memory_space<hbm>>) dst(%arg16 : memref<160x128xf32, #tpu.memory_space<vmem>>)
        %dma_start3A_96 = arith.constant 0 : i32
        %dma_start3A_97 = arith.constant 0 : i32
        %dma_start3A_98 = tpu.memref_slice %arg18[%dma_start3A_96, %dma_start3A_97] : memref<10240x128xf32, #tpu.memory_space<vmem_shared>> -> memref<10240x128xf32, #tpu.memory_space<vmem_shared>>
        tpu.enqueue_indirect_dma source(%arg16 : memref<160x128xf32, #tpu.memory_space<vmem>>) target(%dma_start3A_98 : memref<10240x128xf32, #tpu.memory_space<vmem_shared>>) offsets(%arg13 : memref<160xi32, #tpu.memory_space<vmem>>) semaphore(%arg19 : memref<!tpu.dma_semaphore, #tpu.memory_space<semaphore_mem>>) {add = true}
        %mul3A_99 = arith.constant 2 : i32
        %mul3A_100 = arith.muli %mul3A_99, %scan3A_91 : i32
        %add3A_101 = arith.constant 2 : i32
        %add3A_102 = arith.addi %mul3A_100, %add3A_101 : i32
        %mul3A_103 = arith.constant 20000 : i32
        %mul3A_104 = arith.muli %arg1, %mul3A_103 : i32
        %mul3A_105 = arith.constant 160 : i32
        %mul3A_106 = arith.muli %add3A_102, %mul3A_105 : i32
        %add3A_107 = arith.addi %mul3A_104, %mul3A_106 : i32
        "tpu.region"() ({
          %run_scoped3A = tpu.sem_alloc : memref<!tpu.dma_semaphore, #tpu.memory_space<semaphore_mem>>
          %dma_start3A_142 = tpu.memref_slice %arg6[%add3A_107] : memref<320000xi32, #tpu.memory_space<hbm>> -> memref<160xi32, #tpu.memory_space<hbm>>
          %dma_start3A_143 = tpu.memref_slice %arg6[%add3A_107] : memref<320000xi32, #tpu.memory_space<hbm>> -> memref<160xi32, #tpu.memory_space<hbm>>
          tpu.enqueue_dma source(%dma_start3A_143 : memref<160xi32, #tpu.memory_space<hbm>>) target(%arg12 : memref<160xi32, #tpu.memory_space<vmem>>) target_semaphore(%run_scoped3A : memref<!tpu.dma_semaphore, #tpu.memory_space<semaphore_mem>>)
          %dma_wait3A_144 = tpu.memref_slice %arg6[%add3A_107] : memref<320000xi32, #tpu.memory_space<hbm>> -> memref<160xi32, #tpu.memory_space<hbm>>
          %dma_wait3A_145 = tpu.memref_slice %arg6[%add3A_107] : memref<320000xi32, #tpu.memory_space<hbm>> -> memref<160xi32, #tpu.memory_space<hbm>>
          tpu.wait_dma2 semaphore(%run_scoped3A : memref<!tpu.dma_semaphore, #tpu.memory_space<semaphore_mem>>) src(%dma_wait3A_145 : memref<160xi32, #tpu.memory_space<hbm>>) dst(%arg12 : memref<160xi32, #tpu.memory_space<vmem>>)
          tpu.yield
        }) : () -> ()
        %dma_wait3A_108 = arith.constant 0 : i32
        %dma_wait3A_109 = arith.constant 0 : i32
        %dma_wait3A_110 = tpu.memref_slice %arg18[%dma_wait3A_108, %dma_wait3A_109] : memref<10240x128xf32, #tpu.memory_space<vmem_shared>> -> memref<10240x128xf32, #tpu.memory_space<vmem_shared>>
        tpu.wait_indirect_dma semaphore(%arg19 : memref<!tpu.dma_semaphore, #tpu.memory_space<semaphore_mem>>) src(%arg16 : memref<160x128xf32, #tpu.memory_space<vmem>>) dst(%dma_wait3A_110 : memref<10240x128xf32, #tpu.memory_space<vmem_shared>>)
        %mul3A_111 = arith.constant 20000 : i32
        %mul3A_112 = arith.muli %arg1, %mul3A_111 : i32
        %mul3A_113 = arith.constant 2 : i32
        %mul3A_114 = arith.muli %mul3A_113, %scan3A_91 : i32
        %add3A_115 = arith.constant 2 : i32
        %add3A_116 = arith.addi %mul3A_114, %add3A_115 : i32
        %mul3A_117 = arith.constant 160 : i32
        %mul3A_118 = arith.muli %add3A_116, %mul3A_117 : i32
        %add3A_119 = arith.addi %mul3A_112, %mul3A_118 : i32
        "tpu.region"() ({
          %run_scoped3A = tpu.sem_alloc : memref<!tpu.dma_semaphore, #tpu.memory_space<semaphore_mem>>
          %dma_start3A_142 = tpu.memref_slice %arg7[%add3A_119] : memref<320000xi32, #tpu.memory_space<hbm>> -> memref<160xi32, #tpu.memory_space<hbm>>
          %dma_start3A_143 = tpu.memref_slice %arg7[%add3A_119] : memref<320000xi32, #tpu.memory_space<hbm>> -> memref<160xi32, #tpu.memory_space<hbm>>
          tpu.enqueue_dma source(%dma_start3A_143 : memref<160xi32, #tpu.memory_space<hbm>>) target(%arg13 : memref<160xi32, #tpu.memory_space<vmem>>) target_semaphore(%run_scoped3A : memref<!tpu.dma_semaphore, #tpu.memory_space<semaphore_mem>>)
          %dma_wait3A_144 = tpu.memref_slice %arg7[%add3A_119] : memref<320000xi32, #tpu.memory_space<hbm>> -> memref<160xi32, #tpu.memory_space<hbm>>
          %dma_wait3A_145 = tpu.memref_slice %arg7[%add3A_119] : memref<320000xi32, #tpu.memory_space<hbm>> -> memref<160xi32, #tpu.memory_space<hbm>>
          tpu.wait_dma2 semaphore(%run_scoped3A : memref<!tpu.dma_semaphore, #tpu.memory_space<semaphore_mem>>) src(%dma_wait3A_145 : memref<160xi32, #tpu.memory_space<hbm>>) dst(%arg13 : memref<160xi32, #tpu.memory_space<vmem>>)
          tpu.yield
        }) : () -> ()
        %dma_start3A_120 = arith.constant 0 : i32
        %dma_start3A_121 = arith.constant 0 : i32
        %dma_start3A_122 = tpu.memref_slice %arg3[%dma_start3A_120, %dma_start3A_121] : memref<10000x128xf32, #tpu.memory_space<hbm>> -> memref<10000x128xf32, #tpu.memory_space<hbm>>
        tpu.enqueue_indirect_dma source(%dma_start3A_122 : memref<10000x128xf32, #tpu.memory_space<hbm>>) target(%arg16 : memref<160x128xf32, #tpu.memory_space<vmem>>) offsets(%arg12 : memref<160xi32, #tpu.memory_space<vmem>>) semaphore(%arg19 : memref<!tpu.dma_semaphore, #tpu.memory_space<semaphore_mem>>)
        %dma_wait3A_123 = arith.constant 0 : i32
        %dma_wait3A_124 = arith.constant 0 : i32
        %dma_wait3A_125 = tpu.memref_slice %arg3[%dma_wait3A_123, %dma_wait3A_124] : memref<10000x128xf32, #tpu.memory_space<hbm>> -> memref<10000x128xf32, #tpu.memory_space<hbm>>
        tpu.wait_indirect_dma semaphore(%arg20 : memref<!tpu.dma_semaphore, #tpu.memory_space<semaphore_mem>>) src(%dma_wait3A_125 : memref<10000x128xf32, #tpu.memory_space<hbm>>) dst(%arg17 : memref<160x128xf32, #tpu.memory_space<vmem>>)
        %dma_start3A_126 = arith.constant 0 : i32
        %dma_start3A_127 = arith.constant 0 : i32
        %dma_start3A_128 = tpu.memref_slice %arg18[%dma_start3A_126, %dma_start3A_127] : memref<10240x128xf32, #tpu.memory_space<vmem_shared>> -> memref<10240x128xf32, #tpu.memory_space<vmem_shared>>
        tpu.enqueue_indirect_dma source(%arg17 : memref<160x128xf32, #tpu.memory_space<vmem>>) target(%dma_start3A_128 : memref<10240x128xf32, #tpu.memory_space<vmem_shared>>) offsets(%arg15 : memref<160xi32, #tpu.memory_space<vmem>>) semaphore(%arg20 : memref<!tpu.dma_semaphore, #tpu.memory_space<semaphore_mem>>) {add = true}
        %lt3A = arith.constant 61 : i32
        %lt3A_129 = arith.cmpi slt, %scan3A_91, %lt3A : i32
        %convert_element_type3A_130 = arith.extui %lt3A_129 : i1 to i32
        %cond3A_131 = arith.constant 0 : i32
        %cond3A_132 = arith.cmpi ne, %convert_element_type3A_130, %cond3A_131 : i32
        scf.if %cond3A_132 {
          %mul3A_142 = arith.constant 2 : i32
          %mul3A_143 = arith.muli %mul3A_142, %scan3A_91 : i32
          %add3A_144 = arith.constant 3 : i32
          %add3A_145 = arith.addi %mul3A_143, %add3A_144 : i32
          %mul3A_146 = arith.constant 20000 : i32
          %mul3A_147 = arith.muli %arg1, %mul3A_146 : i32
          %mul3A_148 = arith.constant 160 : i32
          %mul3A_149 = arith.muli %add3A_145, %mul3A_148 : i32
          %add3A_150 = arith.addi %mul3A_147, %mul3A_149 : i32
          "tpu.region"() ({
            %run_scoped3A = tpu.sem_alloc : memref<!tpu.dma_semaphore, #tpu.memory_space<semaphore_mem>>
            %dma_start3A_151 = tpu.memref_slice %arg6[%add3A_150] : memref<320000xi32, #tpu.memory_space<hbm>> -> memref<160xi32, #tpu.memory_space<hbm>>
            %dma_start3A_152 = tpu.memref_slice %arg6[%add3A_150] : memref<320000xi32, #tpu.memory_space<hbm>> -> memref<160xi32, #tpu.memory_space<hbm>>
            tpu.enqueue_dma source(%dma_start3A_152 : memref<160xi32, #tpu.memory_space<hbm>>) target(%arg14 : memref<160xi32, #tpu.memory_space<vmem>>) target_semaphore(%run_scoped3A : memref<!tpu.dma_semaphore, #tpu.memory_space<semaphore_mem>>)
            %dma_wait3A_153 = tpu.memref_slice %arg6[%add3A_150] : memref<320000xi32, #tpu.memory_space<hbm>> -> memref<160xi32, #tpu.memory_space<hbm>>
            %dma_wait3A_154 = tpu.memref_slice %arg6[%add3A_150] : memref<320000xi32, #tpu.memory_space<hbm>> -> memref<160xi32, #tpu.memory_space<hbm>>
            tpu.wait_dma2 semaphore(%run_scoped3A : memref<!tpu.dma_semaphore, #tpu.memory_space<semaphore_mem>>) src(%dma_wait3A_154 : memref<160xi32, #tpu.memory_space<hbm>>) dst(%arg14 : memref<160xi32, #tpu.memory_space<vmem>>)
            tpu.yield
          }) : () -> ()
        } else {
        }
        %dma_wait3A_133 = arith.constant 0 : i32
        %dma_wait3A_134 = arith.constant 0 : i32
        %dma_wait3A_135 = tpu.memref_slice %arg18[%dma_wait3A_133, %dma_wait3A_134] : memref<10240x128xf32, #tpu.memory_space<vmem_shared>> -> memref<10240x128xf32, #tpu.memory_space<vmem_shared>>
        tpu.wait_indirect_dma semaphore(%arg20 : memref<!tpu.dma_semaphore, #tpu.memory_space<semaphore_mem>>) src(%arg17 : memref<160x128xf32, #tpu.memory_space<vmem>>) dst(%dma_wait3A_135 : memref<10240x128xf32, #tpu.memory_space<vmem_shared>>)
        %lt3A_136 = arith.constant 61 : i32
        %lt3A_137 = arith.cmpi slt, %scan3A_91, %lt3A_136 : i32
        %convert_element_type3A_138 = arith.extui %lt3A_137 : i1 to i32
        %cond3A_139 = arith.constant 0 : i32
        %cond3A_140 = arith.cmpi ne, %convert_element_type3A_138, %cond3A_139 : i32
        scf.if %cond3A_140 {
          %mul3A_142 = arith.constant 20000 : i32
          %mul3A_143 = arith.muli %arg1, %mul3A_142 : i32
          %mul3A_144 = arith.constant 2 : i32
          %mul3A_145 = arith.muli %mul3A_144, %scan3A_91 : i32
          %add3A_146 = arith.constant 3 : i32
          %add3A_147 = arith.addi %mul3A_145, %add3A_146 : i32
          %mul3A_148 = arith.constant 160 : i32
          %mul3A_149 = arith.muli %add3A_147, %mul3A_148 : i32
          %add3A_150 = arith.addi %mul3A_143, %mul3A_149 : i32
          "tpu.region"() ({
            %run_scoped3A = tpu.sem_alloc : memref<!tpu.dma_semaphore, #tpu.memory_space<semaphore_mem>>
            %dma_start3A_154 = tpu.memref_slice %arg7[%add3A_150] : memref<320000xi32, #tpu.memory_space<hbm>> -> memref<160xi32, #tpu.memory_space<hbm>>
            %dma_start3A_155 = tpu.memref_slice %arg7[%add3A_150] : memref<320000xi32, #tpu.memory_space<hbm>> -> memref<160xi32, #tpu.memory_space<hbm>>
            tpu.enqueue_dma source(%dma_start3A_155 : memref<160xi32, #tpu.memory_space<hbm>>) target(%arg15 : memref<160xi32, #tpu.memory_space<vmem>>) target_semaphore(%run_scoped3A : memref<!tpu.dma_semaphore, #tpu.memory_space<semaphore_mem>>)
            %dma_wait3A_156 = tpu.memref_slice %arg7[%add3A_150] : memref<320000xi32, #tpu.memory_space<hbm>> -> memref<160xi32, #tpu.memory_space<hbm>>
            %dma_wait3A_157 = tpu.memref_slice %arg7[%add3A_150] : memref<320000xi32, #tpu.memory_space<hbm>> -> memref<160xi32, #tpu.memory_space<hbm>>
            tpu.wait_dma2 semaphore(%run_scoped3A : memref<!tpu.dma_semaphore, #tpu.memory_space<semaphore_mem>>) src(%dma_wait3A_157 : memref<160xi32, #tpu.memory_space<hbm>>) dst(%arg15 : memref<160xi32, #tpu.memory_space<vmem>>)
            tpu.yield
          }) : () -> ()
          %dma_start3A_151 = arith.constant 0 : i32
          %dma_start3A_152 = arith.constant 0 : i32
          %dma_start3A_153 = tpu.memref_slice %arg3[%dma_start3A_151, %dma_start3A_152] : memref<10000x128xf32, #tpu.memory_space<hbm>> -> memref<10000x128xf32, #tpu.memory_space<hbm>>
          tpu.enqueue_indirect_dma source(%dma_start3A_153 : memref<10000x128xf32, #tpu.memory_space<hbm>>) target(%arg17 : memref<160x128xf32, #tpu.memory_space<vmem>>) offsets(%arg14 : memref<160xi32, #tpu.memory_space<vmem>>) semaphore(%arg20 : memref<!tpu.dma_semaphore, #tpu.memory_space<semaphore_mem>>)
        } else {
        }
        %scan3A_141 = arith.constant 0 : i32
        scf.yield %scan3A_141 : i32
      }
      %scan3A_38 = arith.constant 62 : i32
      %dma_wait3A = arith.constant 0 : i32
      %dma_wait3A_39 = arith.constant 0 : i32
      %dma_wait3A_40 = tpu.memref_slice %arg3[%dma_wait3A, %dma_wait3A_39] : memref<10000x128xf32, #tpu.memory_space<hbm>> -> memref<10000x128xf32, #tpu.memory_space<hbm>>
      tpu.wait_indirect_dma semaphore(%arg19 : memref<!tpu.dma_semaphore, #tpu.memory_space<semaphore_mem>>) src(%dma_wait3A_40 : memref<10000x128xf32, #tpu.memory_space<hbm>>) dst(%arg16 : memref<160x128xf32, #tpu.memory_space<vmem>>)
      "tpu.region"() ({
        %run_scoped3A = tpu.sem_alloc : memref<!tpu.dma_semaphore, #tpu.memory_space<semaphore_mem>>
        %dma_start3A_91 = arith.constant 0 : i32
        %dma_start3A_92 = arith.constant 0 : i32
        %dma_start3A_93 = tpu.memref_slice %arg18[%dma_start3A_91, %dma_start3A_92] : memref<10240x128xf32, #tpu.memory_space<vmem_shared>> -> memref<10240x128xf32, #tpu.memory_space<vmem_shared>>
        tpu.enqueue_indirect_dma source(%arg16 : memref<160x128xf32, #tpu.memory_space<vmem>>) target(%dma_start3A_93 : memref<10240x128xf32, #tpu.memory_space<vmem_shared>>) offsets(%arg13 : memref<160xi32, #tpu.memory_space<vmem>>) semaphore(%run_scoped3A : memref<!tpu.dma_semaphore, #tpu.memory_space<semaphore_mem>>) {add = true}
        %dma_wait3A_94 = arith.constant 0 : i32
        %dma_wait3A_95 = arith.constant 0 : i32
        %dma_wait3A_96 = tpu.memref_slice %arg18[%dma_wait3A_94, %dma_wait3A_95] : memref<10240x128xf32, #tpu.memory_space<vmem_shared>> -> memref<10240x128xf32, #tpu.memory_space<vmem_shared>>
        tpu.wait_indirect_dma semaphore(%run_scoped3A : memref<!tpu.dma_semaphore, #tpu.memory_space<semaphore_mem>>) src(%arg16 : memref<160x128xf32, #tpu.memory_space<vmem>>) dst(%dma_wait3A_96 : memref<10240x128xf32, #tpu.memory_space<vmem_shared>>)
        tpu.yield
      }) : () -> ()
      %barrier3A_41 = arith.constant 0 : index
      tpu.barrier barrier_id(%barrier3A_41)
      %mul3A_42 = arith.constant 640 : i32
      %mul3A_43 = arith.muli %arg1, %mul3A_42 : i32
      %mul3A_44 = arith.constant 640 : i32
      %mul3A_45 = arith.muli %arg1, %mul3A_44 : i32
      "tpu.region"() ({
        %run_scoped3A = tpu.sem_alloc : memref<!tpu.dma_semaphore, #tpu.memory_space<semaphore_mem>>
        %dma_start3A_91 = arith.constant 0 : i32
        %dma_start3A_92 = tpu.memref_slice %arg8[%mul3A_45, %dma_start3A_91] : memref<10240x128xf32, #tpu.memory_space<hbm>> -> memref<640x128xf32, #tpu.memory_space<hbm>>
        %dma_start3A_93 = arith.constant 0 : i32
        %dma_start3A_94 = tpu.memref_slice %arg18[%mul3A_43, %dma_start3A_93] : memref<10240x128xf32, #tpu.memory_space<vmem_shared>> -> memref<640x128xf32, #tpu.memory_space<vmem_shared>>
        tpu.enqueue_dma source(%dma_start3A_94 : memref<640x128xf32, #tpu.memory_space<vmem_shared>>) target(%dma_start3A_92 : memref<640x128xf32, #tpu.memory_space<hbm>>) target_semaphore(%run_scoped3A : memref<!tpu.dma_semaphore, #tpu.memory_space<semaphore_mem>>)
        %dma_wait3A_95 = arith.constant 0 : i32
        %dma_wait3A_96 = tpu.memref_slice %arg8[%mul3A_45, %dma_wait3A_95] : memref<10240x128xf32, #tpu.memory_space<hbm>> -> memref<640x128xf32, #tpu.memory_space<hbm>>
        %dma_wait3A_97 = arith.constant 0 : i32
        %dma_wait3A_98 = tpu.memref_slice %arg18[%mul3A_43, %dma_wait3A_97] : memref<10240x128xf32, #tpu.memory_space<vmem_shared>> -> memref<640x128xf32, #tpu.memory_space<vmem_shared>>
        tpu.wait_dma2 semaphore(%run_scoped3A : memref<!tpu.dma_semaphore, #tpu.memory_space<semaphore_mem>>) src(%dma_wait3A_98 : memref<640x128xf32, #tpu.memory_space<vmem_shared>>) dst(%dma_wait3A_96 : memref<640x128xf32, #tpu.memory_space<hbm>>)
        tpu.yield
      }) : () -> ()
      %barrier3A_46 = arith.constant 0 : index
      tpu.barrier barrier_id(%barrier3A_46)
      %broadcast_in_dim3A_47 = arith.constant 0.000000e+00 : f32
      %broadcast_in_dim3A_48 = vector.broadcast %broadcast_in_dim3A_47 : f32 to vector<16xf32>
      %scan3A_49 = arith.constant 0 : i32
      %scan3A_50 = arith.constant 0 : i32
      %scan3A_51 = arith.constant 160 : i32
      %scan3A_52 = arith.addi %scan3A_50, %scan3A_51 : i32
      %scan3A_53 = arith.constant 1 : i32
      %scan3A_54 = scf.for %scan3A_91 = %scan3A_50 to %scan3A_52 step %scan3A_53 iter_args(%scan3A_92 = %scan3A_49) -> (i32)  : i32 {
        %swap3A = arith.index_cast %scan3A_91 : i32 to index
        %swap3A_93 = arith.constant 0 : index
        %swap3A_94 = tpu.vector_load %arg16[%swap3A, %swap3A_93] {strides = array<i32>} : memref<160x128xf32, #tpu.memory_space<vmem>>, vector<1x16xf32>,
        %swap3A_95 = vector.shape_cast %swap3A_94 : vector<1x16xf32> to vector<16xf32>
        %swap3A_96 = vector.shape_cast %broadcast_in_dim3A_48 : vector<16xf32> to vector<1x16xf32>
        tpu.vector_store %arg16[%swap3A, %swap3A_93], %swap3A_96 {strides = array<i32>} : memref<160x128xf32, #tpu.memory_space<vmem>>, vector<1x16xf32>,
        %swap3A_97 = arith.index_cast %scan3A_91 : i32 to index
        %swap3A_98 = arith.constant 16 : index
        %swap3A_99 = tpu.vector_load %arg16[%swap3A_97, %swap3A_98] {strides = array<i32>} : memref<160x128xf32, #tpu.memory_space<vmem>>, vector<1x16xf32>,
        %swap3A_100 = vector.shape_cast %swap3A_99 : vector<1x16xf32> to vector<16xf32>
        %swap3A_101 = vector.shape_cast %broadcast_in_dim3A_48 : vector<16xf32> to vector<1x16xf32>
        tpu.vector_store %arg16[%swap3A_97, %swap3A_98], %swap3A_101 {strides = array<i32>} : memref<160x128xf32, #tpu.memory_space<vmem>>, vector<1x16xf32>,
        %swap3A_102 = arith.index_cast %scan3A_91 : i32 to index
        %swap3A_103 = arith.constant 32 : index
        %swap3A_104 = tpu.vector_load %arg16[%swap3A_102, %swap3A_103] {strides = array<i32>} : memref<160x128xf32, #tpu.memory_space<vmem>>, vector<1x16xf32>,
        %swap3A_105 = vector.shape_cast %swap3A_104 : vector<1x16xf32> to vector<16xf32>
        %swap3A_106 = vector.shape_cast %broadcast_in_dim3A_48 : vector<16xf32> to vector<1x16xf32>
        tpu.vector_store %arg16[%swap3A_102, %swap3A_103], %swap3A_106 {strides = array<i32>} : memref<160x128xf32, #tpu.memory_space<vmem>>, vector<1x16xf32>,
        %swap3A_107 = arith.index_cast %scan3A_91 : i32 to index
        %swap3A_108 = arith.constant 48 : index
        %swap3A_109 = tpu.vector_load %arg16[%swap3A_107, %swap3A_108] {strides = array<i32>} : memref<160x128xf32, #tpu.memory_space<vmem>>, vector<1x16xf32>,
        %swap3A_110 = vector.shape_cast %swap3A_109 : vector<1x16xf32> to vector<16xf32>
        %swap3A_111 = vector.shape_cast %broadcast_in_dim3A_48 : vector<16xf32> to vector<1x16xf32>
        tpu.vector_store %arg16[%swap3A_107, %swap3A_108], %swap3A_111 {strides = array<i32>} : memref<160x128xf32, #tpu.memory_space<vmem>>, vector<1x16xf32>,
        %swap3A_112 = arith.index_cast %scan3A_91 : i32 to index
        %swap3A_113 = arith.constant 64 : index
        %swap3A_114 = tpu.vector_load %arg16[%swap3A_112, %swap3A_113] {strides = array<i32>} : memref<160x128xf32, #tpu.memory_space<vmem>>, vector<1x16xf32>,
        %swap3A_115 = vector.shape_cast %swap3A_114 : vector<1x16xf32> to vector<16xf32>
        %swap3A_116 = vector.shape_cast %broadcast_in_dim3A_48 : vector<16xf32> to vector<1x16xf32>
        tpu.vector_store %arg16[%swap3A_112, %swap3A_113], %swap3A_116 {strides = array<i32>} : memref<160x128xf32, #tpu.memory_space<vmem>>, vector<1x16xf32>,
        %swap3A_117 = arith.index_cast %scan3A_91 : i32 to index
        %swap3A_118 = arith.constant 80 : index
        %swap3A_119 = tpu.vector_load %arg16[%swap3A_117, %swap3A_118] {strides = array<i32>} : memref<160x128xf32, #tpu.memory_space<vmem>>, vector<1x16xf32>,
        %swap3A_120 = vector.shape_cast %swap3A_119 : vector<1x16xf32> to vector<16xf32>
        %swap3A_121 = vector.shape_cast %broadcast_in_dim3A_48 : vector<16xf32> to vector<1x16xf32>
        tpu.vector_store %arg16[%swap3A_117, %swap3A_118], %swap3A_121 {strides = array<i32>} : memref<160x128xf32, #tpu.memory_space<vmem>>, vector<1x16xf32>,
        %swap3A_122 = arith.index_cast %scan3A_91 : i32 to index
        %swap3A_123 = arith.constant 96 : index
        %swap3A_124 = tpu.vector_load %arg16[%swap3A_122, %swap3A_123] {strides = array<i32>} : memref<160x128xf32, #tpu.memory_space<vmem>>, vector<1x16xf32>,
        %swap3A_125 = vector.shape_cast %swap3A_124 : vector<1x16xf32> to vector<16xf32>
        %swap3A_126 = vector.shape_cast %broadcast_in_dim3A_48 : vector<16xf32> to vector<1x16xf32>
        tpu.vector_store %arg16[%swap3A_122, %swap3A_123], %swap3A_126 {strides = array<i32>} : memref<160x128xf32, #tpu.memory_space<vmem>>, vector<1x16xf32>,
        %swap3A_127 = arith.index_cast %scan3A_91 : i32 to index
        %swap3A_128 = arith.constant 112 : index
        %swap3A_129 = tpu.vector_load %arg16[%swap3A_127, %swap3A_128] {strides = array<i32>} : memref<160x128xf32, #tpu.memory_space<vmem>>, vector<1x16xf32>,
        %swap3A_130 = vector.shape_cast %swap3A_129 : vector<1x16xf32> to vector<16xf32>
        %swap3A_131 = vector.shape_cast %broadcast_in_dim3A_48 : vector<16xf32> to vector<1x16xf32>
        tpu.vector_store %arg16[%swap3A_127, %swap3A_128], %swap3A_131 {strides = array<i32>} : memref<160x128xf32, #tpu.memory_space<vmem>>, vector<1x16xf32>,
        %scan3A_132 = arith.constant 0 : i32
        scf.yield %scan3A_132 : i32
      }
      %scan3A_55 = arith.constant 160 : i32
      %scan3A_56 = arith.constant 0 : i32
      %scan3A_57 = arith.constant 0 : i32
      %scan3A_58 = arith.constant 4 : i32
      %scan3A_59 = arith.addi %scan3A_57, %scan3A_58 : i32
      %scan3A_60 = arith.constant 1 : i32
      %scan3A_61 = scf.for %scan3A_91 = %scan3A_57 to %scan3A_59 step %scan3A_60 iter_args(%scan3A_92 = %scan3A_56) -> (i32)  : i32 {
        %mul3A_93 = arith.constant 640 : i32
        %mul3A_94 = arith.muli %arg1, %mul3A_93 : i32
        %mul3A_95 = arith.constant 160 : i32
        %mul3A_96 = arith.muli %scan3A_91, %mul3A_95 : i32
        %add3A_97 = arith.addi %mul3A_94, %mul3A_96 : i32
        "tpu.region"() ({
          %run_scoped3A = tpu.sem_alloc : memref<!tpu.dma_semaphore, #tpu.memory_space<semaphore_mem>>
          %dma_start3A_99 = arith.constant 0 : i32
          %dma_start3A_100 = tpu.memref_slice %arg18[%add3A_97, %dma_start3A_99] : memref<10240x128xf32, #tpu.memory_space<vmem_shared>> -> memref<160x128xf32, #tpu.memory_space<vmem_shared>>
          %dma_start3A_101 = arith.constant 0 : i32
          %dma_start3A_102 = tpu.memref_slice %arg18[%add3A_97, %dma_start3A_101] : memref<10240x128xf32, #tpu.memory_space<vmem_shared>> -> memref<160x128xf32, #tpu.memory_space<vmem_shared>>
          tpu.enqueue_dma source(%arg16 : memref<160x128xf32, #tpu.memory_space<vmem>>) target(%dma_start3A_102 : memref<160x128xf32, #tpu.memory_space<vmem_shared>>) target_semaphore(%run_scoped3A : memref<!tpu.dma_semaphore, #tpu.memory_space<semaphore_mem>>)
          %dma_wait3A_103 = arith.constant 0 : i32
          %dma_wait3A_104 = tpu.memref_slice %arg18[%add3A_97, %dma_wait3A_103] : memref<10240x128xf32, #tpu.memory_space<vmem_shared>> -> memref<160x128xf32, #tpu.memory_space<vmem_shared>>
          %dma_wait3A_105 = arith.constant 0 : i32
          %dma_wait3A_106 = tpu.memref_slice %arg18[%add3A_97, %dma_wait3A_105] : memref<10240x128xf32, #tpu.memory_space<vmem_shared>> -> memref<160x128xf32, #tpu.memory_space<vmem_shared>>
          tpu.wait_dma2 semaphore(%run_scoped3A : memref<!tpu.dma_semaphore, #tpu.memory_space<semaphore_mem>>) src(%arg16 : memref<160x128xf32, #tpu.memory_space<vmem>>) dst(%dma_wait3A_106 : memref<160x128xf32, #tpu.memory_space<vmem_shared>>)
          tpu.yield
        }) : () -> ()
        %scan3A_98 = arith.constant 0 : i32
        scf.yield %scan3A_98 : i32
      }
      %scan3A_62 = arith.constant 4 : i32
      %barrier3A_63 = arith.constant 0 : index
      tpu.barrier barrier_id(%barrier3A_63)
      %broadcast_in_dim3A_64 = arith.constant 1.000000e+00 : f32
      %broadcast_in_dim3A_65 = vector.broadcast %broadcast_in_dim3A_64 : f32 to vector<16xf32>
      %scan3A_66 = arith.constant 0 : i32
      %scan3A_67 = arith.constant 0 : i32
      %scan3A_68 = arith.constant 160 : i32
      %scan3A_69 = arith.addi %scan3A_67, %scan3A_68 : i32
      %scan3A_70 = arith.constant 1 : i32
      %scan3A_71 = scf.for %scan3A_91 = %scan3A_67 to %scan3A_69 step %scan3A_70 iter_args(%scan3A_92 = %scan3A_66) -> (i32)  : i32 {
        %swap3A = arith.index_cast %scan3A_91 : i32 to index
        %swap3A_93 = arith.constant 0 : index
        %swap3A_94 = tpu.vector_load %arg16[%swap3A, %swap3A_93] {strides = array<i32>} : memref<160x128xf32, #tpu.memory_space<vmem>>, vector<1x16xf32>,
        %swap3A_95 = vector.shape_cast %swap3A_94 : vector<1x16xf32> to vector<16xf32>
        %swap3A_96 = vector.shape_cast %broadcast_in_dim3A_65 : vector<16xf32> to vector<1x16xf32>
        tpu.vector_store %arg16[%swap3A, %swap3A_93], %swap3A_96 {strides = array<i32>} : memref<160x128xf32, #tpu.memory_space<vmem>>, vector<1x16xf32>,
        %swap3A_97 = arith.index_cast %scan3A_91 : i32 to index
        %swap3A_98 = arith.constant 16 : index
        %swap3A_99 = tpu.vector_load %arg16[%swap3A_97, %swap3A_98] {strides = array<i32>} : memref<160x128xf32, #tpu.memory_space<vmem>>, vector<1x16xf32>,
        %swap3A_100 = vector.shape_cast %swap3A_99 : vector<1x16xf32> to vector<16xf32>
        %swap3A_101 = vector.shape_cast %broadcast_in_dim3A_65 : vector<16xf32> to vector<1x16xf32>
        tpu.vector_store %arg16[%swap3A_97, %swap3A_98], %swap3A_101 {strides = array<i32>} : memref<160x128xf32, #tpu.memory_space<vmem>>, vector<1x16xf32>,
        %swap3A_102 = arith.index_cast %scan3A_91 : i32 to index
        %swap3A_103 = arith.constant 32 : index
        %swap3A_104 = tpu.vector_load %arg16[%swap3A_102, %swap3A_103] {strides = array<i32>} : memref<160x128xf32, #tpu.memory_space<vmem>>, vector<1x16xf32>,
        %swap3A_105 = vector.shape_cast %swap3A_104 : vector<1x16xf32> to vector<16xf32>
        %swap3A_106 = vector.shape_cast %broadcast_in_dim3A_65 : vector<16xf32> to vector<1x16xf32>
        tpu.vector_store %arg16[%swap3A_102, %swap3A_103], %swap3A_106 {strides = array<i32>} : memref<160x128xf32, #tpu.memory_space<vmem>>, vector<1x16xf32>,
        %swap3A_107 = arith.index_cast %scan3A_91 : i32 to index
        %swap3A_108 = arith.constant 48 : index
        %swap3A_109 = tpu.vector_load %arg16[%swap3A_107, %swap3A_108] {strides = array<i32>} : memref<160x128xf32, #tpu.memory_space<vmem>>, vector<1x16xf32>,
        %swap3A_110 = vector.shape_cast %swap3A_109 : vector<1x16xf32> to vector<16xf32>
        %swap3A_111 = vector.shape_cast %broadcast_in_dim3A_65 : vector<16xf32> to vector<1x16xf32>
        tpu.vector_store %arg16[%swap3A_107, %swap3A_108], %swap3A_111 {strides = array<i32>} : memref<160x128xf32, #tpu.memory_space<vmem>>, vector<1x16xf32>,
        %swap3A_112 = arith.index_cast %scan3A_91 : i32 to index
        %swap3A_113 = arith.constant 64 : index
        %swap3A_114 = tpu.vector_load %arg16[%swap3A_112, %swap3A_113] {strides = array<i32>} : memref<160x128xf32, #tpu.memory_space<vmem>>, vector<1x16xf32>,
        %swap3A_115 = vector.shape_cast %swap3A_114 : vector<1x16xf32> to vector<16xf32>
        %swap3A_116 = vector.shape_cast %broadcast_in_dim3A_65 : vector<16xf32> to vector<1x16xf32>
        tpu.vector_store %arg16[%swap3A_112, %swap3A_113], %swap3A_116 {strides = array<i32>} : memref<160x128xf32, #tpu.memory_space<vmem>>, vector<1x16xf32>,
        %swap3A_117 = arith.index_cast %scan3A_91 : i32 to index
        %swap3A_118 = arith.constant 80 : index
        %swap3A_119 = tpu.vector_load %arg16[%swap3A_117, %swap3A_118] {strides = array<i32>} : memref<160x128xf32, #tpu.memory_space<vmem>>, vector<1x16xf32>,
        %swap3A_120 = vector.shape_cast %swap3A_119 : vector<1x16xf32> to vector<16xf32>
        %swap3A_121 = vector.shape_cast %broadcast_in_dim3A_65 : vector<16xf32> to vector<1x16xf32>
        tpu.vector_store %arg16[%swap3A_117, %swap3A_118], %swap3A_121 {strides = array<i32>} : memref<160x128xf32, #tpu.memory_space<vmem>>, vector<1x16xf32>,
        %swap3A_122 = arith.index_cast %scan3A_91 : i32 to index
        %swap3A_123 = arith.constant 96 : index
        %swap3A_124 = tpu.vector_load %arg16[%swap3A_122, %swap3A_123] {strides = array<i32>} : memref<160x128xf32, #tpu.memory_space<vmem>>, vector<1x16xf32>,
        %swap3A_125 = vector.shape_cast %swap3A_124 : vector<1x16xf32> to vector<16xf32>
        %swap3A_126 = vector.shape_cast %broadcast_in_dim3A_65 : vector<16xf32> to vector<1x16xf32>
        tpu.vector_store %arg16[%swap3A_122, %swap3A_123], %swap3A_126 {strides = array<i32>} : memref<160x128xf32, #tpu.memory_space<vmem>>, vector<1x16xf32>,
        %swap3A_127 = arith.index_cast %scan3A_91 : i32 to index
        %swap3A_128 = arith.constant 112 : index
        %swap3A_129 = tpu.vector_load %arg16[%swap3A_127, %swap3A_128] {strides = array<i32>} : memref<160x128xf32, #tpu.memory_space<vmem>>, vector<1x16xf32>,
        %swap3A_130 = vector.shape_cast %swap3A_129 : vector<1x16xf32> to vector<16xf32>
        %swap3A_131 = vector.shape_cast %broadcast_in_dim3A_65 : vector<16xf32> to vector<1x16xf32>
        tpu.vector_store %arg16[%swap3A_127, %swap3A_128], %swap3A_131 {strides = array<i32>} : memref<160x128xf32, #tpu.memory_space<vmem>>, vector<1x16xf32>,
        %scan3A_132 = arith.constant 0 : i32
        scf.yield %scan3A_132 : i32
      }
      %scan3A_72 = arith.constant 160 : i32
      %scan3A_73 = arith.constant 0 : i32
      %scan3A_74 = arith.constant 0 : i32
      %scan3A_75 = arith.constant 63 : i32
      %scan3A_76 = arith.addi %scan3A_74, %scan3A_75 : i32
      %scan3A_77 = arith.constant 1 : i32
      %scan3A_78 = scf.for %scan3A_91 = %scan3A_74 to %scan3A_76 step %scan3A_77 iter_args(%scan3A_92 = %scan3A_73) -> (i32)  : i32 {
        %gt3A = arith.constant 0 : i32
        %gt3A_93 = arith.cmpi sgt, %scan3A_91, %gt3A : i32
        %convert_element_type3A_94 = arith.extui %gt3A_93 : i1 to i32
        %cond3A_95 = arith.constant 0 : i32
        %cond3A_96 = arith.cmpi ne, %convert_element_type3A_94, %cond3A_95 : i32
        scf.if %cond3A_96 {
          %dma_wait3A_112 = arith.constant 0 : i32
          %dma_wait3A_113 = arith.constant 0 : i32
          %dma_wait3A_114 = tpu.memref_slice %arg18[%dma_wait3A_112, %dma_wait3A_113] : memref<10240x128xf32, #tpu.memory_space<vmem_shared>> -> memref<10240x128xf32, #tpu.memory_space<vmem_shared>>
          tpu.wait_indirect_dma semaphore(%arg19 : memref<!tpu.dma_semaphore, #tpu.memory_space<semaphore_mem>>) src(%arg16 : memref<160x128xf32, #tpu.memory_space<vmem>>) dst(%dma_wait3A_114 : memref<10240x128xf32, #tpu.memory_space<vmem_shared>>)
        } else {
        }
        %mul3A_97 = arith.constant 2 : i32
        %mul3A_98 = arith.muli %mul3A_97, %scan3A_91 : i32
        %mul3A_99 = arith.constant 20000 : i32
        %mul3A_100 = arith.muli %arg1, %mul3A_99 : i32
        %mul3A_101 = arith.constant 160 : i32
        %mul3A_102 = arith.muli %mul3A_98, %mul3A_101 : i32
        %add3A_103 = arith.addi %mul3A_100, %mul3A_102 : i32
        "tpu.region"() ({
          %run_scoped3A = tpu.sem_alloc : memref<!tpu.dma_semaphore, #tpu.memory_space<semaphore_mem>>
          %dma_start3A_112 = tpu.memref_slice %arg7[%add3A_103] : memref<320000xi32, #tpu.memory_space<hbm>> -> memref<160xi32, #tpu.memory_space<hbm>>
          %dma_start3A_113 = tpu.memref_slice %arg7[%add3A_103] : memref<320000xi32, #tpu.memory_space<hbm>> -> memref<160xi32, #tpu.memory_space<hbm>>
          tpu.enqueue_dma source(%dma_start3A_113 : memref<160xi32, #tpu.memory_space<hbm>>) target(%arg13 : memref<160xi32, #tpu.memory_space<vmem>>) target_semaphore(%run_scoped3A : memref<!tpu.dma_semaphore, #tpu.memory_space<semaphore_mem>>)
          %dma_wait3A_114 = tpu.memref_slice %arg7[%add3A_103] : memref<320000xi32, #tpu.memory_space<hbm>> -> memref<160xi32, #tpu.memory_space<hbm>>
          %dma_wait3A_115 = tpu.memref_slice %arg7[%add3A_103] : memref<320000xi32, #tpu.memory_space<hbm>> -> memref<160xi32, #tpu.memory_space<hbm>>
          tpu.wait_dma2 semaphore(%run_scoped3A : memref<!tpu.dma_semaphore, #tpu.memory_space<semaphore_mem>>) src(%dma_wait3A_115 : memref<160xi32, #tpu.memory_space<hbm>>) dst(%arg13 : memref<160xi32, #tpu.memory_space<vmem>>)
          tpu.yield
        }) : () -> ()
        %dma_start3A_104 = arith.constant 0 : i32
        %dma_start3A_105 = arith.constant 0 : i32
        %dma_start3A_106 = tpu.memref_slice %arg18[%dma_start3A_104, %dma_start3A_105] : memref<10240x128xf32, #tpu.memory_space<vmem_shared>> -> memref<10240x128xf32, #tpu.memory_space<vmem_shared>>
        tpu.enqueue_indirect_dma source(%arg16 : memref<160x128xf32, #tpu.memory_space<vmem>>) target(%dma_start3A_106 : memref<10240x128xf32, #tpu.memory_space<vmem_shared>>) offsets(%arg13 : memref<160xi32, #tpu.memory_space<vmem>>) semaphore(%arg19 : memref<!tpu.dma_semaphore, #tpu.memory_space<semaphore_mem>>) {add = true}
        %lt3A = arith.constant 62 : i32
        %lt3A_107 = arith.cmpi slt, %scan3A_91, %lt3A : i32
        %convert_element_type3A_108 = arith.extui %lt3A_107 : i1 to i32
        %cond3A_109 = arith.constant 0 : i32
        %cond3A_110 = arith.cmpi ne, %convert_element_type3A_108, %cond3A_109 : i32
        scf.if %cond3A_110 {
          %gt3A_112 = arith.constant 0 : i32
          %gt3A_113 = arith.cmpi sgt, %scan3A_91, %gt3A_112 : i32
          %convert_element_type3A_114 = arith.extui %gt3A_113 : i1 to i32
          %cond3A_115 = arith.constant 0 : i32
          %cond3A_116 = arith.cmpi ne, %convert_element_type3A_114, %cond3A_115 : i32
          scf.if %cond3A_116 {
            %dma_wait3A_129 = arith.constant 0 : i32
            %dma_wait3A_130 = arith.constant 0 : i32
            %dma_wait3A_131 = tpu.memref_slice %arg18[%dma_wait3A_129, %dma_wait3A_130] : memref<10240x128xf32, #tpu.memory_space<vmem_shared>> -> memref<10240x128xf32, #tpu.memory_space<vmem_shared>>
            tpu.wait_indirect_dma semaphore(%arg20 : memref<!tpu.dma_semaphore, #tpu.memory_space<semaphore_mem>>) src(%arg16 : memref<160x128xf32, #tpu.memory_space<vmem>>) dst(%dma_wait3A_131 : memref<10240x128xf32, #tpu.memory_space<vmem_shared>>)
          } else {
          }
          %mul3A_117 = arith.constant 2 : i32
          %mul3A_118 = arith.muli %mul3A_117, %scan3A_91 : i32
          %add3A_119 = arith.constant 1 : i32
          %add3A_120 = arith.addi %mul3A_118, %add3A_119 : i32
          %mul3A_121 = arith.constant 20000 : i32
          %mul3A_122 = arith.muli %arg1, %mul3A_121 : i32
          %mul3A_123 = arith.constant 160 : i32
          %mul3A_124 = arith.muli %add3A_120, %mul3A_123 : i32
          %add3A_125 = arith.addi %mul3A_122, %mul3A_124 : i32
          "tpu.region"() ({
            %run_scoped3A = tpu.sem_alloc : memref<!tpu.dma_semaphore, #tpu.memory_space<semaphore_mem>>
            %dma_start3A_129 = tpu.memref_slice %arg7[%add3A_125] : memref<320000xi32, #tpu.memory_space<hbm>> -> memref<160xi32, #tpu.memory_space<hbm>>
            %dma_start3A_130 = tpu.memref_slice %arg7[%add3A_125] : memref<320000xi32, #tpu.memory_space<hbm>> -> memref<160xi32, #tpu.memory_space<hbm>>
            tpu.enqueue_dma source(%dma_start3A_130 : memref<160xi32, #tpu.memory_space<hbm>>) target(%arg15 : memref<160xi32, #tpu.memory_space<vmem>>) target_semaphore(%run_scoped3A : memref<!tpu.dma_semaphore, #tpu.memory_space<semaphore_mem>>)
            %dma_wait3A_131 = tpu.memref_slice %arg7[%add3A_125] : memref<320000xi32, #tpu.memory_space<hbm>> -> memref<160xi32, #tpu.memory_space<hbm>>
            %dma_wait3A_132 = tpu.memref_slice %arg7[%add3A_125] : memref<320000xi32, #tpu.memory_space<hbm>> -> memref<160xi32, #tpu.memory_space<hbm>>
            tpu.wait_dma2 semaphore(%run_scoped3A : memref<!tpu.dma_semaphore, #tpu.memory_space<semaphore_mem>>) src(%dma_wait3A_132 : memref<160xi32, #tpu.memory_space<hbm>>) dst(%arg15 : memref<160xi32, #tpu.memory_space<vmem>>)
            tpu.yield
          }) : () -> ()
          %dma_start3A_126 = arith.constant 0 : i32
          %dma_start3A_127 = arith.constant 0 : i32
          %dma_start3A_128 = tpu.memref_slice %arg18[%dma_start3A_126, %dma_start3A_127] : memref<10240x128xf32, #tpu.memory_space<vmem_shared>> -> memref<10240x128xf32, #tpu.memory_space<vmem_shared>>
          tpu.enqueue_indirect_dma source(%arg16 : memref<160x128xf32, #tpu.memory_space<vmem>>) target(%dma_start3A_128 : memref<10240x128xf32, #tpu.memory_space<vmem_shared>>) offsets(%arg15 : memref<160xi32, #tpu.memory_space<vmem>>) semaphore(%arg20 : memref<!tpu.dma_semaphore, #tpu.memory_space<semaphore_mem>>) {add = true}
        } else {
        }
        %scan3A_111 = arith.constant 0 : i32
        scf.yield %scan3A_111 : i32
      }
      %scan3A_79 = arith.constant 63 : i32
      %dma_wait3A_80 = arith.constant 0 : i32
      %dma_wait3A_81 = arith.constant 0 : i32
      %dma_wait3A_82 = tpu.memref_slice %arg18[%dma_wait3A_80, %dma_wait3A_81] : memref<10240x128xf32, #tpu.memory_space<vmem_shared>> -> memref<10240x128xf32, #tpu.memory_space<vmem_shared>>
      tpu.wait_indirect_dma semaphore(%arg19 : memref<!tpu.dma_semaphore, #tpu.memory_space<semaphore_mem>>) src(%arg16 : memref<160x128xf32, #tpu.memory_space<vmem>>) dst(%dma_wait3A_82 : memref<10240x128xf32, #tpu.memory_space<vmem_shared>>)
      %dma_wait3A_83 = arith.constant 0 : i32
      %dma_wait3A_84 = arith.constant 0 : i32
      %dma_wait3A_85 = tpu.memref_slice %arg18[%dma_wait3A_83, %dma_wait3A_84] : memref<10240x128xf32, #tpu.memory_space<vmem_shared>> -> memref<10240x128xf32, #tpu.memory_space<vmem_shared>>
      tpu.wait_indirect_dma semaphore(%arg20 : memref<!tpu.dma_semaphore, #tpu.memory_space<semaphore_mem>>) src(%arg16 : memref<160x128xf32, #tpu.memory_space<vmem>>) dst(%dma_wait3A_85 : memref<10240x128xf32, #tpu.memory_space<vmem_shared>>)
      %barrier3A_86 = arith.constant 0 : index
      tpu.barrier barrier_id(%barrier3A_86)
      %mul3A_87 = arith.constant 640 : i32
      %mul3A_88 = arith.muli %arg1, %mul3A_87 : i32
      %mul3A_89 = arith.constant 640 : i32
      %mul3A_90 = arith.muli %arg1, %mul3A_89 : i32
      "tpu.region"() ({
        %run_scoped3A = tpu.sem_alloc : memref<!tpu.dma_semaphore, #tpu.memory_space<semaphore_mem>>
        %dma_start3A_91 = arith.constant 0 : i32
        %dma_start3A_92 = tpu.memref_slice %arg10[%mul3A_90, %dma_start3A_91] : memref<10240x128xf32, #tpu.memory_space<hbm>> -> memref<640x128xf32, #tpu.memory_space<hbm>>
        %dma_start3A_93 = arith.constant 0 : i32
        %dma_start3A_94 = tpu.memref_slice %arg18[%mul3A_88, %dma_start3A_93] : memref<10240x128xf32, #tpu.memory_space<vmem_shared>> -> memref<640x128xf32, #tpu.memory_space<vmem_shared>>
        tpu.enqueue_dma source(%dma_start3A_94 : memref<640x128xf32, #tpu.memory_space<vmem_shared>>) target(%dma_start3A_92 : memref<640x128xf32, #tpu.memory_space<hbm>>) target_semaphore(%run_scoped3A : memref<!tpu.dma_semaphore, #tpu.memory_space<semaphore_mem>>)
        %dma_wait3A_95 = arith.constant 0 : i32
        %dma_wait3A_96 = tpu.memref_slice %arg10[%mul3A_90, %dma_wait3A_95] : memref<10240x128xf32, #tpu.memory_space<hbm>> -> memref<640x128xf32, #tpu.memory_space<hbm>>
        %dma_wait3A_97 = arith.constant 0 : i32
        %dma_wait3A_98 = tpu.memref_slice %arg18[%mul3A_88, %dma_wait3A_97] : memref<10240x128xf32, #tpu.memory_space<vmem_shared>> -> memref<640x128xf32, #tpu.memory_space<vmem_shared>>
        tpu.wait_dma2 semaphore(%run_scoped3A : memref<!tpu.dma_semaphore, #tpu.memory_space<semaphore_mem>>) src(%dma_wait3A_98 : memref<640x128xf32, #tpu.memory_space<vmem_shared>>) dst(%dma_wait3A_96 : memref<640x128xf32, #tpu.memory_space<hbm>>)
        tpu.yield
      }) : () -> ()
    } else {
    }
    return
  }
}

module attributes {stable_mosaic.version = 14 : i64} {
  func.func @body(%arg0: i32, %arg1: memref<2000x128xf32, #tpu.memory_space<vmem>>, %arg2: memref<2000x128xf32, #tpu.memory_space<vmem>>, %arg3: memref<128x128xf32, #tpu.memory_space<vmem>>, %arg4: memref<128x128xf32, #tpu.memory_space<vmem>>, %arg5: memref<1x128xf32, #tpu.memory_space<vmem>>, %arg6: memref<1x128xf32, #tpu.memory_space<vmem>>, %arg7: memref<1x128xf32, #tpu.memory_space<vmem>>, %arg8: memref<1x128xf32, #tpu.memory_space<vmem>>, %arg9: memref<1x128xf32, #tpu.memory_space<vmem>>, %arg10: memref<1x128xf32, #tpu.memory_space<vmem>>, %arg11: memref<1x4xf32, #tpu.memory_space<vmem>>, %arg12: memref<2000x128xf32, #tpu.memory_space<vmem>>, %arg13: memref<2000x128xf32, #tpu.memory_space<vmem>>, %arg14: memref<2000x1xf32, #tpu.memory_space<vmem>>, %arg15: memref<2000x1xf32, #tpu.memory_space<vmem>>, %arg16: memref<2000x1xf32, #tpu.memory_space<vmem>>, %arg17: memref<2000x1xf32, #tpu.memory_space<vmem>>) attributes {dimension_semantics = [#tpu.dimension_semantics<arbitrary>], iteration_bounds = array<i64: 5>, scalar_prefetch = 0 : i64, scratch_operands = 0 : i64, tpu.core_type = #tpu.core_type<tc>, window_params = [{transform_indices = @transform_0, window_bounds = array<i64: 2000, 128>}, {transform_indices = @transform_1, window_bounds = array<i64: 2000, 128>}, {pipeline_mode = #tpu.pipeline_mode<synchronous>, transform_indices = @transform_2, window_bounds = array<i64: 128, 128>}, {pipeline_mode = #tpu.pipeline_mode<synchronous>, transform_indices = @transform_3, window_bounds = array<i64: 128, 128>}, {pipeline_mode = #tpu.pipeline_mode<synchronous>, transform_indices = @transform_4, window_bounds = array<i64: 1, 128>}, {pipeline_mode = #tpu.pipeline_mode<synchronous>, transform_indices = @transform_5, window_bounds = array<i64: 1, 128>}, {pipeline_mode = #tpu.pipeline_mode<synchronous>, transform_indices = @transform_6, window_bounds = array<i64: 1, 128>}, {pipeline_mode = #tpu.pipeline_mode<synchronous>, transform_indices = @transform_7, window_bounds = array<i64: 1, 128>}, {pipeline_mode = #tpu.pipeline_mode<synchronous>, transform_indices = @transform_8, window_bounds = array<i64: 1, 128>}, {pipeline_mode = #tpu.pipeline_mode<synchronous>, transform_indices = @transform_9, window_bounds = array<i64: 1, 128>}, {pipeline_mode = #tpu.pipeline_mode<synchronous>, transform_indices = @transform_10, window_bounds = array<i64: 1, 4>}, {transform_indices = @transform_11, window_bounds = array<i64: 2000, 128>}, {transform_indices = @transform_12, window_bounds = array<i64: 2000, 128>}, {transform_indices = @transform_13, window_bounds = array<i64: 2000, 1>}, {transform_indices = @transform_14, window_bounds = array<i64: 2000, 1>}, {transform_indices = @transform_15, window_bounds = array<i64: 2000, 1>}, {transform_indices = @transform_16, window_bounds = array<i64: 2000, 1>}]} {
    %get3A = arith.constant 0 : index
    %get3A_0 = arith.constant 0 : index
    %get3A_1 = vector.load %arg11[%get3A, %get3A_0] : memref<1x4xf32, #tpu.memory_space<vmem>>, vector<1x1xf32>
    %get3A_2 = vector.extract %get3A_1[0, 0] : f32 from vector<1x1xf32>
    %get3A_3 = arith.constant 0 : index
    %get3A_4 = arith.constant 1 : index
    %get3A_5 = vector.load %arg11[%get3A_3, %get3A_4] : memref<1x4xf32, #tpu.memory_space<vmem>>, vector<1x1xf32>
    %get3A_6 = vector.extract %get3A_5[0, 0] : f32 from vector<1x1xf32>
    %get3A_7 = arith.constant 0 : index
    %get3A_8 = arith.constant 2 : index
    %get3A_9 = vector.load %arg11[%get3A_7, %get3A_8] : memref<1x4xf32, #tpu.memory_space<vmem>>, vector<1x1xf32>
    %get3A_10 = vector.extract %get3A_9[0, 0] : f32 from vector<1x1xf32>
    %get3A_11 = arith.constant 0 : index
    %get3A_12 = arith.constant 3 : index
    %get3A_13 = vector.load %arg11[%get3A_11, %get3A_12] : memref<1x4xf32, #tpu.memory_space<vmem>>, vector<1x1xf32>
    %get3A_14 = vector.extract %get3A_13[0, 0] : f32 from vector<1x1xf32>
    %get3A_15 = arith.constant 0 : index
    %get3A_16 = arith.constant 0 : index
    %get3A_17 = vector.load %arg1[%get3A_15, %get3A_16] : memref<2000x128xf32, #tpu.memory_space<vmem>>, vector<2000x128xf32>
    %get3A_18 = arith.constant 0 : index
    %get3A_19 = arith.constant 0 : index
    %get3A_20 = vector.load %arg3[%get3A_18, %get3A_19] : memref<128x128xf32, #tpu.memory_space<vmem>>, vector<128x128xf32>
    %dot_general3A = arith.constant dense<0.000000e+00> : vector<2000x128xf32>
    %dot_general3A_21 = tpu.matmul %get3A_17, %get3A_20, %dot_general3A {dimension_numbers = #tpu.dot_dimension_numbers<[1], [0], [0], [1], [0, 0, 1, 1], [], []>, transpose_lhs_hint = false} : vector<2000x128xf32>, vector<128x128xf32>, vector<2000x128xf32> -> vector<2000x128xf32>
    %get3A_22 = arith.constant 0 : index
    %get3A_23 = arith.constant 0 : index
    %get3A_24 = vector.load %arg5[%get3A_22, %get3A_23] : memref<1x128xf32, #tpu.memory_space<vmem>>, vector<1x128xf32>
    %add3A = vector.broadcast %get3A_24 : vector<1x128xf32> to vector<2000x128xf32>
    %add3A_25 = arith.addf %dot_general3A_21, %add3A : vector<2000x128xf32>
    %get3A_26 = arith.constant 0 : index
    %get3A_27 = arith.constant 0 : index
    %get3A_28 = vector.load %arg2[%get3A_26, %get3A_27] : memref<2000x128xf32, #tpu.memory_space<vmem>>, vector<2000x128xf32>
    %get3A_29 = arith.constant 0 : index
    %get3A_30 = arith.constant 0 : index
    %get3A_31 = vector.load %arg4[%get3A_29, %get3A_30] : memref<128x128xf32, #tpu.memory_space<vmem>>, vector<128x128xf32>
    %dot_general3A_32 = arith.constant dense<0.000000e+00> : vector<2000x128xf32>
    %dot_general3A_33 = tpu.matmul %get3A_28, %get3A_31, %dot_general3A_32 {dimension_numbers = #tpu.dot_dimension_numbers<[1], [0], [0], [1], [0, 0, 1, 1], [], []>, transpose_lhs_hint = false} : vector<2000x128xf32>, vector<128x128xf32>, vector<2000x128xf32> -> vector<2000x128xf32>
    %get3A_34 = arith.constant 0 : index
    %get3A_35 = arith.constant 0 : index
    %get3A_36 = vector.load %arg6[%get3A_34, %get3A_35] : memref<1x128xf32, #tpu.memory_space<vmem>>, vector<1x128xf32>
    %add3A_37 = vector.broadcast %get3A_36 : vector<1x128xf32> to vector<2000x128xf32>
    %add3A_38 = arith.addf %dot_general3A_33, %add3A_37 : vector<2000x128xf32>
    %get3A_39 = arith.constant 0 : index
    %get3A_40 = arith.constant 0 : index
    %get3A_41 = vector.load %arg7[%get3A_39, %get3A_40] : memref<1x128xf32, #tpu.memory_space<vmem>>, vector<1x128xf32>
    %mul3A = vector.broadcast %get3A_41 : vector<1x128xf32> to vector<2000x128xf32>
    %mul3A_42 = arith.mulf %add3A_25, %mul3A : vector<2000x128xf32>
    %reduce_sum3A = arith.constant dense<0.000000e+00> : vector<2000xf32>
    %reduce_sum3A_43 = vector.multi_reduction <add>, %mul3A_42, %reduce_sum3A [1] : vector<2000x128xf32> to vector<2000xf32>
    %broadcast_in_dim3A = vector.shape_cast %reduce_sum3A_43 : vector<2000xf32> to vector<2000x1xf32>
    %add3A_44 = vector.broadcast %get3A_2 : f32 to vector<2000x1xf32>
    %add3A_45 = arith.addf %broadcast_in_dim3A, %add3A_44 : vector<2000x1xf32>
    %get3A_46 = arith.constant 0 : index
    %get3A_47 = arith.constant 0 : index
    %get3A_48 = vector.load %arg8[%get3A_46, %get3A_47] : memref<1x128xf32, #tpu.memory_space<vmem>>, vector<1x128xf32>
    %mul3A_49 = vector.broadcast %get3A_48 : vector<1x128xf32> to vector<2000x128xf32>
    %mul3A_50 = arith.mulf %add3A_25, %mul3A_49 : vector<2000x128xf32>
    %reduce_sum3A_51 = arith.constant dense<0.000000e+00> : vector<2000xf32>
    %reduce_sum3A_52 = vector.multi_reduction <add>, %mul3A_50, %reduce_sum3A_51 [1] : vector<2000x128xf32> to vector<2000xf32>
    %broadcast_in_dim3A_53 = vector.shape_cast %reduce_sum3A_52 : vector<2000xf32> to vector<2000x1xf32>
    %add3A_54 = vector.broadcast %get3A_6 : f32 to vector<2000x1xf32>
    %add3A_55 = arith.addf %broadcast_in_dim3A_53, %add3A_54 : vector<2000x1xf32>
    %get3A_56 = arith.constant 0 : index
    %get3A_57 = arith.constant 0 : index
    %get3A_58 = vector.load %arg9[%get3A_56, %get3A_57] : memref<1x128xf32, #tpu.memory_space<vmem>>, vector<1x128xf32>
    %mul3A_59 = vector.broadcast %get3A_58 : vector<1x128xf32> to vector<2000x128xf32>
    %mul3A_60 = arith.mulf %add3A_38, %mul3A_59 : vector<2000x128xf32>
    %reduce_sum3A_61 = arith.constant dense<0.000000e+00> : vector<2000xf32>
    %reduce_sum3A_62 = vector.multi_reduction <add>, %mul3A_60, %reduce_sum3A_61 [1] : vector<2000x128xf32> to vector<2000xf32>
    %broadcast_in_dim3A_63 = vector.shape_cast %reduce_sum3A_62 : vector<2000xf32> to vector<2000x1xf32>
    %add3A_64 = vector.broadcast %get3A_10 : f32 to vector<2000x1xf32>
    %add3A_65 = arith.addf %broadcast_in_dim3A_63, %add3A_64 : vector<2000x1xf32>
    %get3A_66 = arith.constant 0 : index
    %get3A_67 = arith.constant 0 : index
    %get3A_68 = vector.load %arg10[%get3A_66, %get3A_67] : memref<1x128xf32, #tpu.memory_space<vmem>>, vector<1x128xf32>
    %mul3A_69 = vector.broadcast %get3A_68 : vector<1x128xf32> to vector<2000x128xf32>
    %mul3A_70 = arith.mulf %add3A_38, %mul3A_69 : vector<2000x128xf32>
    %reduce_sum3A_71 = arith.constant dense<0.000000e+00> : vector<2000xf32>
    %reduce_sum3A_72 = vector.multi_reduction <add>, %mul3A_70, %reduce_sum3A_71 [1] : vector<2000x128xf32> to vector<2000xf32>
    %broadcast_in_dim3A_73 = vector.shape_cast %reduce_sum3A_72 : vector<2000xf32> to vector<2000x1xf32>
    %add3A_74 = vector.broadcast %get3A_14 : f32 to vector<2000x1xf32>
    %add3A_75 = arith.addf %broadcast_in_dim3A_73, %add3A_74 : vector<2000x1xf32>
    %swap3A = arith.constant 0 : index
    %swap3A_76 = arith.constant 0 : index
    %swap3A_77 = vector.load %arg12[%swap3A, %swap3A_76] : memref<2000x128xf32, #tpu.memory_space<vmem>>, vector<2000x128xf32>
    tpu.vector_store %arg12[%swap3A, %swap3A_76], %add3A_25 {strides = array<i32>} : memref<2000x128xf32, #tpu.memory_space<vmem>>, vector<2000x128xf32>,
    %swap3A_78 = arith.constant 0 : index
    %swap3A_79 = arith.constant 0 : index
    %swap3A_80 = vector.load %arg13[%swap3A_78, %swap3A_79] : memref<2000x128xf32, #tpu.memory_space<vmem>>, vector<2000x128xf32>
    tpu.vector_store %arg13[%swap3A_78, %swap3A_79], %add3A_38 {strides = array<i32>} : memref<2000x128xf32, #tpu.memory_space<vmem>>, vector<2000x128xf32>,
    %add3A_81 = arith.addf %add3A_45, %add3A_55 : vector<2000x1xf32>
    %gt3A = arith.constant 0.000000e+00 : f32
    %gt3A_82 = vector.broadcast %gt3A : f32 to vector<2000x1xf32>
    %gt3A_83 = arith.cmpf ogt, %add3A_81, %gt3A_82 : vector<2000x1xf32>
    %min3A = arith.constant 0.000000e+00 : f32
    %min3A_84 = vector.broadcast %min3A : f32 to vector<2000x1xf32>
    %min3A_85 = arith.minimumf %add3A_81, %min3A_84 : vector<2000x1xf32>
    %exp3A = math.exp %min3A_85 : vector<2000x1xf32>
    %sub3A = arith.constant 1.000000e+00 : f32
    %sub3A_86 = vector.broadcast %sub3A : f32 to vector<2000x1xf32>
    %sub3A_87 = arith.subf %exp3A, %sub3A_86 : vector<2000x1xf32>
    %select_n3A = arith.select %gt3A_83, %add3A_81, %sub3A_87 : vector<2000x1xi1>, vector<2000x1xf32>
    %swap3A_88 = arith.constant 0 : index
    %swap3A_89 = arith.constant 0 : index
    %swap3A_90 = vector.load %arg14[%swap3A_88, %swap3A_89] : memref<2000x1xf32, #tpu.memory_space<vmem>>, vector<2000x1xf32>
    tpu.vector_store %arg14[%swap3A_88, %swap3A_89], %select_n3A {strides = array<i32>} : memref<2000x1xf32, #tpu.memory_space<vmem>>, vector<2000x1xf32>,
    %add3A_91 = arith.addf %add3A_65, %add3A_75 : vector<2000x1xf32>
    %gt3A_92 = arith.constant 0.000000e+00 : f32
    %gt3A_93 = vector.broadcast %gt3A_92 : f32 to vector<2000x1xf32>
    %gt3A_94 = arith.cmpf ogt, %add3A_91, %gt3A_93 : vector<2000x1xf32>
    %min3A_95 = arith.constant 0.000000e+00 : f32
    %min3A_96 = vector.broadcast %min3A_95 : f32 to vector<2000x1xf32>
    %min3A_97 = arith.minimumf %add3A_91, %min3A_96 : vector<2000x1xf32>
    %exp3A_98 = math.exp %min3A_97 : vector<2000x1xf32>
    %sub3A_99 = arith.constant 1.000000e+00 : f32
    %sub3A_100 = vector.broadcast %sub3A_99 : f32 to vector<2000x1xf32>
    %sub3A_101 = arith.subf %exp3A_98, %sub3A_100 : vector<2000x1xf32>
    %select_n3A_102 = arith.select %gt3A_94, %add3A_91, %sub3A_101 : vector<2000x1xi1>, vector<2000x1xf32>
    %swap3A_103 = arith.constant 0 : index
    %swap3A_104 = arith.constant 0 : index
    %swap3A_105 = vector.load %arg15[%swap3A_103, %swap3A_104] : memref<2000x1xf32, #tpu.memory_space<vmem>>, vector<2000x1xf32>
    tpu.vector_store %arg15[%swap3A_103, %swap3A_104], %select_n3A_102 {strides = array<i32>} : memref<2000x1xf32, #tpu.memory_space<vmem>>, vector<2000x1xf32>,
    %swap3A_106 = arith.constant 0 : index
    %swap3A_107 = arith.constant 0 : index
    %swap3A_108 = vector.load %arg16[%swap3A_106, %swap3A_107] : memref<2000x1xf32, #tpu.memory_space<vmem>>, vector<2000x1xf32>
    tpu.vector_store %arg16[%swap3A_106, %swap3A_107], %add3A_55 {strides = array<i32>} : memref<2000x1xf32, #tpu.memory_space<vmem>>, vector<2000x1xf32>,
    %swap3A_109 = arith.constant 0 : index
    %swap3A_110 = arith.constant 0 : index
    %swap3A_111 = vector.load %arg17[%swap3A_109, %swap3A_110] : memref<2000x1xf32, #tpu.memory_space<vmem>>, vector<2000x1xf32>
    tpu.vector_store %arg17[%swap3A_109, %swap3A_110], %add3A_75 {strides = array<i32>} : memref<2000x1xf32, #tpu.memory_space<vmem>>, vector<2000x1xf32>,
    return
  }
  func.func @transform_0(%arg0: i32) -> (i32, i32) {
    %c0_i32 = arith.constant 0 : i32
    %c0_i32_0 = arith.constant 0 : i32
    return %arg0, %c0_i32 : i32, i32
  }
  func.func @transform_1(%arg0: i32) -> (i32, i32) {
    %c0_i32 = arith.constant 0 : i32
    %c0_i32_0 = arith.constant 0 : i32
    return %arg0, %c0_i32 : i32, i32
  }
  func.func @transform_2(%arg0: i32) -> (i32, i32) {
    %c0_i32 = arith.constant 0 : i32
    %c0_i32_0 = arith.constant 0 : i32
    %c0_i32_1 = arith.constant 0 : i32
    return %c0_i32, %c0_i32_0 : i32, i32
  }
  func.func @transform_3(%arg0: i32) -> (i32, i32) {
    %c0_i32 = arith.constant 0 : i32
    %c0_i32_0 = arith.constant 0 : i32
    %c0_i32_1 = arith.constant 0 : i32
    return %c0_i32, %c0_i32_0 : i32, i32
  }
  func.func @transform_4(%arg0: i32) -> (i32, i32) {
    %c0_i32 = arith.constant 0 : i32
    %c0_i32_0 = arith.constant 0 : i32
    %c0_i32_1 = arith.constant 0 : i32
    return %c0_i32, %c0_i32_0 : i32, i32
  }
  func.func @transform_5(%arg0: i32) -> (i32, i32) {
    %c0_i32 = arith.constant 0 : i32
    %c0_i32_0 = arith.constant 0 : i32
    %c0_i32_1 = arith.constant 0 : i32
    return %c0_i32, %c0_i32_0 : i32, i32
  }
  func.func @transform_6(%arg0: i32) -> (i32, i32) {
    %c0_i32 = arith.constant 0 : i32
    %c0_i32_0 = arith.constant 0 : i32
    %c0_i32_1 = arith.constant 0 : i32
    return %c0_i32, %c0_i32_0 : i32, i32
  }
  func.func @transform_7(%arg0: i32) -> (i32, i32) {
    %c0_i32 = arith.constant 0 : i32
    %c0_i32_0 = arith.constant 0 : i32
    %c0_i32_1 = arith.constant 0 : i32
    return %c0_i32, %c0_i32_0 : i32, i32
  }
  func.func @transform_8(%arg0: i32) -> (i32, i32) {
    %c0_i32 = arith.constant 0 : i32
    %c0_i32_0 = arith.constant 0 : i32
    %c0_i32_1 = arith.constant 0 : i32
    return %c0_i32, %c0_i32_0 : i32, i32
  }
  func.func @transform_9(%arg0: i32) -> (i32, i32) {
    %c0_i32 = arith.constant 0 : i32
    %c0_i32_0 = arith.constant 0 : i32
    %c0_i32_1 = arith.constant 0 : i32
    return %c0_i32, %c0_i32_0 : i32, i32
  }
  func.func @transform_10(%arg0: i32) -> (i32, i32) {
    %c0_i32 = arith.constant 0 : i32
    %c0_i32_0 = arith.constant 0 : i32
    %c0_i32_1 = arith.constant 0 : i32
    return %c0_i32, %c0_i32_0 : i32, i32
  }
  func.func @transform_11(%arg0: i32) -> (i32, i32) {
    %c0_i32 = arith.constant 0 : i32
    %c0_i32_0 = arith.constant 0 : i32
    return %arg0, %c0_i32 : i32, i32
  }
  func.func @transform_12(%arg0: i32) -> (i32, i32) {
    %c0_i32 = arith.constant 0 : i32
    %c0_i32_0 = arith.constant 0 : i32
    return %arg0, %c0_i32 : i32, i32
  }
  func.func @transform_13(%arg0: i32) -> (i32, i32) {
    %c0_i32 = arith.constant 0 : i32
    %c0_i32_0 = arith.constant 0 : i32
    return %arg0, %c0_i32 : i32, i32
  }
  func.func @transform_14(%arg0: i32) -> (i32, i32) {
    %c0_i32 = arith.constant 0 : i32
    %c0_i32_0 = arith.constant 0 : i32
    return %arg0, %c0_i32 : i32, i32
  }
  func.func @transform_15(%arg0: i32) -> (i32, i32) {
    %c0_i32 = arith.constant 0 : i32
    %c0_i32_0 = arith.constant 0 : i32
    return %arg0, %c0_i32 : i32, i32
  }
  func.func @transform_16(%arg0: i32) -> (i32, i32) {
    %c0_i32 = arith.constant 0 : i32
    %c0_i32_0 = arith.constant 0 : i32
    return %arg0, %c0_i32 : i32, i32
  }
}

module attributes {stable_mosaic.version = 14 : i64} {
  func.func @body(%arg0: i32, %arg1: memref<2000x128xf32, #tpu.memory_space<vmem>>, %arg2: memref<2000x128xf32, #tpu.memory_space<vmem>>, %arg3: memref<2000x1xf32, #tpu.memory_space<vmem>>, %arg4: memref<2000x1xf32, #tpu.memory_space<vmem>>, %arg5: memref<2000x1xf32, #tpu.memory_space<vmem>>, %arg6: memref<2000x1xf32, #tpu.memory_space<vmem>>, %arg7: memref<2000x128xf32, #tpu.memory_space<vmem>>, %arg8: memref<2000x128xf32, #tpu.memory_space<vmem>>, %arg9: memref<2000x128xf32, #tpu.memory_space<vmem>>, %arg10: memref<2000x128xf32, #tpu.memory_space<vmem>>, %arg11: memref<128x128xf32, #tpu.memory_space<vmem>>, %arg12: memref<128x128xf32, #tpu.memory_space<vmem>>, %arg13: memref<1x128xf32, #tpu.memory_space<vmem>>, %arg14: memref<1x128xf32, #tpu.memory_space<vmem>>, %arg15: memref<1x128xf32, #tpu.memory_space<vmem>>, %arg16: memref<1x128xf32, #tpu.memory_space<vmem>>, %arg17: memref<1x4xf32, #tpu.memory_space<vmem>>, %arg18: memref<2x2000x128xf32, #tpu.memory_space<vmem>>) attributes {dimension_semantics = [#tpu.dimension_semantics<arbitrary>], iteration_bounds = array<i64: 5>, scalar_prefetch = 0 : i64, scratch_operands = 0 : i64, tpu.core_type = #tpu.core_type<tc>, window_params = [{transform_indices = @transform_0, window_bounds = array<i64: 2000, 128>}, {transform_indices = @transform_1, window_bounds = array<i64: 2000, 128>}, {transform_indices = @transform_2, window_bounds = array<i64: 2000, 1>}, {transform_indices = @transform_3, window_bounds = array<i64: 2000, 1>}, {transform_indices = @transform_4, window_bounds = array<i64: 2000, 1>}, {transform_indices = @transform_5, window_bounds = array<i64: 2000, 1>}, {transform_indices = @transform_6, window_bounds = array<i64: 2000, 128>}, {transform_indices = @transform_7, window_bounds = array<i64: 2000, 128>}, {transform_indices = @transform_8, window_bounds = array<i64: 2000, 128>}, {transform_indices = @transform_9, window_bounds = array<i64: 2000, 128>}, {pipeline_mode = #tpu.pipeline_mode<synchronous>, transform_indices = @transform_10, window_bounds = array<i64: 128, 128>}, {pipeline_mode = #tpu.pipeline_mode<synchronous>, transform_indices = @transform_11, window_bounds = array<i64: 128, 128>}, {pipeline_mode = #tpu.pipeline_mode<synchronous>, transform_indices = @transform_12, window_bounds = array<i64: 1, 128>}, {pipeline_mode = #tpu.pipeline_mode<synchronous>, transform_indices = @transform_13, window_bounds = array<i64: 1, 128>}, {pipeline_mode = #tpu.pipeline_mode<synchronous>, transform_indices = @transform_14, window_bounds = array<i64: 1, 128>}, {pipeline_mode = #tpu.pipeline_mode<synchronous>, transform_indices = @transform_15, window_bounds = array<i64: 1, 128>}, {pipeline_mode = #tpu.pipeline_mode<synchronous>, transform_indices = @transform_16, window_bounds = array<i64: 1, 4>}, {transform_indices = @transform_17, window_bounds = array<i64: 2, 2000, 128>}]} {
    %get3A = arith.constant 0 : index
    %get3A_0 = arith.constant 0 : index
    %get3A_1 = vector.load %arg17[%get3A, %get3A_0] : memref<1x4xf32, #tpu.memory_space<vmem>>, vector<1x1xf32>
    %get3A_2 = vector.extract %get3A_1[0, 0] : f32 from vector<1x1xf32>
    %get3A_3 = arith.constant 0 : index
    %get3A_4 = arith.constant 2 : index
    %get3A_5 = vector.load %arg17[%get3A_3, %get3A_4] : memref<1x4xf32, #tpu.memory_space<vmem>>, vector<1x1xf32>
    %get3A_6 = vector.extract %get3A_5[0, 0] : f32 from vector<1x1xf32>
    %get3A_7 = arith.constant 0 : index
    %get3A_8 = arith.constant 0 : index
    %get3A_9 = vector.load %arg7[%get3A_7, %get3A_8] : memref<2000x128xf32, #tpu.memory_space<vmem>>, vector<2000x128xf32>
    %get3A_10 = arith.constant 0 : index
    %get3A_11 = arith.constant 0 : index
    %get3A_12 = vector.load %arg9[%get3A_10, %get3A_11] : memref<2000x128xf32, #tpu.memory_space<vmem>>, vector<2000x1xf32>
    %max3A = arith.constant 1.000000e+00 : f32
    %max3A_13 = vector.broadcast %max3A : f32 to vector<2000x1xf32>
    %max3A_14 = arith.maximumf %get3A_12, %max3A_13 : vector<2000x1xf32>
    %div3A = vector.broadcast %max3A_14 : vector<2000x1xf32> to vector<2000x128xf32>
    %div3A_15 = arith.divf %get3A_9, %div3A : vector<2000x128xf32>
    %get3A_16 = arith.constant 0 : index
    %get3A_17 = arith.constant 0 : index
    %get3A_18 = vector.load %arg12[%get3A_16, %get3A_17] : memref<128x128xf32, #tpu.memory_space<vmem>>, vector<128x128xf32>
    %dot_general3A = arith.constant dense<0.000000e+00> : vector<2000x128xf32>
    %dot_general3A_19 = tpu.matmul %div3A_15, %get3A_18, %dot_general3A {dimension_numbers = #tpu.dot_dimension_numbers<[1], [0], [0], [1], [0, 0, 1, 1], [], []>, transpose_lhs_hint = false} : vector<2000x128xf32>, vector<128x128xf32>, vector<2000x128xf32> -> vector<2000x128xf32>
    %get3A_20 = arith.constant 0 : index
    %get3A_21 = arith.constant 0 : index
    %get3A_22 = vector.load %arg14[%get3A_20, %get3A_21] : memref<1x128xf32, #tpu.memory_space<vmem>>, vector<1x128xf32>
    %add3A = vector.broadcast %get3A_22 : vector<1x128xf32> to vector<2000x128xf32>
    %add3A_23 = arith.addf %dot_general3A_19, %add3A : vector<2000x128xf32>
    %get3A_24 = arith.constant 0 : index
    %get3A_25 = arith.constant 0 : index
    %get3A_26 = vector.load %arg8[%get3A_24, %get3A_25] : memref<2000x128xf32, #tpu.memory_space<vmem>>, vector<2000x128xf32>
    %get3A_27 = arith.constant 0 : index
    %get3A_28 = arith.constant 0 : index
    %get3A_29 = vector.load %arg10[%get3A_27, %get3A_28] : memref<2000x128xf32, #tpu.memory_space<vmem>>, vector<2000x1xf32>
    %max3A_30 = arith.constant 1.000000e+00 : f32
    %max3A_31 = vector.broadcast %max3A_30 : f32 to vector<2000x1xf32>
    %max3A_32 = arith.maximumf %get3A_29, %max3A_31 : vector<2000x1xf32>
    %div3A_33 = vector.broadcast %max3A_32 : vector<2000x1xf32> to vector<2000x128xf32>
    %div3A_34 = arith.divf %get3A_26, %div3A_33 : vector<2000x128xf32>
    %get3A_35 = arith.constant 0 : index
    %get3A_36 = arith.constant 0 : index
    %get3A_37 = vector.load %arg11[%get3A_35, %get3A_36] : memref<128x128xf32, #tpu.memory_space<vmem>>, vector<128x128xf32>
    %dot_general3A_38 = arith.constant dense<0.000000e+00> : vector<2000x128xf32>
    %dot_general3A_39 = tpu.matmul %div3A_34, %get3A_37, %dot_general3A_38 {dimension_numbers = #tpu.dot_dimension_numbers<[1], [0], [0], [1], [0, 0, 1, 1], [], []>, transpose_lhs_hint = false} : vector<2000x128xf32>, vector<128x128xf32>, vector<2000x128xf32> -> vector<2000x128xf32>
    %get3A_40 = arith.constant 0 : index
    %get3A_41 = arith.constant 0 : index
    %get3A_42 = vector.load %arg13[%get3A_40, %get3A_41] : memref<1x128xf32, #tpu.memory_space<vmem>>, vector<1x128xf32>
    %add3A_43 = vector.broadcast %get3A_42 : vector<1x128xf32> to vector<2000x128xf32>
    %add3A_44 = arith.addf %dot_general3A_39, %add3A_43 : vector<2000x128xf32>
    %get3A_45 = arith.constant 0 : index
    %get3A_46 = arith.constant 0 : index
    %get3A_47 = vector.load %arg15[%get3A_45, %get3A_46] : memref<1x128xf32, #tpu.memory_space<vmem>>, vector<1x128xf32>
    %mul3A = vector.broadcast %get3A_47 : vector<1x128xf32> to vector<2000x128xf32>
    %mul3A_48 = arith.mulf %add3A_23, %mul3A : vector<2000x128xf32>
    %reduce_sum3A = arith.constant dense<0.000000e+00> : vector<2000xf32>
    %reduce_sum3A_49 = vector.multi_reduction <add>, %mul3A_48, %reduce_sum3A [1] : vector<2000x128xf32> to vector<2000xf32>
    %broadcast_in_dim3A = vector.shape_cast %reduce_sum3A_49 : vector<2000xf32> to vector<2000x1xf32>
    %add3A_50 = vector.broadcast %get3A_2 : f32 to vector<2000x1xf32>
    %add3A_51 = arith.addf %broadcast_in_dim3A, %add3A_50 : vector<2000x1xf32>
    %get3A_52 = arith.constant 0 : index
    %get3A_53 = arith.constant 0 : index
    %get3A_54 = vector.load %arg5[%get3A_52, %get3A_53] : memref<2000x1xf32, #tpu.memory_space<vmem>>, vector<2000x1xf32>
    %add3A_55 = arith.addf %add3A_51, %get3A_54 : vector<2000x1xf32>
    %gt3A = arith.constant 0.000000e+00 : f32
    %gt3A_56 = vector.broadcast %gt3A : f32 to vector<2000x1xf32>
    %gt3A_57 = arith.cmpf ogt, %add3A_55, %gt3A_56 : vector<2000x1xf32>
    %min3A = arith.constant 0.000000e+00 : f32
    %min3A_58 = vector.broadcast %min3A : f32 to vector<2000x1xf32>
    %min3A_59 = arith.minimumf %add3A_55, %min3A_58 : vector<2000x1xf32>
    %exp3A = math.exp %min3A_59 : vector<2000x1xf32>
    %sub3A = arith.constant 1.000000e+00 : f32
    %sub3A_60 = vector.broadcast %sub3A : f32 to vector<2000x1xf32>
    %sub3A_61 = arith.subf %exp3A, %sub3A_60 : vector<2000x1xf32>
    %select_n3A = arith.select %gt3A_57, %add3A_55, %sub3A_61 : vector<2000x1xi1>, vector<2000x1xf32>
    %get3A_62 = arith.constant 0 : index
    %get3A_63 = arith.constant 0 : index
    %get3A_64 = vector.load %arg16[%get3A_62, %get3A_63] : memref<1x128xf32, #tpu.memory_space<vmem>>, vector<1x128xf32>
    %mul3A_65 = vector.broadcast %get3A_64 : vector<1x128xf32> to vector<2000x128xf32>
    %mul3A_66 = arith.mulf %add3A_44, %mul3A_65 : vector<2000x128xf32>
    %reduce_sum3A_67 = arith.constant dense<0.000000e+00> : vector<2000xf32>
    %reduce_sum3A_68 = vector.multi_reduction <add>, %mul3A_66, %reduce_sum3A_67 [1] : vector<2000x128xf32> to vector<2000xf32>
    %broadcast_in_dim3A_69 = vector.shape_cast %reduce_sum3A_68 : vector<2000xf32> to vector<2000x1xf32>
    %add3A_70 = vector.broadcast %get3A_6 : f32 to vector<2000x1xf32>
    %add3A_71 = arith.addf %broadcast_in_dim3A_69, %add3A_70 : vector<2000x1xf32>
    %get3A_72 = arith.constant 0 : index
    %get3A_73 = arith.constant 0 : index
    %get3A_74 = vector.load %arg6[%get3A_72, %get3A_73] : memref<2000x1xf32, #tpu.memory_space<vmem>>, vector<2000x1xf32>
    %add3A_75 = arith.addf %add3A_71, %get3A_74 : vector<2000x1xf32>
    %gt3A_76 = arith.constant 0.000000e+00 : f32
    %gt3A_77 = vector.broadcast %gt3A_76 : f32 to vector<2000x1xf32>
    %gt3A_78 = arith.cmpf ogt, %add3A_75, %gt3A_77 : vector<2000x1xf32>
    %min3A_79 = arith.constant 0.000000e+00 : f32
    %min3A_80 = vector.broadcast %min3A_79 : f32 to vector<2000x1xf32>
    %min3A_81 = arith.minimumf %add3A_75, %min3A_80 : vector<2000x1xf32>
    %exp3A_82 = math.exp %min3A_81 : vector<2000x1xf32>
    %sub3A_83 = arith.constant 1.000000e+00 : f32
    %sub3A_84 = vector.broadcast %sub3A_83 : f32 to vector<2000x1xf32>
    %sub3A_85 = arith.subf %exp3A_82, %sub3A_84 : vector<2000x1xf32>
    %select_n3A_86 = arith.select %gt3A_78, %add3A_75, %sub3A_85 : vector<2000x1xi1>, vector<2000x1xf32>
    %get3A_87 = arith.constant 0 : index
    %get3A_88 = arith.constant 0 : index
    %get3A_89 = vector.load %arg3[%get3A_87, %get3A_88] : memref<2000x1xf32, #tpu.memory_space<vmem>>, vector<2000x1xf32>
    %get3A_90 = arith.constant 0 : index
    %get3A_91 = arith.constant 0 : index
    %get3A_92 = vector.load %arg4[%get3A_90, %get3A_91] : memref<2000x1xf32, #tpu.memory_space<vmem>>, vector<2000x1xf32>
    %max3A_93 = arith.maximumf %get3A_89, %select_n3A : vector<2000x1xf32>
    %sub3A_94 = arith.subf %get3A_89, %max3A_93 : vector<2000x1xf32>
    %exp3A_95 = math.exp %sub3A_94 : vector<2000x1xf32>
    %sub3A_96 = arith.subf %select_n3A, %max3A_93 : vector<2000x1xf32>
    %exp3A_97 = math.exp %sub3A_96 : vector<2000x1xf32>
    %add3A_98 = arith.addf %exp3A_95, %exp3A_97 : vector<2000x1xf32>
    %max3A_99 = arith.maximumf %get3A_92, %select_n3A_86 : vector<2000x1xf32>
    %sub3A_100 = arith.subf %get3A_92, %max3A_99 : vector<2000x1xf32>
    %exp3A_101 = math.exp %sub3A_100 : vector<2000x1xf32>
    %sub3A_102 = arith.subf %select_n3A_86, %max3A_99 : vector<2000x1xf32>
    %exp3A_103 = math.exp %sub3A_102 : vector<2000x1xf32>
    %add3A_104 = arith.addf %exp3A_101, %exp3A_103 : vector<2000x1xf32>
    %get3A_105 = arith.constant 0 : index
    %get3A_106 = arith.constant 0 : index
    %get3A_107 = vector.load %arg1[%get3A_105, %get3A_106] : memref<2000x128xf32, #tpu.memory_space<vmem>>, vector<2000x128xf32>
    %div3A_108 = arith.divf %exp3A_95, %add3A_98 : vector<2000x1xf32>
    %mul3A_109 = vector.broadcast %div3A_108 : vector<2000x1xf32> to vector<2000x128xf32>
    %mul3A_110 = arith.mulf %get3A_107, %mul3A_109 : vector<2000x128xf32>
    %div3A_111 = arith.divf %exp3A_97, %add3A_98 : vector<2000x1xf32>
    %mul3A_112 = vector.broadcast %div3A_111 : vector<2000x1xf32> to vector<2000x128xf32>
    %mul3A_113 = arith.mulf %add3A_23, %mul3A_112 : vector<2000x128xf32>
    %add3A_114 = arith.addf %mul3A_110, %mul3A_113 : vector<2000x128xf32>
    %gt3A_115 = arith.constant 0.000000e+00 : f32
    %gt3A_116 = vector.broadcast %gt3A_115 : f32 to vector<2000x128xf32>
    %gt3A_117 = arith.cmpf ogt, %add3A_114, %gt3A_116 : vector<2000x128xf32>
    %min3A_118 = arith.constant 0.000000e+00 : f32
    %min3A_119 = vector.broadcast %min3A_118 : f32 to vector<2000x128xf32>
    %min3A_120 = arith.minimumf %add3A_114, %min3A_119 : vector<2000x128xf32>
    %exp3A_121 = math.exp %min3A_120 : vector<2000x128xf32>
    %sub3A_122 = arith.constant 1.000000e+00 : f32
    %sub3A_123 = vector.broadcast %sub3A_122 : f32 to vector<2000x128xf32>
    %sub3A_124 = arith.subf %exp3A_121, %sub3A_123 : vector<2000x128xf32>
    %select_n3A_125 = arith.select %gt3A_117, %add3A_114, %sub3A_124 : vector<2000x128xi1>, vector<2000x128xf32>
    %swap3A = arith.constant 0 : index
    %swap3A_126 = arith.constant 0 : index
    %swap3A_127 = arith.constant 0 : index
    %swap3A_128 = vector.load %arg18[%swap3A, %swap3A_126, %swap3A_127] : memref<2x2000x128xf32, #tpu.memory_space<vmem>>, vector<1x2000x128xf32>
    %swap3A_129 = vector.shape_cast %swap3A_128 : vector<1x2000x128xf32> to vector<2000x128xf32>
    %swap3A_130 = vector.shape_cast %select_n3A_125 : vector<2000x128xf32> to vector<1x2000x128xf32>
    tpu.vector_store %arg18[%swap3A, %swap3A_126, %swap3A_127], %swap3A_130 {strides = array<i32>} : memref<2x2000x128xf32, #tpu.memory_space<vmem>>, vector<1x2000x128xf32>,
    %get3A_131 = arith.constant 0 : index
    %get3A_132 = arith.constant 0 : index
    %get3A_133 = vector.load %arg2[%get3A_131, %get3A_132] : memref<2000x128xf32, #tpu.memory_space<vmem>>, vector<2000x128xf32>
    %div3A_134 = arith.divf %exp3A_101, %add3A_104 : vector<2000x1xf32>
    %mul3A_135 = vector.broadcast %div3A_134 : vector<2000x1xf32> to vector<2000x128xf32>
    %mul3A_136 = arith.mulf %get3A_133, %mul3A_135 : vector<2000x128xf32>
    %div3A_137 = arith.divf %exp3A_103, %add3A_104 : vector<2000x1xf32>
    %mul3A_138 = vector.broadcast %div3A_137 : vector<2000x1xf32> to vector<2000x128xf32>
    %mul3A_139 = arith.mulf %add3A_44, %mul3A_138 : vector<2000x128xf32>
    %add3A_140 = arith.addf %mul3A_136, %mul3A_139 : vector<2000x128xf32>
    %gt3A_141 = arith.constant 0.000000e+00 : f32
    %gt3A_142 = vector.broadcast %gt3A_141 : f32 to vector<2000x128xf32>
    %gt3A_143 = arith.cmpf ogt, %add3A_140, %gt3A_142 : vector<2000x128xf32>
    %min3A_144 = arith.constant 0.000000e+00 : f32
    %min3A_145 = vector.broadcast %min3A_144 : f32 to vector<2000x128xf32>
    %min3A_146 = arith.minimumf %add3A_140, %min3A_145 : vector<2000x128xf32>
    %exp3A_147 = math.exp %min3A_146 : vector<2000x128xf32>
    %sub3A_148 = arith.constant 1.000000e+00 : f32
    %sub3A_149 = vector.broadcast %sub3A_148 : f32 to vector<2000x128xf32>
    %sub3A_150 = arith.subf %exp3A_147, %sub3A_149 : vector<2000x128xf32>
    %select_n3A_151 = arith.select %gt3A_143, %add3A_140, %sub3A_150 : vector<2000x128xi1>, vector<2000x128xf32>
    %swap3A_152 = arith.constant 1 : index
    %swap3A_153 = arith.constant 0 : index
    %swap3A_154 = arith.constant 0 : index
    %swap3A_155 = vector.load %arg18[%swap3A_152, %swap3A_153, %swap3A_154] : memref<2x2000x128xf32, #tpu.memory_space<vmem>>, vector<1x2000x128xf32>
    %swap3A_156 = vector.shape_cast %swap3A_155 : vector<1x2000x128xf32> to vector<2000x128xf32>
    %swap3A_157 = vector.shape_cast %select_n3A_151 : vector<2000x128xf32> to vector<1x2000x128xf32>
    tpu.vector_store %arg18[%swap3A_152, %swap3A_153, %swap3A_154], %swap3A_157 {strides = array<i32>} : memref<2x2000x128xf32, #tpu.memory_space<vmem>>, vector<1x2000x128xf32>,
    return
  }
  func.func @transform_0(%arg0: i32) -> (i32, i32) {
    %c0_i32 = arith.constant 0 : i32
    %c0_i32_0 = arith.constant 0 : i32
    return %arg0, %c0_i32 : i32, i32
  }
  func.func @transform_1(%arg0: i32) -> (i32, i32) {
    %c0_i32 = arith.constant 0 : i32
    %c0_i32_0 = arith.constant 0 : i32
    return %arg0, %c0_i32 : i32, i32
  }
  func.func @transform_2(%arg0: i32) -> (i32, i32) {
    %c0_i32 = arith.constant 0 : i32
    %c0_i32_0 = arith.constant 0 : i32
    return %arg0, %c0_i32 : i32, i32
  }
  func.func @transform_3(%arg0: i32) -> (i32, i32) {
    %c0_i32 = arith.constant 0 : i32
    %c0_i32_0 = arith.constant 0 : i32
    return %arg0, %c0_i32 : i32, i32
  }
  func.func @transform_4(%arg0: i32) -> (i32, i32) {
    %c0_i32 = arith.constant 0 : i32
    %c0_i32_0 = arith.constant 0 : i32
    return %arg0, %c0_i32 : i32, i32
  }
  func.func @transform_5(%arg0: i32) -> (i32, i32) {
    %c0_i32 = arith.constant 0 : i32
    %c0_i32_0 = arith.constant 0 : i32
    return %arg0, %c0_i32 : i32, i32
  }
  func.func @transform_6(%arg0: i32) -> (i32, i32) {
    %c0_i32 = arith.constant 0 : i32
    %c0_i32_0 = arith.constant 0 : i32
    return %arg0, %c0_i32 : i32, i32
  }
  func.func @transform_7(%arg0: i32) -> (i32, i32) {
    %c0_i32 = arith.constant 0 : i32
    %c0_i32_0 = arith.constant 0 : i32
    return %arg0, %c0_i32 : i32, i32
  }
  func.func @transform_8(%arg0: i32) -> (i32, i32) {
    %c0_i32 = arith.constant 0 : i32
    %c0_i32_0 = arith.constant 0 : i32
    return %arg0, %c0_i32 : i32, i32
  }
  func.func @transform_9(%arg0: i32) -> (i32, i32) {
    %c0_i32 = arith.constant 0 : i32
    %c0_i32_0 = arith.constant 0 : i32
    return %arg0, %c0_i32 : i32, i32
  }
  func.func @transform_10(%arg0: i32) -> (i32, i32) {
    %c0_i32 = arith.constant 0 : i32
    %c0_i32_0 = arith.constant 0 : i32
    %c0_i32_1 = arith.constant 0 : i32
    return %c0_i32, %c0_i32_0 : i32, i32
  }
  func.func @transform_11(%arg0: i32) -> (i32, i32) {
    %c0_i32 = arith.constant 0 : i32
    %c0_i32_0 = arith.constant 0 : i32
    %c0_i32_1 = arith.constant 0 : i32
    return %c0_i32, %c0_i32_0 : i32, i32
  }
  func.func @transform_12(%arg0: i32) -> (i32, i32) {
    %c0_i32 = arith.constant 0 : i32
    %c0_i32_0 = arith.constant 0 : i32
    %c0_i32_1 = arith.constant 0 : i32
    return %c0_i32, %c0_i32_0 : i32, i32
  }
  func.func @transform_13(%arg0: i32) -> (i32, i32) {
    %c0_i32 = arith.constant 0 : i32
    %c0_i32_0 = arith.constant 0 : i32
    %c0_i32_1 = arith.constant 0 : i32
    return %c0_i32, %c0_i32_0 : i32, i32
  }
  func.func @transform_14(%arg0: i32) -> (i32, i32) {
    %c0_i32 = arith.constant 0 : i32
    %c0_i32_0 = arith.constant 0 : i32
    %c0_i32_1 = arith.constant 0 : i32
    return %c0_i32, %c0_i32_0 : i32, i32
  }
  func.func @transform_15(%arg0: i32) -> (i32, i32) {
    %c0_i32 = arith.constant 0 : i32
    %c0_i32_0 = arith.constant 0 : i32
    %c0_i32_1 = arith.constant 0 : i32
    return %c0_i32, %c0_i32_0 : i32, i32
  }
  func.func @transform_16(%arg0: i32) -> (i32, i32) {
    %c0_i32 = arith.constant 0 : i32
    %c0_i32_0 = arith.constant 0 : i32
    %c0_i32_1 = arith.constant 0 : i32
    return %c0_i32, %c0_i32_0 : i32, i32
  }
  func.func @transform_17(%arg0: i32) -> (i32, i32, i32) {
    %c0_i32 = arith.constant 0 : i32
    %c0_i32_0 = arith.constant 0 : i32
    %c0_i32_1 = arith.constant 0 : i32
    return %c0_i32, %arg0, %c0_i32_0 : i32, i32, i32
  }
}

</mosaic_0001>

<sc_bundles>
// kernel: kernel.5.cloned.1.call-start
scs
__scs_entry_jumppad:
0x0: {  	(pc) =	sbr.rel $0x88, $3  }
0x1: {  	(tag) =	ssettag $0x0;
	lr =	simm.s32 $0x1  }
0x2: {  	[smem:$0x3F85] =	sst lr;
	_ =	strace $0xD0000000  }
0x3: {  	_ = 	snop  }
0x4: {  	_ = 	snop  }
0x5: {  	_ = 	snop  }
0x6: {  	_ = 	snop  }
0x7: {  	_ = 	snop  }
__scs_overlays_trampoline_lowered:
0x8: {  	[smem:$0x3F94] =	sst s0  }
0x9: {  	[smem:$0x3F95] =	sst s1  }
0xa: {  	[smem:$0x3F96] =	sst s2  }
0xb: {  	[smem:$0x3F97] =	sst s3  }
0xc: {  	[smem:$0x3F98] =	sst s4  }
0xd: {  	[smem:$0x3F99] =	sst s5  }
0xe: {  	[smem:$0x3F9A] =	sst s6  }
0xf: {  	[smem:$0x3F9B] =	sst s7  }
0x10: {  	[smem:$0x3F9C] =	sst s8  }
0x11: {  	[smem:$0x3F9D] =	sst s9;
	s0 =	simm.s32 @!p0 $0x0  }
0x12: {  	s1 =	sld [smem:$0x3F83];
	s0 =	simm.s32 @p0 $0x1  }
0x13: {  	[smem:$0x3F9E] =	sst s0;
	s0 =	simm.s32 @!p1 $0x0  }
0x14: {  	s2 =	sld [smem:$0x3F82];
	s0 =	simm.s32 @p1 $0x1  }
0x15: {  	[smem:$0x3F9F] =	sst s0;
	s0 =	simm.s32 @!p2 $0x0  }
0x16: {  	s3 =	sld [smem:$0x3FDB];
	s0 =	simm.s32 @p2 $0x1  }
0x17: {  	s4 =	simm.s32 $0x1BF5;
	[smem:$0x3FA1] =	sst s0  }
0x18: {  	s0 =	sld [smem:$0x3F84];
	_ =	swait.ge [sflag:s4], $0x0  }
0x19: {  	s7 =	sld [smem:$0x3F85]  }
0x1a: {  	s8 =	sadd.s32 $0xFFFFE003, lr  }
0x1b: {  	s9 =	sadd.s32 $0xFFFFFEF7, lr;
	s5 =	simm.s32 $0xFFFFFFFF;
	p2 =	slt.u32 s8, $0xFFFFF086  }
0x1c: {  	p1 =	slt.u32 s9, $0xF7A;
	s5 =	simm.s32 @!p2 $0x0  }
0x1d: {  	s5 =	simm.s32 @p1 $0x1;
	p0 =	seq.s32 s7, s2  }
0x1e: {  	s7 =	smul.u32 @!p0 $0xF7A, s2;
	p2 =	seq.s32 @!p0 s5, $0x0  }
0x1f: {  	s9 =	smul.u32 $0xF7A, s1;
	s8 =	simm.s32 @!p0 $0x1BF5;
	p2 =	por !p2, p0  }
0x20: {  	[sflag:s8] =	ssyncset.s32 @!p0 $0xFFFFF086;
	s6 =	sadd.s32 @!p0 s3, s7;
	s7 =	simm.s32 @!p0 $0x108  }
0x21: {  	s3 =	sadd.s32 s3, s9;
	s6 =	sadd.s32 @!p0 $0x88, s6;
	s7 =	simm.s32 @p2 $0x1082  }
0x22: {  	[simem:s7], [sflag:s8] =	dma.local @!p0 [hbm:s6], $0xF7A  }
0x23: {  	s9 =	sor.u32 $0xD0000000, s2;
	s6 =	simm.s32 $0x108;
	_ =	swait.ge @!p0 [sflag:s8], $0x0  }
0x24: {  	s3 =	sadd.s32 $0x88, s3;
	s6 =	simm.s32 @!p1 $0x1082;
	[sflag:s4] =	ssyncset.s32 $0xFFFFF086  }
0x25: {  	[simem:s6], [sflag:s4] =	dma.local [hbm:s3], $0xF7A  }
0x26: {  	[smem:$0x3F85] =	sst s1;
	(tag) =	ssettag s2;
	_ =	strace s9  }
0x27: {  	s1 =	sld [smem:$0x3F95]  }
0x28: {  	s2 =	sld [smem:$0x3F96]  }
0x29: {  	s4 =	sld [smem:$0x3F98]  }
0x2a: {  	p0 =	seq.s32 s5, $0x0;
	s5 =	sld [smem:$0x3F99]  }
0x2b: {  	s6 =	sld [smem:$0x3F9A]  }
0x2c: {  	s7 =	sld [smem:$0x3F9B]  }
0x2d: {  	s3 =	simm.s32 $0x108;
	s8 =	sld [smem:$0x3F9C]  }
0x2e: {  	s3 =	simm.s32 @!p0 $0x1082;
	s9 =	sld [smem:$0x3F9D]  }
0x2f: {  	lr =	sadd.s32 s0, s3;
	s0 =	sld [smem:$0x3F94]  }
0x30: {  	s3 =	sld [smem:$0x3F97]  }
0x31: {  	[smem:$0x3FA0] =	sst s10  }
0x32: {  	s10 =	sld [smem:$0x3F9E];
	_ =	sdelay $0x3  }
0x33: {  	p0 =	seq.s32 s10, $0x1;
	s10 =	sld [smem:$0x3FA0];
	_ =	sdelay $0x3  }
0x34: {  	[smem:$0x3FA0] =	sst s10  }
0x35: {  	s10 =	sld [smem:$0x3F9F];
	_ =	sdelay $0x3  }
0x36: {  	p1 =	seq.s32 s10, $0x1;
	s10 =	sld [smem:$0x3FA0];
	_ =	sdelay $0x3  }
0x37: {  	[smem:$0x3FA0] =	sst s10  }
0x38: {  	s10 =	sld [smem:$0x3FA1]  }
0x39: {  	_ = 	snop;
	(pc) =	sbr.ind lr, $3  }
0x3a: {  	_ = 	snop  }
0x3b: {  	_ = 	snop  }
0x3c: {  	p2 =	seq.s32 s10, $0x1;
	s10 =	sld [smem:$0x3FA0]  }
0x3d: {  	_ =	shalt  }
0x3e: {  	_ =	shalt  }
0x3f: {  	_ =	shalt  }
0x40: {  	_ =	shalt  }
0x41: {  	_ =	shalt  }
0x42: {  	_ =	shalt  }
0x43: {  	_ =	shalt  }
0x44: {  	_ =	shalt  }
0x45: {  	_ =	shalt  }
0x46: {  	_ =	shalt  }
0x47: {  	_ =	shalt  }
0x48: {  	_ =	shalt  }
0x49: {  	_ =	shalt  }
0x4a: {  	_ =	shalt  }
0x4b: {  	_ =	shalt  }
0x4c: {  	_ =	shalt  }
0x4d: {  	_ =	shalt  }
0x4e: {  	_ =	shalt  }
0x4f: {  	_ =	shalt  }
0x50: {  	_ =	shalt  }
0x51: {  	_ =	shalt  }
0x52: {  	_ =	shalt  }
0x53: {  	_ =	shalt  }
0x54: {  	_ =	shalt  }
0x55: {  	_ =	shalt  }
0x56: {  	_ =	shalt  }
0x57: {  	_ =	shalt  }
0x58: {  	_ =	shalt  }
0x59: {  	_ =	shalt  }
0x5a: {  	_ =	shalt  }
0x5b: {  	_ =	shalt  }
0x5c: {  	_ =	shalt  }
0x5d: {  	_ =	shalt  }
0x5e: {  	_ =	shalt  }
0x5f: {  	_ =	shalt  }
0x60: {  	_ =	shalt  }
0x61: {  	_ =	shalt  }
0x62: {  	_ =	shalt  }
0x63: {  	_ =	shalt  }
0x64: {  	_ =	shalt  }
0x65: {  	_ =	shalt  }
0x66: {  	_ =	shalt  }
0x67: {  	_ =	shalt  }
0x68: {  	_ =	shalt  }
0x69: {  	_ =	shalt  }
0x6a: {  	_ =	shalt  }
0x6b: {  	_ =	shalt  }
0x6c: {  	_ =	shalt  }
0x6d: {  	_ =	shalt  }
0x6e: {  	_ =	shalt  }
0x6f: {  	_ =	shalt  }
0x70: {  	_ =	shalt  }
0x71: {  	_ =	shalt  }
0x72: {  	_ =	shalt  }
0x73: {  	_ =	shalt  }
0x74: {  	_ =	shalt  }
0x75: {  	_ =	shalt  }
0x76: {  	_ =	shalt  }
0x77: {  	_ =	shalt  }
0x78: {  	_ =	shalt  }
0x79: {  	_ =	shalt  }
0x7a: {  	_ =	shalt  }
0x7b: {  	_ =	shalt  }
0x7c: {  	_ =	shalt  }
0x7d: {  	_ =	shalt  }
0x7e: {  	_ =	shalt  }
0x7f: {  	_ =	shalt  }
0x80: {  	_ =	shalt  }
0x81: {  	_ =	shalt  }
0x82: {  	_ =	shalt  }
0x83: {  	_ =	shalt  }
0x84: {  	_ =	shalt  }
0x85: {  	_ =	shalt  }
0x86: {  	_ =	shalt  }
0x87: {  	_ =	shalt  }
.Lfunc_end0:
.L_simem_size_0:
called_computation_lowered:
.L_overlay_start_0:
0x88: {  	s2 =	sld [smem:$0x3FD9]  }
0x89: {  	s3 =	sld [smem:$0x3FFE];
	_ =	sdelay $0x1  }
0x8a: {  	s1 =	srdreg.scid  }
0x8b: {  	s0 =	sand.u32 $0x1, s1  }
0x8c: {  	s17 =	sshll.u32 s0, $0xA;
	s2 =	sadd.s32 s3, s2  }
0x8d: {  	s2 =	sadd.s32 s2, s17  }
0x8e: {  	[smem:$0x3FAC] =	sst s2  }
0x8f: {  	_ = 	snop  }
0x90: {  	s2 =	sld [smem:$0x3FC9]  }
0x91: {  	s18 =	sld [smem:$0x3FC8]  }
0x92: {  	s4 =	sld [smem:$0x3FD0];
	(tm) =	ssettm $0x1  }
0x93: {  	s5 =	sld [smem:$0x3FFB];
	_ =	sdelay $0x3  }
0x94: {  	_ =	strace s5  }
0x95: {  	s5 =	sld [smem:$0x3FFC];
	_ =	sdelay $0x3  }
0x96: {  	_ =	strace s5  }
0x97: {  	s5 =	sld [smem:$0x3FFD];
	_ =	sdelay $0x3  }
0x98: {  	_ =	strace s5  }
0x99: {  	_ =	strace $0x8FFFFFFF  }
0x9a: {  	s19 =	sld [smem:$0x3FDB];
	_ =	sdelay $0x1  }
0x9b: {  	s6 =	simm.s32 $_scs_section_size  }
0x9c: {  	s7 =	simm.s32 $_size__tile_overlayer_lowered;
	s8 =	simm.s32 $_tile_overlayer_lowered  }
0x9d: {  	s22 =	simm.s32 $0x1BFF;
	s21 =	sshll.u32 s8, $0x1;
	s5 =	sadd.s32 s6, s19  }
0x9e: {  	s9 =	simm.s32 $0x0;
	s20 =	sshll.u32 s7, $0x1;
	s7 =	sadd.s32 s21, s5  }
0x9f: {  	[timem:s9], [sflag:s22] =	dma.local [hbm:s7], s20  }
0xa0: {  	_ =	swait.ge [sflag:s22], s20  }
0xa1: {  	s6 =	ssub.s32 $0x0, s20;
	[sflag:s22] =	ssyncset.done $0x0  }
0xa2: {  	[sflag:s22] =	ssyncadd.s32 s6;
	_ =	sdelay $0x1  }
0xa3: {  	s23 =	simm.s32 $0x1B8B  }
0xa4: {  	_ =	swait.ge [sflag:s23], $0x1  }
0xa5: {  	[sflag:s23] =	ssyncset.done $0x0  }
0xa6: {  	s25 =	simm.s32 $0x1B8E;
	s24 =	sld [smem:$0x3FFE];
	[sflag:s23] =	ssyncadd.s32 $0xFFFFFFFF  }
0xa7: {  	s26 =	simm.s32 $execute0_lowered;
	[smem:$0x3FD2] =	sst s25  }
0xa8: {  	s7 =	sshll.u32 s26, $0x1;
	_ =	strace $0x80000046;
	[dreg:$0x1] =	wrdreg $0xFFFFFFFF  }
0xa9: {  	s28 =	simm.s32 $_size_execute0_lowered;
	s5 =	sadd.s32 s5, s7;
	[dreg:$0x0] =	wrdreg $0x0  }
0xaa: {  	s7 =	sshll.u32 s28, $0x1;
	[dreg:$0x2] =	wrdreg s5  }
0xab: {  	[dreg:$0x3] =	wrdreg s7  }
0xac: {  	[dreg:$0x4] =	wrdreg $0xC0  }
0xad: {  	_ =	task [dreg:s9], $0x5FFFF  }
0xae: {  	[dreg:$0x1] =	wrdreg $0xFFFFFFFF  }
0xaf: {  	[dreg:$0x0] =	wrdreg $0x60  }
0xb0: {  	[dreg:$0x2] =	wrdreg s2  }
0xb1: {  	[dreg:$0x3] =	wrdreg s18  }
0xb2: {  	[dreg:$0x4] =	wrdreg s24  }
0xb3: {  	[dreg:$0x5] =	wrdreg s4  }
0xb4: {  	[dreg:$0x6] =	wrdreg $0xA4000  }
0xb5: {  	[dreg:$0x7] =	wrdreg $0x9  }
0xb6: {  	_ =	task.clear_ibuf [dreg:s9], $0x8FFFF;
	_ =	strace $0x90000046  }
0xb7: {  	s29 =	simm.s32 $0x9;
	_ =	strace $0x80000048  }
0xb8: {  	_ =	swait.ge [sflag:s29], $0x1  }
0xb9: {  	[sflag:s29] =	ssyncadd.s32 $0xFFFFFFFF  }
0xba: {  	_ =	strace $0x90000048  }
0xbb: {  	_ =	sfence  }
0xbc: {  	s30 =	sld [smem:$0x0];
	_ =	sdelay $0x2  }
0xbd: {  	s31 =	sshll.u32 s1, $0xD;
	s1 =	sshrl.u32 s1, $0x2  }
0xbe: {  	s3 =	sand.u32 $0x4000, s31;
	s1 =	sadd.s32 s1, s30  }
0xbf: {  	s0 =	sor.u32 s3, s0;
	s1 =	sshll.u32 s1, $0x11  }
0xc0: {  	s0 =	sor.u32 s1, s0  }
0xc1: {  	s0 =	sadd.s32 $0x8F2B, s0  }
0xc2: {  	[sflag:s0] =	ssyncadd.remote.s32 $0x1  }
0xc3: {  	_ =	sfence.sel $0xFFFF  }
0xc4: {  	[dreg:$0x0] =	wrdreg $0xFFFFFFFF;
	(pc) =	sbr.abs _section_cstart, $3  }
0xc5: {  	[dreg:$0x1] =	wrdreg $0xFFFFFFFF  }
0xc6: {  	_ =	task.clear_ibuf [dreg:s9], $0x2FFFF;
	_ =	strace $0x9FFFFFFF  }
0xc7: {  	(tm) =	ssettm $0x7FFFFFFF  }
tec
execute0_lowered:
.L_overlay_start_1:
0x0: {  	(tag) =	ssettag $0x1  }
0x1: {  	s1 =	rddreg [dreg:$0x0]  }
0x2: {  	s2 =	rddreg [dreg:$0x1]  }
0x3: {  	s0 =	rddreg [dreg:$0x2]  }
0x4: {  	s4 =	rddreg [dreg:$0x3]  }
0x5: {  	s3 =	rddreg [dreg:$0x4];
	s5 =	simm.s32 $0x0;
	s6 =	srdreg.scid  }
0x6: {  	s17 =	stileid.u32;
	s28 =	simm.s32 $0x0;
	[smem:$0x7FF] =	sst s5  }
0x7: {  	s7 =	sadd.s32 $0xA600, s0;
	s8 =	sand.u32 $0x1, s6;
	s11 =	smul.u32 $0x4E20, s17  }
0x8: {  	s9 =	sadd.s32 $0x14400, s0;
	s6 =	smul.u32 $0x2800, s17;
	s10 =	ssub.s32 $0x2, s8  }
0x9: {  	s13 =	sadd.s32 $0x800, s0;
	s16 =	smul.u32 $0x9C4, s17;
	s12 =	sshrl.u32 s10, $0x1  }
0xa: {  	p0 =	seq.s32 s8, $0x1;
	s11 =	sshrl.u32 s11, $0x3;
	s15 =	ssub.s32 s10, s12  }
0xb: {  	s18 =	sadd.s32 s7, s11;
	s19 =	sadd.s32 s9, s11;
	s14 =	sadd.s32 $0x14, s11  }
0xc: {  	s21 =	sadd.s32 s13, s11;
	s12 =	sadd.s32 s4, s11;
	[dreg:$0x6] =	wrdreg s18  }
0xd: {  	s11 =	sadd.s32 $0x9B0, s11;
	[dreg:$0x7] =	wrdreg s19;
	s20 =	sadd.s32 s7, s14  }
0xe: {  	s10 =	sadd.s32 s9, s14;
	[dreg:$0x9] =	wrdreg s21;
	s22 =	sadd.s32 s13, s14  }
0xf: {  	s14 =	sadd.s32 s4, s14;
	s23 =	sadd.s32 s7, s11;
	[dreg:$0x8] =	wrdreg s20  }
0x10: {  	s24 =	sadd.s32 s9, s11;
	s25 =	sadd.s32 s13, s11;
	[dreg:$0xa] =	wrdreg s22  }
0x11: {  	s26 =	sadd.s32 s4, s11;
	s19 =	sadd.s32 s16, s9;
	[dreg:$0xb] =	wrdreg s23  }
0x12: {  	s11 =	smul.u32 $0x50000, s17;
	s21 =	sadd.s32 s16, s4;
	[dreg:$0xc] =	wrdreg s24  }
0x13: {  	s18 =	sadd.s32 s6, s0;
	s29 =	smax.u32 s15, $0x1;
	[dreg:$0xd] =	wrdreg s25  }
0x14: {  	s9 =	simm.s32 $0x3;
	s15 =	simm.s32 $0x200;
	[dreg:$0xe] =	wrdreg s26  }
0x15: {  	s20 =	sadd.s32 s16, s7;
	s22 =	sadd.s32 s16, s13;
	s23 =	sadd.s32 $0x6E200, s0  }
0x16: {  	s0 =	sadd.s32 $0x96200, s0;
	s24 =	sadd.s32 $0x46200, s18;
	s26 =	sadd.s32 $0x1E200, s18  }
0x17: {  	s7 =	simm.s32 $0x400;
	_ =	strace $0x80000047;
	[dreg:$0xf] =	wrdreg s23  }
.Ltmp0:
0x18: {  	s13 =	simm.s32 $0xA0;
	[dreg:$0x10] =	wrdreg s0;
	(pc) =	sbr.rel .LBB2_1-.Ltmp0, $4  }
0x19: {  	s16 =	simm.s32 $0x300;
	s18 =	simm.s32 $0x1;
	[dreg:$0x11] =	wrdreg s24  }
0x1a: {  	s17 =	sshrl.u32 s11, $0x2;
	[dreg:$0x12] =	wrdreg s26;
	s11 =	simm.s32 $0x100  }
0x1b: {  	s26 =	simm.s32 $0x2;
	s25 =	sadd.s32 s17, s3;
	s17 =	simm.s32 $0x5400  }
0x1c: {  	v0 =	vimm.f32 $0.0e+00;
	v1 =	vimm.f32 $1.000000000e+00;
	s30 =	sadd.s32 $0x5000, s25;
	s31 =	sadd.s32 $0xA000, s25;
	s0 =	sadd.s32 $0xF000, s25  }
.LBB2_24:
0x1d: {  	s4 =	rddreg [dreg:$0xf]  }
.LBB2_25:
0x1e: {  	_ =	swait.ge [sflag:s18], $0x5000  }
0x1f: {  	[sflag:s18] =	ssyncset.done $0x0  }
0x20: {  	[sflag:s18] =	ssyncadd.s32 $0xFFFFB000  }
0x21: {  	_ =	swait.ge [sflag:s26], $0x5000  }
0x22: {  	s28 =	sadd.s32 $0x1, s28;
	[sflag:s26] =	ssyncset.done $0x0  }
0x23: {  	s4 =	sadd.s32 s4, s6;
	p1 =	sne.s32 s28, s29;
	[sflag:s26] =	ssyncadd.s32 $0xFFFFB000  }
.Ltmp1:
0x24: {  	s8 =	sshrl.u32 s25, $0x3;
	[bflag:$0x0] =	sbarrier.arrive $0xFFFF;
	(pc) =	sbr.rel @!p1 .LBB2_26-.Ltmp1, $4  }
0x25: {  	[hbm:s4], [sflag:s23] =	dma.local [spmem:s8], $0x2800  }
0x26: {  	_ =	swait.ge [sflag:s9], $0x2800  }
0x27: {  	[sflag:s9] =	ssyncset.done $0x0  }
0x28: {  	[sflag:s9] =	ssyncadd.s32 $0xFFFFD800  }
.LBB2_1:
.Ltmp2:
0x29: {  	(pc) =	sbr.rel @!p0 .LBB2_2-.Ltmp2, $2  }
0x2a: {  	_ =	sdelay $0x2  }
0x2b: {  	s23 =	sshra.s32 s5, $0x2  }
0x2c: {  	s4 =	sadd.s32 $0x200, s5  }
.LBB2_15:
0x2d: {  	p1 =	seq.s32 s4, $0x13E00;
	[tilespmem:s23+$0x470] =	vst v0  }
0x2e: {  	[tilespmem:s23+$0x400] =	vst v0  }
0x2f: {  	[tilespmem:s23+$0x410] =	vst v0  }
.Ltmp3:
0x30: {  	[tilespmem:s23+$0x420] =	vst v0;
	(pc) =	sbr.rel @!p1 .LBB2_15-.Ltmp3, $4  }
0x31: {  	[tilespmem:s23+$0x430] =	vst v0  }
0x32: {  	[tilespmem:s23+$0x440] =	vst v0  }
0x33: {  	[tilespmem:s23+$0x450] =	vst v0  }
0x34: {  	[tilespmem:s23+$0x460] =	vst v0;
	s23 =	sshra.s32 s4, $0x2;
	s4 =	sadd.s32 $0x200, s4  }
0x35: {  	[tilespmem:s23+$0x470] =	vst v0  }
0x36: {  	[tilespmem:s23+$0x400] =	vst v0  }
0x37: {  	[tilespmem:s23+$0x410] =	vst v0  }
0x38: {  	[tilespmem:s23+$0x420] =	vst v0  }
0x39: {  	[tilespmem:s23+$0x430] =	vst v0  }
0x3a: {  	[tilespmem:s23+$0x440] =	vst v0  }
0x3b: {  	[tilespmem:s23+$0x450] =	vst v0  }
0x3c: {  	[tilespmem:s23+$0x460] =	vst v0  }
0x3d: {  	[spmem:s25] =	stream.linear.scatter [tilespmem:s7], [sflag:$0x3], $0x5000, $0x38;
	[tilespmem:$0x1E400] =	vst v63  }
0x3e: {  	_ =	swait.ge [sflag:s9], $0x5000  }
0x3f: {  	[sflag:s9] =	ssyncset.done $0x0  }
0x40: {  	[sflag:s9] =	ssyncadd.s32 $0xFFFFB000  }
0x41: {  	[spmem:s30] =	stream.linear.scatter [tilespmem:s7], [sflag:$0x3], $0x5000, $0x38;
	[tilespmem:$0x1E400] =	vst v63  }
0x42: {  	_ =	swait.ge [sflag:s9], $0x5000  }
0x43: {  	[sflag:s9] =	ssyncset.done $0x0  }
0x44: {  	[sflag:s9] =	ssyncadd.s32 $0xFFFFB000  }
0x45: {  	[spmem:s31] =	stream.linear.scatter [tilespmem:s7], [sflag:$0x3], $0x5000, $0x38;
	[tilespmem:$0x1E400] =	vst v63  }
0x46: {  	_ =	swait.ge [sflag:s9], $0x5000  }
0x47: {  	[sflag:s9] =	ssyncset.done $0x0  }
0x48: {  	[sflag:s9] =	ssyncadd.s32 $0xFFFFB000  }
0x49: {  	[spmem:s0] =	stream.linear.scatter [tilespmem:s7], [sflag:$0x3], $0x5000, $0x38;
	[tilespmem:$0x1E400] =	vst v63  }
0x4a: {  	_ =	swait.ge [sflag:s9], $0x5000  }
0x4b: {  	[sflag:s9] =	ssyncset.done $0x0  }
0x4c: {  	[sflag:s9] =	ssyncadd.s32 $0xFFFFB000  }
0x4d: {  	[bflag:$0x0] =	sbarrier.arrive $0xFFFF  }
0x4e: {  	s4 =	rddreg [dreg:$0x9]  }
0x4f: {  	[tilespmem:s5], [sflag:$0x3] =	stream.linear.gather [hbm4b:s4+s5], $0xA0, $0x38;
	[tilespmem:$0x1E400] =	vst v63  }
0x50: {  	_ =	swait.ge [sflag:s9], $0xA0  }
0x51: {  	[sflag:s9] =	ssyncset.done $0x0  }
0x52: {  	[sflag:s9] =	ssyncadd.s32 $0xFFFFFF60  }
0x53: {  	[tilespmem:s11], [sflag:$0x3] =	stream.linear.gather [hbm4b:s12+s5], $0xA0, $0x38;
	[tilespmem:$0x1E400] =	vst v63  }
0x54: {  	_ =	swait.ge [sflag:s9], $0xA0  }
0x55: {  	[sflag:s9] =	ssyncset.done $0x0  }
0x56: {  	[sflag:s9] =	ssyncadd.s32 $0xFFFFFF60  }
0x57: {  	[tilespmem:s7], [sflag:$0x1] =	stream.indirect.gather [hbm4b:s2+s13], $0x80, s5, s13, $0xb8;
	[tilespmem:$0x1E400] =	vst v63  }
0x58: {  	s23 =	rddreg [dreg:$0xa]  }
0x59: {  	[tilespmem:s15], [sflag:$0x3] =	stream.linear.gather [hbm4b:s23+s5], $0xA0, $0x38;
	[tilespmem:$0x1E400] =	vst v63  }
0x5a: {  	_ =	swait.ge [sflag:s9], $0xA0  }
0x5b: {  	[sflag:s9] =	ssyncset.done $0x0  }
0x5c: {  	[sflag:s9] =	ssyncadd.s32 $0xFFFFFF60  }
0x5d: {  	[tilespmem:s16], [sflag:$0x3] =	stream.linear.gather [hbm4b:s14+s5], $0xA0, $0x38;
	[tilespmem:$0x1E400] =	vst v63  }
0x5e: {  	_ =	swait.ge [sflag:s9], $0xA0  }
0x5f: {  	[sflag:s9] =	ssyncset.done $0x0  }
0x60: {  	[sflag:s9] =	ssyncadd.s32 $0xFFFFFF60  }
0x61: {  	[tilespmem:s17], [sflag:$0x2] =	stream.indirect.gather [hbm4b:s2+s13], $0x80, s15, s13, $0xb8;
	[tilespmem:$0x1E400] =	vst v63  }
0x62: {  	_ =	swait.ge [sflag:s18], $0x5000  }
0x63: {  	[sflag:s18] =	ssyncset.done $0x0  }
0x64: {  	s4 =	sadd.s32 $0xFFFFF678, s22;
	[sflag:s18] =	ssyncadd.s32 $0xFFFFB000  }
0x65: {  	[spmem:s3] =	stream.indirect.scatter.add.f32 [tilespmem:s7], [sflag:$0x1], $0x80, s11, s13, $0xb8;
	[tilespmem:$0x1E400] =	vst v63  }
0x66: {  	s8 =	sadd.s32 $0x9B0, s4  }
0x67: {  	[tilespmem:s5], [sflag:$0x3] =	stream.linear.gather [hbm4b:s8+s5], $0xA0, $0x38;
	[tilespmem:$0x1E400] =	vst v63  }
0x68: {  	_ =	swait.ge [sflag:s9], $0xA0  }
0x69: {  	[sflag:s9] =	ssyncset.done $0x0  }
0x6a: {  	[sflag:s9] =	ssyncadd.s32 $0xFFFFFF60  }
0x6b: {  	_ =	swait.ge [sflag:s18], $0x5000  }
0x6c: {  	s8 =	sadd.s32 $0xFFFFF678, s21;
	[sflag:s18] =	ssyncset.done $0x0  }
0x6d: {  	s24 =	sadd.s32 $0x9B0, s8;
	[sflag:s18] =	ssyncadd.s32 $0xFFFFB000  }
0x6e: {  	[tilespmem:s11], [sflag:$0x3] =	stream.linear.gather [hbm4b:s24+s5], $0xA0, $0x38;
	[tilespmem:$0x1E400] =	vst v63  }
0x6f: {  	_ =	swait.ge [sflag:s9], $0xA0  }
0x70: {  	[sflag:s9] =	ssyncset.done $0x0  }
0x71: {  	[sflag:s9] =	ssyncadd.s32 $0xFFFFFF60  }
0x72: {  	[tilespmem:s7], [sflag:$0x1] =	stream.indirect.gather [hbm4b:s2+s13], $0x80, s5, s13, $0xb8;
	[tilespmem:$0x1E400] =	vst v63  }
0x73: {  	_ =	swait.ge [sflag:s26], $0x5000  }
0x74: {  	[sflag:s26] =	ssyncset.done $0x0  }
0x75: {  	[sflag:s26] =	ssyncadd.s32 $0xFFFFB000  }
0x76: {  	[spmem:s3] =	stream.indirect.scatter.add.f32 [tilespmem:s17], [sflag:$0x2], $0x80, s16, s13, $0xb8;
	[tilespmem:$0x1E400] =	vst v63  }
0x77: {  	s4 =	sadd.s32 $0x9C4, s4  }
0x78: {  	[tilespmem:s15], [sflag:$0x3] =	stream.linear.gather [hbm4b:s4+s5], $0xA0, $0x38;
	[tilespmem:$0x1E400] =	vst v63  }
0x79: {  	_ =	swait.ge [sflag:s9], $0xA0  }
0x7a: {  	[sflag:s9] =	ssyncset.done $0x0  }
0x7b: {  	[sflag:s9] =	ssyncadd.s32 $0xFFFFFF60  }
0x7c: {  	_ =	swait.ge [sflag:s26], $0x5000  }
0x7d: {  	[sflag:s26] =	ssyncset.done $0x0  }
0x7e: {  	s24 =	sadd.s32 $0x9C4, s8;
	[sflag:s26] =	ssyncadd.s32 $0xFFFFB000  }
0x7f: {  	[tilespmem:s16], [sflag:$0x3] =	stream.linear.gather [hbm4b:s24+s5], $0xA0, $0x38;
	[tilespmem:$0x1E400] =	vst v63  }
0x80: {  	_ =	swait.ge [sflag:s9], $0xA0  }
0x81: {  	[sflag:s9] =	ssyncset.done $0x0  }
0x82: {  	s23 =	simm.s32 $0xFFFFF6A0;
	[sflag:s9] =	ssyncadd.s32 $0xFFFFFF60  }
.LBB2_17:
0x83: {  	[tilespmem:s17], [sflag:$0x2] =	stream.indirect.gather [hbm4b:s2+s13], $0x80, s15, s13, $0xb8;
	[tilespmem:$0x1E400] =	vst v63  }
0x84: {  	s4 =	smov.u32 s23  }
0x85: {  	p1 =	sne.s32 s23, $0xFFFFFFD8;
	s23 =	sadd.s32 $0x28, s23;
	_ =	swait.ge [sflag:s18], $0x5000  }
0x86: {  	[sflag:s18] =	ssyncset.done $0x0  }
0x87: {  	s8 =	sadd.s32 s4, s22;
	[sflag:s18] =	ssyncadd.s32 $0xFFFFB000  }
0x88: {  	[spmem:s3] =	stream.indirect.scatter.add.f32 [tilespmem:s7], [sflag:$0x1], $0x80, s11, s13, $0xb8;
	[tilespmem:$0x1E400] =	vst v63  }
0x89: {  	s24 =	sadd.s32 $0x9B0, s8  }
0x8a: {  	[tilespmem:s5], [sflag:$0x3] =	stream.linear.gather [hbm4b:s24+s5], $0xA0, $0x38;
	[tilespmem:$0x1E400] =	vst v63  }
0x8b: {  	_ =	swait.ge [sflag:s9], $0xA0  }
0x8c: {  	[sflag:s9] =	ssyncset.done $0x0  }
0x8d: {  	[sflag:s9] =	ssyncadd.s32 $0xFFFFFF60  }
0x8e: {  	_ =	swait.ge [sflag:s18], $0x5000  }
0x8f: {  	s4 =	sadd.s32 s4, s21;
	[sflag:s18] =	ssyncset.done $0x0  }
0x90: {  	s24 =	sadd.s32 $0x9B0, s4;
	[sflag:s18] =	ssyncadd.s32 $0xFFFFB000  }
0x91: {  	[tilespmem:s11], [sflag:$0x3] =	stream.linear.gather [hbm4b:s24+s5], $0xA0, $0x38;
	[tilespmem:$0x1E400] =	vst v63  }
0x92: {  	_ =	swait.ge [sflag:s9], $0xA0  }
0x93: {  	[sflag:s9] =	ssyncset.done $0x0  }
0x94: {  	[sflag:s9] =	ssyncadd.s32 $0xFFFFFF60  }
0x95: {  	[tilespmem:s7], [sflag:$0x1] =	stream.indirect.gather [hbm4b:s2+s13], $0x80, s5, s13, $0xb8;
	[tilespmem:$0x1E400] =	vst v63  }
0x96: {  	_ =	swait.ge [sflag:s26], $0x5000  }
0x97: {  	[sflag:s26] =	ssyncset.done $0x0  }
0x98: {  	[sflag:s26] =	ssyncadd.s32 $0xFFFFB000  }
0x99: {  	[spmem:s3] =	stream.indirect.scatter.add.f32 [tilespmem:s17], [sflag:$0x2], $0x80, s16, s13, $0xb8;
	[tilespmem:$0x1E400] =	vst v63  }
0x9a: {  	s8 =	sadd.s32 $0x9C4, s8  }
0x9b: {  	[tilespmem:s15], [sflag:$0x3] =	stream.linear.gather [hbm4b:s8+s5], $0xA0, $0x38;
	[tilespmem:$0x1E400] =	vst v63  }
0x9c: {  	_ =	swait.ge [sflag:s9], $0xA0  }
0x9d: {  	[sflag:s9] =	ssyncset.done $0x0  }
0x9e: {  	[sflag:s9] =	ssyncadd.s32 $0xFFFFFF60  }
0x9f: {  	_ =	swait.ge [sflag:s26], $0x5000  }
0xa0: {  	[sflag:s26] =	ssyncset.done $0x0  }
.Ltmp4:
0xa1: {  	s4 =	sadd.s32 $0x9C4, s4;
	[sflag:s26] =	ssyncadd.s32 $0xFFFFB000;
	(pc) =	sbr.rel @p1 .LBB2_17-.Ltmp4, $4  }
0xa2: {  	[tilespmem:s16], [sflag:$0x3] =	stream.linear.gather [hbm4b:s4+s5], $0xA0, $0x38;
	[tilespmem:$0x1E400] =	vst v63  }
0xa3: {  	_ =	swait.ge [sflag:s9], $0xA0  }
0xa4: {  	[sflag:s9] =	ssyncset.done $0x0  }
0xa5: {  	[sflag:s9] =	ssyncadd.s32 $0xFFFFFF60  }
0xa6: {  	[tilespmem:s17], [sflag:$0x2] =	stream.indirect.gather [hbm4b:s2+s13], $0x80, s15, s13, $0xb8;
	[tilespmem:$0x1E400] =	vst v63  }
0xa7: {  	_ =	swait.ge [sflag:s18], $0x5000  }
0xa8: {  	[sflag:s18] =	ssyncset.done $0x0  }
0xa9: {  	[sflag:s18] =	ssyncadd.s32 $0xFFFFB000  }
0xaa: {  	[spmem:s3] =	stream.indirect.scatter.add.f32 [tilespmem:s7], [sflag:$0x1], $0x80, s11, s13, $0xb8;
	[tilespmem:$0x1E400] =	vst v63  }
0xab: {  	s4 =	simm.s32 $0x0;
	s8 =	rddreg [dreg:$0xd]  }
0xac: {  	[tilespmem:s4], [sflag:$0x3] =	stream.linear.gather [hbm4b:s8+s4], $0xA0, $0x38;
	[tilespmem:$0x1E400] =	vst v63  }
0xad: {  	_ =	swait.ge [sflag:s9], $0xA0  }
0xae: {  	[sflag:s9] =	ssyncset.done $0x0  }
0xaf: {  	[sflag:s9] =	ssyncadd.s32 $0xFFFFFF60  }
0xb0: {  	_ =	swait.ge [sflag:s18], $0x5000  }
0xb1: {  	[sflag:s18] =	ssyncset.done $0x0  }
0xb2: {  	s23 =	rddreg [dreg:$0xe];
	[sflag:s18] =	ssyncadd.s32 $0xFFFFB000  }
0xb3: {  	[tilespmem:s11], [sflag:$0x3] =	stream.linear.gather [hbm4b:s23+s4], $0xA0, $0x38;
	[tilespmem:$0x1E400] =	vst v63  }
0xb4: {  	_ =	swait.ge [sflag:s9], $0xA0  }
0xb5: {  	[sflag:s9] =	ssyncset.done $0x0  }
0xb6: {  	[sflag:s9] =	ssyncadd.s32 $0xFFFFFF60  }
0xb7: {  	[tilespmem:s7], [sflag:$0x1] =	stream.indirect.gather [hbm4b:s2+s13], $0x80, s4, s13, $0xb8;
	[tilespmem:$0x1E400] =	vst v63  }
0xb8: {  	_ =	swait.ge [sflag:s26], $0x5000  }
0xb9: {  	[sflag:s26] =	ssyncset.done $0x0  }
0xba: {  	[sflag:s26] =	ssyncadd.s32 $0xFFFFB000  }
0xbb: {  	[spmem:s3] =	stream.indirect.scatter.add.f32 [tilespmem:s17], [sflag:$0x2], $0x80, s16, s13, $0xb8;
	[tilespmem:$0x1E400] =	vst v63  }
0xbc: {  	_ =	swait.ge [sflag:s26], $0x5000  }
0xbd: {  	[sflag:s26] =	ssyncset.done $0x0  }
0xbe: {  	[sflag:s26] =	ssyncadd.s32 $0xFFFFB000  }
0xbf: {  	_ =	swait.ge [sflag:s18], $0x5000  }
0xc0: {  	[sflag:s18] =	ssyncset.done $0x0  }
0xc1: {  	[sflag:s18] =	ssyncadd.s32 $0xFFFFB000  }
0xc2: {  	[spmem:s3] =	stream.indirect.scatter.add.f32 [tilespmem:s7], [sflag:$0x3], $0x80, s11, s13, $0xb8;
	[tilespmem:$0x1E400] =	vst v63  }
0xc3: {  	_ =	swait.ge [sflag:s9], $0x5000  }
0xc4: {  	[sflag:s9] =	ssyncset.done $0x0  }
0xc5: {  	s24 =	stileid.u32;
	[sflag:s9] =	ssyncadd.s32 $0xFFFFB000  }
0xc6: {  	s4 =	sshll.u32 s24, $0x6;
	[bflag:$0x0] =	sbarrier.arrive $0xFFFF  }
0xc7: {  	s8 =	sshrl.u32 s25, $0x3;
	s23 =	sor.u32 $0x1C03, s4;
	s24 =	rddreg [dreg:$0x12]  }
0xc8: {  	[hbm:s24], [sflag:s23] =	dma.local [spmem:s8], $0x2800  }
0xc9: {  	_ =	swait.ge [sflag:s9], $0x2800  }
0xca: {  	[sflag:s9] =	ssyncset.done $0x0  }
0xcb: {  	[sflag:s9] =	ssyncadd.s32 $0xFFFFD800  }
0xcc: {  	s4 =	simm.s32 $0x200;
	s24 =	simm.s32 $0x0;
	[bflag:$0x0] =	sbarrier.arrive $0xFFFF  }
.LBB2_19:
0xcd: {  	p1 =	sne.s32 s4, $0x13E00;
	[tilespmem:s24+$0x470] =	vst v0  }
0xce: {  	[tilespmem:s24+$0x400] =	vst v0  }
0xcf: {  	[tilespmem:s24+$0x410] =	vst v0  }
.Ltmp5:
0xd0: {  	[tilespmem:s24+$0x420] =	vst v0;
	(pc) =	sbr.rel @p1 .LBB2_19-.Ltmp5, $4  }
0xd1: {  	[tilespmem:s24+$0x430] =	vst v0  }
0xd2: {  	[tilespmem:s24+$0x440] =	vst v0  }
0xd3: {  	[tilespmem:s24+$0x450] =	vst v0  }
0xd4: {  	[tilespmem:s24+$0x460] =	vst v0;
	s24 =	sshra.s32 s4, $0x2;
	s4 =	sadd.s32 $0x200, s4  }
0xd5: {  	[tilespmem:s24+$0x470] =	vst v0  }
0xd6: {  	[tilespmem:s24+$0x400] =	vst v0  }
0xd7: {  	[tilespmem:s24+$0x410] =	vst v0  }
0xd8: {  	[tilespmem:s24+$0x420] =	vst v0  }
0xd9: {  	[tilespmem:s24+$0x430] =	vst v0  }
0xda: {  	[tilespmem:s24+$0x440] =	vst v0  }
0xdb: {  	[tilespmem:s24+$0x450] =	vst v0  }
0xdc: {  	[tilespmem:s24+$0x460] =	vst v0  }
0xdd: {  	[spmem:s25] =	stream.linear.scatter [tilespmem:s7], [sflag:$0x3], $0x5000, $0x38;
	[tilespmem:$0x1E400] =	vst v63  }
0xde: {  	_ =	swait.ge [sflag:s9], $0x5000  }
0xdf: {  	[sflag:s9] =	ssyncset.done $0x0  }
0xe0: {  	[sflag:s9] =	ssyncadd.s32 $0xFFFFB000  }
0xe1: {  	[spmem:s30] =	stream.linear.scatter [tilespmem:s7], [sflag:$0x3], $0x5000, $0x38;
	[tilespmem:$0x1E400] =	vst v63  }
0xe2: {  	_ =	swait.ge [sflag:s9], $0x5000  }
0xe3: {  	[sflag:s9] =	ssyncset.done $0x0  }
0xe4: {  	[sflag:s9] =	ssyncadd.s32 $0xFFFFB000  }
0xe5: {  	[spmem:s31] =	stream.linear.scatter [tilespmem:s7], [sflag:$0x3], $0x5000, $0x38;
	[tilespmem:$0x1E400] =	vst v63  }
0xe6: {  	_ =	swait.ge [sflag:s9], $0x5000  }
0xe7: {  	[sflag:s9] =	ssyncset.done $0x0  }
0xe8: {  	[sflag:s9] =	ssyncadd.s32 $0xFFFFB000  }
0xe9: {  	[spmem:s0] =	stream.linear.scatter [tilespmem:s7], [sflag:$0x3], $0x5000, $0x38;
	[tilespmem:$0x1E400] =	vst v63  }
0xea: {  	_ =	swait.ge [sflag:s9], $0x5000  }
0xeb: {  	[sflag:s9] =	ssyncset.done $0x0  }
0xec: {  	[sflag:s9] =	ssyncadd.s32 $0xFFFFB000  }
0xed: {  	s24 =	simm.s32 $0x0;
	s4 =	simm.s32 $0x200;
	[bflag:$0x0] =	sbarrier.arrive $0xFFFF  }
.LBB2_21:
0xee: {  	p1 =	sne.s32 s4, $0x13E00;
	[tilespmem:s24+$0x470] =	vst v1  }
0xef: {  	[tilespmem:s24+$0x400] =	vst v1  }
0xf0: {  	[tilespmem:s24+$0x410] =	vst v1  }
.Ltmp6:
0xf1: {  	[tilespmem:s24+$0x420] =	vst v1;
	(pc) =	sbr.rel @p1 .LBB2_21-.Ltmp6, $4  }
0xf2: {  	[tilespmem:s24+$0x430] =	vst v1  }
0xf3: {  	[tilespmem:s24+$0x440] =	vst v1  }
0xf4: {  	[tilespmem:s24+$0x450] =	vst v1  }
0xf5: {  	[tilespmem:s24+$0x460] =	vst v1;
	s24 =	sshra.s32 s4, $0x2;
	s4 =	sadd.s32 $0x200, s4  }
0xf6: {  	[tilespmem:s24+$0x470] =	vst v1  }
0xf7: {  	[tilespmem:s24+$0x400] =	vst v1  }
0xf8: {  	[tilespmem:s24+$0x410] =	vst v1  }
0xf9: {  	[tilespmem:s24+$0x420] =	vst v1  }
0xfa: {  	[tilespmem:s24+$0x430] =	vst v1  }
0xfb: {  	[tilespmem:s24+$0x440] =	vst v1  }
0xfc: {  	[tilespmem:s24+$0x450] =	vst v1  }
0xfd: {  	[tilespmem:s24+$0x460] =	vst v1  }
0xfe: {  	[tilespmem:s11], [sflag:$0x3] =	stream.linear.gather [hbm4b:s12+s5], $0xA0, $0x38;
	[tilespmem:$0x1E400] =	vst v63  }
0xff: {  	_ =	swait.ge [sflag:s9], $0xA0  }
0x100: {  	[sflag:s9] =	ssyncset.done $0x0  }
0x101: {  	[sflag:s9] =	ssyncadd.s32 $0xFFFFFF60  }
0x102: {  	[spmem:s3] =	stream.indirect.scatter.add.f32 [tilespmem:s7], [sflag:$0x1], $0x80, s11, s13, $0xb8;
	[tilespmem:$0x1E400] =	vst v63  }
0x103: {  	_ = 	snop  }
0x104: {  	[tilespmem:s16], [sflag:$0x3] =	stream.linear.gather [hbm4b:s14+s5], $0xA0, $0x38;
	[tilespmem:$0x1E400] =	vst v63  }
0x105: {  	_ =	swait.ge [sflag:s9], $0xA0  }
0x106: {  	[sflag:s9] =	ssyncset.done $0x0  }
0x107: {  	s24 =	simm.s32 $0xFFFFF678;
	[sflag:s9] =	ssyncadd.s32 $0xFFFFFF60  }
0x108: {  	[spmem:s3] =	stream.indirect.scatter.add.f32 [tilespmem:s7], [sflag:$0x2], $0x80, s16, s13, $0xb8;
	[tilespmem:$0x1E400] =	vst v63  }
.LBB2_23:
0x109: {  	_ =	swait.ge [sflag:s18], $0x5000  }
0x10a: {  	s4 =	sadd.s32 s24, s21;
	[sflag:s18] =	ssyncset.done $0x0  }
0x10b: {  	p1 =	seq.s32 s24, $0x0;
	s8 =	sadd.s32 $0x9B0, s4;
	[sflag:s18] =	ssyncadd.s32 $0xFFFFB000  }
0x10c: {  	[tilespmem:s11], [sflag:$0x3] =	stream.linear.gather [hbm4b:s8+s5], $0xA0, $0x38;
	[tilespmem:$0x1E400] =	vst v63  }
.Ltmp7:
0x10d: {  	_ = 	snop;
	(pc) =	sbr.rel @p1 .LBB2_24-.Ltmp7, $4  }
0x10e: {  	_ =	swait.ge [sflag:s9], $0xA0  }
0x10f: {  	[sflag:s9] =	ssyncset.done $0x0  }
0x110: {  	[sflag:s9] =	ssyncadd.s32 $0xFFFFFF60  }
0x111: {  	[spmem:s3] =	stream.indirect.scatter.add.f32 [tilespmem:s7], [sflag:$0x1], $0x80, s11, s13, $0xb8;
	[tilespmem:$0x1E400] =	vst v63  }
0x112: {  	_ =	swait.ge [sflag:s26], $0x5000  }
0x113: {  	[sflag:s26] =	ssyncset.done $0x0  }
0x114: {  	s4 =	sadd.s32 $0x9C4, s4;
	[sflag:s26] =	ssyncadd.s32 $0xFFFFB000  }
0x115: {  	[tilespmem:s16], [sflag:$0x3] =	stream.linear.gather [hbm4b:s4+s5], $0xA0, $0x38;
	[tilespmem:$0x1E400] =	vst v63  }
.Ltmp8:
0x116: {  	_ = 	snop;
	(pc) =	sbr.rel .LBB2_23-.Ltmp8, $4  }
0x117: {  	_ =	swait.ge [sflag:s9], $0xA0  }
0x118: {  	[sflag:s9] =	ssyncset.done $0x0  }
0x119: {  	s24 =	sadd.s32 $0x28, s24;
	[sflag:s9] =	ssyncadd.s32 $0xFFFFFF60  }
0x11a: {  	[spmem:s3] =	stream.indirect.scatter.add.f32 [tilespmem:s7], [sflag:$0x2], $0x80, s16, s13, $0xb8;
	[tilespmem:$0x1E400] =	vst v63  }
.LBB2_2:
0x11b: {  	s24 =	sadd.s32 $0x200, s5  }
.LBB2_3:
0x11c: {  	p1 =	seq.s32 s24, $0x13E00;
	[tilespmem:s23+$0x470] =	vst v0  }
0x11d: {  	[tilespmem:s23+$0x400] =	vst v0  }
0x11e: {  	[tilespmem:s23+$0x410] =	vst v0  }
.Ltmp9:
0x11f: {  	[tilespmem:s23+$0x420] =	vst v0;
	(pc) =	sbr.rel @!p1 .LBB2_3-.Ltmp9, $4  }
0x120: {  	[tilespmem:s23+$0x430] =	vst v0  }
0x121: {  	[tilespmem:s23+$0x440] =	vst v0  }
0x122: {  	[tilespmem:s23+$0x450] =	vst v0  }
0x123: {  	[tilespmem:s23+$0x460] =	vst v0;
	s23 =	sshra.s32 s24, $0x2;
	s24 =	sadd.s32 $0x200, s24  }
0x124: {  	[tilespmem:s23+$0x470] =	vst v0  }
0x125: {  	[tilespmem:s23+$0x400] =	vst v0  }
0x126: {  	[tilespmem:s23+$0x410] =	vst v0  }
0x127: {  	[tilespmem:s23+$0x420] =	vst v0  }
0x128: {  	[tilespmem:s23+$0x430] =	vst v0  }
0x129: {  	[tilespmem:s23+$0x440] =	vst v0  }
0x12a: {  	[tilespmem:s23+$0x450] =	vst v0  }
0x12b: {  	[tilespmem:s23+$0x460] =	vst v0  }
0x12c: {  	[spmem:s25] =	stream.linear.scatter [tilespmem:s7], [sflag:$0x3], $0x5000, $0x38;
	[tilespmem:$0x1E400] =	vst v63  }
0x12d: {  	_ =	swait.ge [sflag:s9], $0x5000  }
0x12e: {  	[sflag:s9] =	ssyncset.done $0x0  }
0x12f: {  	[sflag:s9] =	ssyncadd.s32 $0xFFFFB000  }
0x130: {  	[spmem:s30] =	stream.linear.scatter [tilespmem:s7], [sflag:$0x3], $0x5000, $0x38;
	[tilespmem:$0x1E400] =	vst v63  }
0x131: {  	_ =	swait.ge [sflag:s9], $0x5000  }
0x132: {  	[sflag:s9] =	ssyncset.done $0x0  }
0x133: {  	[sflag:s9] =	ssyncadd.s32 $0xFFFFB000  }
0x134: {  	[spmem:s31] =	stream.linear.scatter [tilespmem:s7], [sflag:$0x3], $0x5000, $0x38;
	[tilespmem:$0x1E400] =	vst v63  }
0x135: {  	_ =	swait.ge [sflag:s9], $0x5000  }
0x136: {  	[sflag:s9] =	ssyncset.done $0x0  }
0x137: {  	[sflag:s9] =	ssyncadd.s32 $0xFFFFB000  }
0x138: {  	[spmem:s0] =	stream.linear.scatter [tilespmem:s7], [sflag:$0x3], $0x5000, $0x38;
	[tilespmem:$0x1E400] =	vst v63  }
0x139: {  	_ =	swait.ge [sflag:s9], $0x5000  }
0x13a: {  	[sflag:s9] =	ssyncset.done $0x0  }
0x13b: {  	[sflag:s9] =	ssyncadd.s32 $0xFFFFB000  }
0x13c: {  	[bflag:$0x0] =	sbarrier.arrive $0xFFFF  }
0x13d: {  	s4 =	rddreg [dreg:$0x6]  }
0x13e: {  	[tilespmem:s5], [sflag:$0x3] =	stream.linear.gather [hbm4b:s4+s5], $0xA0, $0x38;
	[tilespmem:$0x1E400] =	vst v63  }
0x13f: {  	_ =	swait.ge [sflag:s9], $0xA0  }
0x140: {  	[sflag:s9] =	ssyncset.done $0x0  }
0x141: {  	s8 =	rddreg [dreg:$0x7];
	[sflag:s9] =	ssyncadd.s32 $0xFFFFFF60  }
0x142: {  	[tilespmem:s11], [sflag:$0x3] =	stream.linear.gather [hbm4b:s8+s5], $0xA0, $0x38;
	[tilespmem:$0x1E400] =	vst v63  }
0x143: {  	_ =	swait.ge [sflag:s9], $0xA0  }
0x144: {  	[sflag:s9] =	ssyncset.done $0x0  }
0x145: {  	[sflag:s9] =	ssyncadd.s32 $0xFFFFFF60  }
0x146: {  	[tilespmem:s7], [sflag:$0x1] =	stream.indirect.gather [hbm4b:s1+s13], $0x80, s5, s13, $0xb8;
	[tilespmem:$0x1E400] =	vst v63  }
0x147: {  	s23 =	rddreg [dreg:$0x8]  }
0x148: {  	[tilespmem:s15], [sflag:$0x3] =	stream.linear.gather [hbm4b:s23+s5], $0xA0, $0x38;
	[tilespmem:$0x1E400] =	vst v63  }
0x149: {  	_ =	swait.ge [sflag:s9], $0xA0  }
0x14a: {  	[sflag:s9] =	ssyncset.done $0x0  }
0x14b: {  	[sflag:s9] =	ssyncadd.s32 $0xFFFFFF60  }
0x14c: {  	[tilespmem:s16], [sflag:$0x3] =	stream.linear.gather [hbm4b:s10+s5], $0xA0, $0x38;
	[tilespmem:$0x1E400] =	vst v63  }
0x14d: {  	_ =	swait.ge [sflag:s9], $0xA0  }
0x14e: {  	[sflag:s9] =	ssyncset.done $0x0  }
0x14f: {  	[sflag:s9] =	ssyncadd.s32 $0xFFFFFF60  }
0x150: {  	[tilespmem:s17], [sflag:$0x2] =	stream.indirect.gather [hbm4b:s1+s13], $0x80, s15, s13, $0xb8;
	[tilespmem:$0x1E400] =	vst v63  }
0x151: {  	_ =	swait.ge [sflag:s18], $0x5000  }
0x152: {  	[sflag:s18] =	ssyncset.done $0x0  }
0x153: {  	s4 =	sadd.s32 $0xFFFFF678, s20;
	[sflag:s18] =	ssyncadd.s32 $0xFFFFB000  }
0x154: {  	[spmem:s3] =	stream.indirect.scatter.add.f32 [tilespmem:s7], [sflag:$0x1], $0x80, s11, s13, $0xb8;
	[tilespmem:$0x1E400] =	vst v63  }
0x155: {  	s24 =	sadd.s32 $0x9B0, s4  }
0x156: {  	[tilespmem:s5], [sflag:$0x3] =	stream.linear.gather [hbm4b:s24+s5], $0xA0, $0x38;
	[tilespmem:$0x1E400] =	vst v63  }
0x157: {  	_ =	swait.ge [sflag:s9], $0xA0  }
0x158: {  	[sflag:s9] =	ssyncset.done $0x0  }
0x159: {  	[sflag:s9] =	ssyncadd.s32 $0xFFFFFF60  }
0x15a: {  	_ =	swait.ge [sflag:s18], $0x5000  }
0x15b: {  	s8 =	sadd.s32 $0xFFFFF678, s19;
	[sflag:s18] =	ssyncset.done $0x0  }
0x15c: {  	s24 =	sadd.s32 $0x9B0, s8;
	[sflag:s18] =	ssyncadd.s32 $0xFFFFB000  }
0x15d: {  	[tilespmem:s11], [sflag:$0x3] =	stream.linear.gather [hbm4b:s24+s5], $0xA0, $0x38;
	[tilespmem:$0x1E400] =	vst v63  }
0x15e: {  	_ =	swait.ge [sflag:s9], $0xA0  }
0x15f: {  	[sflag:s9] =	ssyncset.done $0x0  }
0x160: {  	[sflag:s9] =	ssyncadd.s32 $0xFFFFFF60  }
0x161: {  	[tilespmem:s7], [sflag:$0x1] =	stream.indirect.gather [hbm4b:s1+s13], $0x80, s5, s13, $0xb8;
	[tilespmem:$0x1E400] =	vst v63  }
0x162: {  	_ =	swait.ge [sflag:s26], $0x5000  }
0x163: {  	[sflag:s26] =	ssyncset.done $0x0  }
0x164: {  	[sflag:s26] =	ssyncadd.s32 $0xFFFFB000  }
0x165: {  	[spmem:s3] =	stream.indirect.scatter.add.f32 [tilespmem:s17], [sflag:$0x2], $0x80, s16, s13, $0xb8;
	[tilespmem:$0x1E400] =	vst v63  }
0x166: {  	s4 =	sadd.s32 $0x9C4, s4  }
0x167: {  	[tilespmem:s15], [sflag:$0x3] =	stream.linear.gather [hbm4b:s4+s5], $0xA0, $0x38;
	[tilespmem:$0x1E400] =	vst v63  }
0x168: {  	_ =	swait.ge [sflag:s9], $0xA0  }
0x169: {  	[sflag:s9] =	ssyncset.done $0x0  }
0x16a: {  	[sflag:s9] =	ssyncadd.s32 $0xFFFFFF60  }
0x16b: {  	_ =	swait.ge [sflag:s26], $0x5000  }
0x16c: {  	[sflag:s26] =	ssyncset.done $0x0  }
0x16d: {  	s24 =	sadd.s32 $0x9C4, s8;
	[sflag:s26] =	ssyncadd.s32 $0xFFFFB000  }
0x16e: {  	[tilespmem:s16], [sflag:$0x3] =	stream.linear.gather [hbm4b:s24+s5], $0xA0, $0x38;
	[tilespmem:$0x1E400] =	vst v63  }
0x16f: {  	_ =	swait.ge [sflag:s9], $0xA0  }
0x170: {  	[sflag:s9] =	ssyncset.done $0x0  }
0x171: {  	s23 =	simm.s32 $0xFFFFF6A0;
	[sflag:s9] =	ssyncadd.s32 $0xFFFFFF60  }
.LBB2_5:
0x172: {  	[tilespmem:s17], [sflag:$0x2] =	stream.indirect.gather [hbm4b:s1+s13], $0x80, s15, s13, $0xb8;
	[tilespmem:$0x1E400] =	vst v63  }
0x173: {  	s4 =	smov.u32 s23  }
0x174: {  	p1 =	sne.s32 s23, $0xFFFFFFD8;
	s23 =	sadd.s32 $0x28, s23;
	_ =	swait.ge [sflag:s18], $0x5000  }
0x175: {  	[sflag:s18] =	ssyncset.done $0x0  }
0x176: {  	s24 =	sadd.s32 s4, s20;
	[sflag:s18] =	ssyncadd.s32 $0xFFFFB000  }
0x177: {  	[spmem:s3] =	stream.indirect.scatter.add.f32 [tilespmem:s7], [sflag:$0x1], $0x80, s11, s13, $0xb8;
	[tilespmem:$0x1E400] =	vst v63  }
0x178: {  	s8 =	sadd.s32 $0x9B0, s24  }
0x179: {  	[tilespmem:s5], [sflag:$0x3] =	stream.linear.gather [hbm4b:s8+s5], $0xA0, $0x38;
	[tilespmem:$0x1E400] =	vst v63  }
0x17a: {  	_ =	swait.ge [sflag:s9], $0xA0  }
0x17b: {  	[sflag:s9] =	ssyncset.done $0x0  }
0x17c: {  	[sflag:s9] =	ssyncadd.s32 $0xFFFFFF60  }
0x17d: {  	_ =	swait.ge [sflag:s18], $0x5000  }
0x17e: {  	s4 =	sadd.s32 s4, s19;
	[sflag:s18] =	ssyncset.done $0x0  }
0x17f: {  	s8 =	sadd.s32 $0x9B0, s4;
	[sflag:s18] =	ssyncadd.s32 $0xFFFFB000  }
0x180: {  	[tilespmem:s11], [sflag:$0x3] =	stream.linear.gather [hbm4b:s8+s5], $0xA0, $0x38;
	[tilespmem:$0x1E400] =	vst v63  }
0x181: {  	_ =	swait.ge [sflag:s9], $0xA0  }
0x182: {  	[sflag:s9] =	ssyncset.done $0x0  }
0x183: {  	[sflag:s9] =	ssyncadd.s32 $0xFFFFFF60  }
0x184: {  	[tilespmem:s7], [sflag:$0x1] =	stream.indirect.gather [hbm4b:s1+s13], $0x80, s5, s13, $0xb8;
	[tilespmem:$0x1E400] =	vst v63  }
0x185: {  	_ =	swait.ge [sflag:s26], $0x5000  }
0x186: {  	[sflag:s26] =	ssyncset.done $0x0  }
0x187: {  	[sflag:s26] =	ssyncadd.s32 $0xFFFFB000  }
0x188: {  	[spmem:s3] =	stream.indirect.scatter.add.f32 [tilespmem:s17], [sflag:$0x2], $0x80, s16, s13, $0xb8;
	[tilespmem:$0x1E400] =	vst v63  }
0x189: {  	s8 =	sadd.s32 $0x9C4, s24  }
0x18a: {  	[tilespmem:s15], [sflag:$0x3] =	stream.linear.gather [hbm4b:s8+s5], $0xA0, $0x38;
	[tilespmem:$0x1E400] =	vst v63  }
0x18b: {  	_ =	swait.ge [sflag:s9], $0xA0  }
0x18c: {  	[sflag:s9] =	ssyncset.done $0x0  }
0x18d: {  	[sflag:s9] =	ssyncadd.s32 $0xFFFFFF60  }
0x18e: {  	_ =	swait.ge [sflag:s26], $0x5000  }
0x18f: {  	[sflag:s26] =	ssyncset.done $0x0  }
.Ltmp10:
0x190: {  	s4 =	sadd.s32 $0x9C4, s4;
	[sflag:s26] =	ssyncadd.s32 $0xFFFFB000;
	(pc) =	sbr.rel @p1 .LBB2_5-.Ltmp10, $4  }
0x191: {  	[tilespmem:s16], [sflag:$0x3] =	stream.linear.gather [hbm4b:s4+s5], $0xA0, $0x38;
	[tilespmem:$0x1E400] =	vst v63  }
0x192: {  	_ =	swait.ge [sflag:s9], $0xA0  }
0x193: {  	[sflag:s9] =	ssyncset.done $0x0  }
0x194: {  	[sflag:s9] =	ssyncadd.s32 $0xFFFFFF60  }
0x195: {  	[tilespmem:s17], [sflag:$0x2] =	stream.indirect.gather [hbm4b:s1+s13], $0x80, s15, s13, $0xb8;
	[tilespmem:$0x1E400] =	vst v63  }
0x196: {  	_ =	swait.ge [sflag:s18], $0x5000  }
0x197: {  	[sflag:s18] =	ssyncset.done $0x0  }
0x198: {  	[sflag:s18] =	ssyncadd.s32 $0xFFFFB000  }
0x199: {  	[spmem:s3] =	stream.indirect.scatter.add.f32 [tilespmem:s7], [sflag:$0x1], $0x80, s11, s13, $0xb8;
	[tilespmem:$0x1E400] =	vst v63  }
0x19a: {  	s4 =	simm.s32 $0x0;
	s8 =	rddreg [dreg:$0xb]  }
0x19b: {  	[tilespmem:s4], [sflag:$0x3] =	stream.linear.gather [hbm4b:s8+s4], $0xA0, $0x38;
	[tilespmem:$0x1E400] =	vst v63  }
0x19c: {  	_ =	swait.ge [sflag:s9], $0xA0  }
0x19d: {  	[sflag:s9] =	ssyncset.done $0x0  }
0x19e: {  	[sflag:s9] =	ssyncadd.s32 $0xFFFFFF60  }
0x19f: {  	_ =	swait.ge [sflag:s18], $0x5000  }
0x1a0: {  	[sflag:s18] =	ssyncset.done $0x0  }
0x1a1: {  	s23 =	rddreg [dreg:$0xc];
	[sflag:s18] =	ssyncadd.s32 $0xFFFFB000  }
0x1a2: {  	[tilespmem:s11], [sflag:$0x3] =	stream.linear.gather [hbm4b:s23+s4], $0xA0, $0x38;
	[tilespmem:$0x1E400] =	vst v63  }
0x1a3: {  	_ =	swait.ge [sflag:s9], $0xA0  }
0x1a4: {  	[sflag:s9] =	ssyncset.done $0x0  }
0x1a5: {  	[sflag:s9] =	ssyncadd.s32 $0xFFFFFF60  }
0x1a6: {  	[tilespmem:s7], [sflag:$0x1] =	stream.indirect.gather [hbm4b:s1+s13], $0x80, s4, s13, $0xb8;
	[tilespmem:$0x1E400] =	vst v63  }
0x1a7: {  	_ =	swait.ge [sflag:s26], $0x5000  }
0x1a8: {  	[sflag:s26] =	ssyncset.done $0x0  }
0x1a9: {  	[sflag:s26] =	ssyncadd.s32 $0xFFFFB000  }
0x1aa: {  	[spmem:s3] =	stream.indirect.scatter.add.f32 [tilespmem:s17], [sflag:$0x2], $0x80, s16, s13, $0xb8;
	[tilespmem:$0x1E400] =	vst v63  }
0x1ab: {  	_ =	swait.ge [sflag:s26], $0x5000  }
0x1ac: {  	[sflag:s26] =	ssyncset.done $0x0  }
0x1ad: {  	[sflag:s26] =	ssyncadd.s32 $0xFFFFB000  }
0x1ae: {  	_ =	swait.ge [sflag:s18], $0x5000  }
0x1af: {  	[sflag:s18] =	ssyncset.done $0x0  }
0x1b0: {  	[sflag:s18] =	ssyncadd.s32 $0xFFFFB000  }
0x1b1: {  	[spmem:s3] =	stream.indirect.scatter.add.f32 [tilespmem:s7], [sflag:$0x3], $0x80, s11, s13, $0xb8;
	[tilespmem:$0x1E400] =	vst v63  }
0x1b2: {  	_ =	swait.ge [sflag:s9], $0x5000  }
0x1b3: {  	[sflag:s9] =	ssyncset.done $0x0  }
0x1b4: {  	s24 =	stileid.u32;
	[sflag:s9] =	ssyncadd.s32 $0xFFFFB000  }
0x1b5: {  	s4 =	sshll.u32 s24, $0x6;
	[bflag:$0x0] =	sbarrier.arrive $0xFFFF  }
0x1b6: {  	s8 =	sshrl.u32 s25, $0x3;
	s23 =	sor.u32 $0x1C03, s4;
	s24 =	rddreg [dreg:$0x11]  }
0x1b7: {  	[hbm:s24], [sflag:s23] =	dma.local [spmem:s8], $0x2800  }
0x1b8: {  	_ =	swait.ge [sflag:s9], $0x2800  }
0x1b9: {  	[sflag:s9] =	ssyncset.done $0x0  }
0x1ba: {  	[sflag:s9] =	ssyncadd.s32 $0xFFFFD800  }
0x1bb: {  	s4 =	simm.s32 $0x200;
	s24 =	simm.s32 $0x0;
	[bflag:$0x0] =	sbarrier.arrive $0xFFFF  }
.LBB2_7:
0x1bc: {  	p1 =	sne.s32 s4, $0x13E00;
	[tilespmem:s24+$0x470] =	vst v0  }
0x1bd: {  	[tilespmem:s24+$0x400] =	vst v0  }
0x1be: {  	[tilespmem:s24+$0x410] =	vst v0  }
.Ltmp11:
0x1bf: {  	[tilespmem:s24+$0x420] =	vst v0;
	(pc) =	sbr.rel @p1 .LBB2_7-.Ltmp11, $4  }
0x1c0: {  	[tilespmem:s24+$0x430] =	vst v0  }
0x1c1: {  	[tilespmem:s24+$0x440] =	vst v0  }
0x1c2: {  	[tilespmem:s24+$0x450] =	vst v0  }
0x1c3: {  	[tilespmem:s24+$0x460] =	vst v0;
	s24 =	sshra.s32 s4, $0x2;
	s4 =	sadd.s32 $0x200, s4  }
0x1c4: {  	[tilespmem:s24+$0x470] =	vst v0  }
0x1c5: {  	[tilespmem:s24+$0x400] =	vst v0  }
0x1c6: {  	[tilespmem:s24+$0x410] =	vst v0  }
0x1c7: {  	[tilespmem:s24+$0x420] =	vst v0  }
0x1c8: {  	[tilespmem:s24+$0x430] =	vst v0  }
0x1c9: {  	[tilespmem:s24+$0x440] =	vst v0  }
0x1ca: {  	[tilespmem:s24+$0x450] =	vst v0  }
0x1cb: {  	[tilespmem:s24+$0x460] =	vst v0  }
0x1cc: {  	[spmem:s25] =	stream.linear.scatter [tilespmem:s7], [sflag:$0x3], $0x5000, $0x38;
	[tilespmem:$0x1E400] =	vst v63  }
0x1cd: {  	_ =	swait.ge [sflag:s9], $0x5000  }
0x1ce: {  	[sflag:s9] =	ssyncset.done $0x0  }
0x1cf: {  	[sflag:s9] =	ssyncadd.s32 $0xFFFFB000  }
0x1d0: {  	[spmem:s30] =	stream.linear.scatter [tilespmem:s7], [sflag:$0x3], $0x5000, $0x38;
	[tilespmem:$0x1E400] =	vst v63  }
0x1d1: {  	_ =	swait.ge [sflag:s9], $0x5000  }
0x1d2: {  	[sflag:s9] =	ssyncset.done $0x0  }
0x1d3: {  	[sflag:s9] =	ssyncadd.s32 $0xFFFFB000  }
0x1d4: {  	[spmem:s31] =	stream.linear.scatter [tilespmem:s7], [sflag:$0x3], $0x5000, $0x38;
	[tilespmem:$0x1E400] =	vst v63  }
0x1d5: {  	_ =	swait.ge [sflag:s9], $0x5000  }
0x1d6: {  	[sflag:s9] =	ssyncset.done $0x0  }
0x1d7: {  	[sflag:s9] =	ssyncadd.s32 $0xFFFFB000  }
0x1d8: {  	[spmem:s0] =	stream.linear.scatter [tilespmem:s7], [sflag:$0x3], $0x5000, $0x38;
	[tilespmem:$0x1E400] =	vst v63  }
0x1d9: {  	_ =	swait.ge [sflag:s9], $0x5000  }
0x1da: {  	[sflag:s9] =	ssyncset.done $0x0  }
0x1db: {  	[sflag:s9] =	ssyncadd.s32 $0xFFFFB000  }
0x1dc: {  	s24 =	simm.s32 $0x0;
	s4 =	simm.s32 $0x200;
	[bflag:$0x0] =	sbarrier.arrive $0xFFFF  }
.LBB2_9:
0x1dd: {  	p1 =	sne.s32 s4, $0x13E00;
	[tilespmem:s24+$0x470] =	vst v1  }
0x1de: {  	[tilespmem:s24+$0x400] =	vst v1  }
0x1df: {  	[tilespmem:s24+$0x410] =	vst v1  }
.Ltmp12:
0x1e0: {  	[tilespmem:s24+$0x420] =	vst v1;
	(pc) =	sbr.rel @p1 .LBB2_9-.Ltmp12, $4  }
0x1e1: {  	[tilespmem:s24+$0x430] =	vst v1  }
0x1e2: {  	[tilespmem:s24+$0x440] =	vst v1  }
0x1e3: {  	[tilespmem:s24+$0x450] =	vst v1  }
0x1e4: {  	[tilespmem:s24+$0x460] =	vst v1;
	s24 =	sshra.s32 s4, $0x2;
	s4 =	sadd.s32 $0x200, s4  }
0x1e5: {  	[tilespmem:s24+$0x470] =	vst v1  }
0x1e6: {  	[tilespmem:s24+$0x400] =	vst v1  }
0x1e7: {  	[tilespmem:s24+$0x410] =	vst v1  }
0x1e8: {  	[tilespmem:s24+$0x420] =	vst v1  }
0x1e9: {  	[tilespmem:s24+$0x430] =	vst v1  }
0x1ea: {  	[tilespmem:s24+$0x440] =	vst v1  }
0x1eb: {  	[tilespmem:s24+$0x450] =	vst v1  }
0x1ec: {  	[tilespmem:s24+$0x460] =	vst v1;
	s4 =	rddreg [dreg:$0x7]  }
0x1ed: {  	[tilespmem:s11], [sflag:$0x3] =	stream.linear.gather [hbm4b:s4+s5], $0xA0, $0x38;
	[tilespmem:$0x1E400] =	vst v63  }
0x1ee: {  	_ =	swait.ge [sflag:s9], $0xA0  }
0x1ef: {  	[sflag:s9] =	ssyncset.done $0x0  }
0x1f0: {  	[sflag:s9] =	ssyncadd.s32 $0xFFFFFF60  }
0x1f1: {  	[spmem:s3] =	stream.indirect.scatter.add.f32 [tilespmem:s7], [sflag:$0x1], $0x80, s11, s13, $0xb8;
	[tilespmem:$0x1E400] =	vst v63  }
0x1f2: {  	_ = 	snop  }
0x1f3: {  	[tilespmem:s16], [sflag:$0x3] =	stream.linear.gather [hbm4b:s10+s5], $0xA0, $0x38;
	[tilespmem:$0x1E400] =	vst v63  }
0x1f4: {  	_ =	swait.ge [sflag:s9], $0xA0  }
0x1f5: {  	[sflag:s9] =	ssyncset.done $0x0  }
0x1f6: {  	s24 =	simm.s32 $0xFFFFF678;
	[sflag:s9] =	ssyncadd.s32 $0xFFFFFF60  }
0x1f7: {  	[spmem:s3] =	stream.indirect.scatter.add.f32 [tilespmem:s7], [sflag:$0x2], $0x80, s16, s13, $0xb8;
	[tilespmem:$0x1E400] =	vst v63  }
.LBB2_11:
0x1f8: {  	_ =	swait.ge [sflag:s18], $0x5000  }
0x1f9: {  	s4 =	sadd.s32 s24, s19;
	[sflag:s18] =	ssyncset.done $0x0  }
0x1fa: {  	p1 =	seq.s32 s24, $0x0;
	s8 =	sadd.s32 $0x9B0, s4;
	[sflag:s18] =	ssyncadd.s32 $0xFFFFB000  }
0x1fb: {  	[tilespmem:s11], [sflag:$0x3] =	stream.linear.gather [hbm4b:s8+s5], $0xA0, $0x38;
	[tilespmem:$0x1E400] =	vst v63  }
.Ltmp13:
0x1fc: {  	_ = 	snop;
	(pc) =	sbr.rel @p1 .LBB2_12-.Ltmp13, $4  }
0x1fd: {  	_ =	swait.ge [sflag:s9], $0xA0  }
0x1fe: {  	[sflag:s9] =	ssyncset.done $0x0  }
0x1ff: {  	[sflag:s9] =	ssyncadd.s32 $0xFFFFFF60  }
0x200: {  	[spmem:s3] =	stream.indirect.scatter.add.f32 [tilespmem:s7], [sflag:$0x1], $0x80, s11, s13, $0xb8;
	[tilespmem:$0x1E400] =	vst v63  }
0x201: {  	_ =	swait.ge [sflag:s26], $0x5000  }
0x202: {  	[sflag:s26] =	ssyncset.done $0x0  }
0x203: {  	s4 =	sadd.s32 $0x9C4, s4;
	[sflag:s26] =	ssyncadd.s32 $0xFFFFB000  }
0x204: {  	[tilespmem:s16], [sflag:$0x3] =	stream.linear.gather [hbm4b:s4+s5], $0xA0, $0x38;
	[tilespmem:$0x1E400] =	vst v63  }
.Ltmp14:
0x205: {  	_ = 	snop;
	(pc) =	sbr.rel .LBB2_11-.Ltmp14, $4  }
0x206: {  	_ =	swait.ge [sflag:s9], $0xA0  }
0x207: {  	[sflag:s9] =	ssyncset.done $0x0  }
0x208: {  	s24 =	sadd.s32 $0x28, s24;
	[sflag:s9] =	ssyncadd.s32 $0xFFFFFF60  }
0x209: {  	[spmem:s3] =	stream.indirect.scatter.add.f32 [tilespmem:s7], [sflag:$0x2], $0x80, s16, s13, $0xb8;
	[tilespmem:$0x1E400] =	vst v63  }
.LBB2_12:
.Ltmp15:
0x20a: {  	(pc) =	sbr.rel .LBB2_25-.Ltmp15, $2  }
0x20b: {  	_ =	sdelay $0x2  }
0x20c: {  	s4 =	rddreg [dreg:$0x10]  }
.LBB2_26:
0x20d: {  	_ =	sfence.sel $0x180000  }
0x20e: {  	[bflag:$0x0] =	sbarrier.arrive $0xFFFF  }
0x20f: {  	_ =	strace $0x90000047  }
0x210: {  	s0 =	stileid.u32;
	[bflag:$0x2] =	sbarrier.arrive $0xFFFF  }
0x211: {  	p0 =	sne.s32 s0, $0x0;
	s0 =	rddreg [dreg:$0x5]  }
0x212: {  	s0 =	sadd.s32 @!p0 $0x100000, s0  }
0x213: {  	[sflag:s0] =	ssyncadd.tile.s32 @!p0 $0x1;
	_ =	shalt  }
.Lfunc_end2:
_tile_overlayer_lowered:
.L_overlay_start_2:
0x214: {  	(tag) =	ssettag $0x2  }
0x215: {  	s0 =	rddreg [dreg:$0x0];
	s2 =	stileid.u32  }
0x216: {  	s1 =	rddreg [dreg:$0x1];
	p0 =	sne.s32 s2, $0x0  }
0x217: {  	s3 =	rddreg [dreg:$0x2];
	[bflag:$0x3] =	sbarrier.arrive $0xFFFF;
	s2 =	simm.s32 @!p0 $0x1C03  }
0x218: {  	[timem:s3], [sflag:s2] =	dma.local @!p0 [hbm:s0], s1  }
0x219: {  	s0 =	simm.s32 @!p0 $0x3  }
0x21a: {  	_ =	swait.ge @!p0 [sflag:s0], s1  }
0x21b: {  	s1 =	ssub.s32 @!p0 $0x0, s1;
	[sflag:s0] =	ssyncset.done @!p0 $0x0  }
0x21c: {  	[sflag:s0] =	ssyncadd.s32 @!p0 s1  }
0x21d: {  	[bflag:$0x3] =	sbarrier.arrive $0xFFFF  }
0x21e: {  	_ =	shalt  }

</sc_bundles>
